<compile_context>
chip_gen: v7x
topology: tpu7x:2x2x1
jax: 0.10.2.dev20260603
libtpu: 0.0.44.dev20260713+nightly
codegen_flags: <defaults>
</compile_context>

<pallas_src>
import functools

import jax
import jax.numpy as jnp
from jax import lax
from jax.experimental import pallas as pl
from jax.experimental.pallas import tpu as pltpu
from jax.experimental.pallas import tpu_sc as plsc

B = 16384
ID_V = 100001
EMB = 32
SEQ = 20
NW = 32
RPW = B // NW
NG = RPW // 16


def _sc_body(idx_hbm, tokT_hbm, idtabT_hbm, txttab_hbm, row0_hbm, outT_hbm,
             toks_v, ididx_v, gidx_v, idcols_v, acc_v, acc32_v, txtT_v,
             a_v, b_v, row0_v, sem_st, sem_id, sem_tx):
  c = lax.axis_index("c")
  s = lax.axis_index("s")
  base = (s * 2 + c) * RPW

  st_copies = [
      pltpu.make_async_copy(tokT_hbm.at[:, pl.ds(base, RPW)], toks_v,
                            sem_st),
      pltpu.make_async_copy(idx_hbm.at[pl.ds(base, RPW)], ididx_v, sem_st),
      pltpu.make_async_copy(row0_hbm, row0_v, sem_st),
  ]
  for cp in st_copies:
    cp.start()

  def _zero(r, _):
    acc_v[r] = jnp.zeros((EMB,), jnp.bfloat16)
    return _
  lax.fori_loop(0, RPW, _zero, None)

  for cp in st_copies:
    cp.wait()

  tx_copies = []
  for j in range(SEQ):
    cp = pltpu.make_async_copy(txttab_hbm.at[toks_v.at[j]], acc_v, sem_tx)
    cp.start(add=True)
    tx_copies.append(cp)

  def _gidx(g, _):
    r16 = pl.multiple_of(g * 16, 16)
    iv = ididx_v[pl.ds(r16, 16)]
    for cc in range(EMB):
      gidx_v[cc, pl.ds(r16, 16)] = iv + (cc * ID_V)
    return _
  lax.fori_loop(0, NG, _gidx, None)

  id_copies = []
  for cc in range(EMB):
    cp = pltpu.make_async_copy(
        idtabT_hbm.at[gidx_v.at[cc]], idcols_v.at[cc], sem_id)
    cp.start()
    id_copies.append(cp)

  one = jnp.ones((16,), jnp.float32)
  zero = jnp.zeros((16,), jnp.float32)

  def _count(g, _):
    r16 = pl.multiple_of(g * 16, 16)
    cnt = jnp.zeros((16,), jnp.float32)
    for j in range(SEQ):
      v = toks_v[j, pl.ds(r16, 16)]
      cnt = cnt + jnp.where(v != 0, one, zero)
    denom = jnp.maximum(cnt, 1.0)
    a_v[pl.ds(r16, 16)] = 1.0 / denom
    b_v[pl.ds(r16, 16)] = (float(SEQ) - cnt) / denom
    return _
  lax.fori_loop(0, NG, _count, None)

  for cp in tx_copies:
    cp.wait()

  hi_mask = jnp.full((16,), -65536, jnp.int32)

  def _widen(r, _):
    u = plsc.bitcast(acc_v[r], jnp.int32)
    acc32_v[r, pl.ds(0, 16)] = plsc.bitcast(u << 16, jnp.float32)
    acc32_v[r, pl.ds(16, 16)] = plsc.bitcast(u & hi_mask, jnp.float32)
    return _
  lax.fori_loop(0, RPW, _widen, None)

  r0_lo = row0_v[0, pl.ds(0, 16)]
  r0_hi = row0_v[0, pl.ds(16, 16)]
  lanes = lax.iota(jnp.int32, 16)

  def _scale(g, _):
    r16 = pl.multiple_of(g * 16, 16)
    rows = r16 + lanes
    avec = a_v[pl.ds(r16, 16)]
    bvec = b_v[pl.ds(r16, 16)]
    for cc in range(EMB):
      p = (cc // 2) if cc % 2 == 0 else 16 + cc // 2
      col = jnp.full((16,), p, jnp.int32)
      accv = plsc.load_gather(acc32_v, [rows, col])
      r0c = r0_lo[cc] if cc < 16 else r0_hi[cc - 16]
      txtT_v[cc, pl.ds(r16, 16)] = accv * avec - r0c * bvec
    return _
  lax.fori_loop(0, NG, _scale, None)

  wr_txt = pltpu.make_async_copy(
      txtT_v, outT_hbm.at[pl.ds(EMB, EMB), pl.ds(base, RPW)], sem_st)
  wr_txt.start()

  for cp in id_copies:
    cp.wait()
  wr_id = pltpu.make_async_copy(
      idcols_v, outT_hbm.at[pl.ds(0, EMB), pl.ds(base, RPW)], sem_st)
  wr_id.start()

  wr_txt.wait()
  wr_id.wait()


@functools.partial(jax.jit, static_argnums=())
def _run(jnrl_id_idx, tokT, idtabT_flat, txt16, row0):
  mesh = plsc.VectorSubcoreMesh(core_axis_name="c", subcore_axis_name="s")
  f = pl.kernel(
      _sc_body,
      out_type=jax.ShapeDtypeStruct((2 * EMB, B), jnp.float32),
      mesh=mesh,
      compiler_params=pltpu.CompilerParams(
          use_tc_tiling_on_sc=False, needs_layout_passes=False),
      scratch_types=[
          pltpu.VMEM((SEQ, RPW), jnp.int32),
          pltpu.VMEM((RPW,), jnp.int32),
          pltpu.VMEM((EMB, RPW), jnp.int32),
          pltpu.VMEM((EMB, RPW), jnp.float32),
          pltpu.VMEM((RPW, EMB), jnp.bfloat16),
          pltpu.VMEM((RPW, EMB), jnp.float32),
          pltpu.VMEM((EMB, RPW), jnp.float32),
          pltpu.VMEM((RPW,), jnp.float32),
          pltpu.VMEM((RPW,), jnp.float32),
          pltpu.VMEM((1, EMB), jnp.float32),
          pltpu.SemaphoreType.DMA,
          pltpu.SemaphoreType.DMA,
          pltpu.SemaphoreType.DMA,
      ],
  )
  outT = f(jnrl_id_idx, tokT, idtabT_flat, txt16, row0)
  return jnp.transpose(outT)


def kernel(jnrl_id_idx, text_token_ids, id_table, text_table):
  tokT = jnp.transpose(text_token_ids)
  idtabT_flat = jnp.transpose(id_table).reshape(-1)
  txt16 = text_table.astype(jnp.bfloat16)
  row0 = txt16[0:1].astype(jnp.float32)
  return _run(jnrl_id_idx, tokT, idtabT_flat, txt16, row0)

# --- scband reference (transcript-rebuilt; emitter-appended) ---
"""Pipeline reference for scband-journal-model-25374666785311 (READ-ONLY COPY).

The authoritative reference and input builder live on the scoring server;
editing this copy changes nothing except your own understanding.
"""

import jax, jax.numpy as jnp
import numpy as np

B = 16384
ID_VOCAB = 100001
TEXT_VOCAB = 10000
EMB = 32
SEQ = 20

def setup_inputs(seed: int = 0) -> dict:
    key = jax.random.key(seed)
    k1, k2, k3, k4 = jax.random.split(key, 4)
    jnrl_id_idx = jax.random.randint(k1, (B,), 0, ID_VOCAB, dtype=jnp.int64 if jax.config.jax_enable_x64 else jnp.int32).astype(jnp.int32)
    text_token_ids = jax.random.randint(k2, (B, SEQ), 0, TEXT_VOCAB).astype(jnp.int32)
    id_table = jax.random.normal(k3, (ID_VOCAB, EMB), dtype=jnp.float32) * 0.05
    text_table = jax.random.normal(k4, (TEXT_VOCAB, EMB), dtype=jnp.float32) * 0.05
    return {"jnrl_id_idx": jnrl_id_idx, "text_token_ids": text_token_ids, "id_table": id_table, "text_table": text_table}

def reference(jnrl_id_idx, text_token_ids, id_table, text_table):
    # Branch 1: StringLookup -> Embedding  (string lookup replaced by precomputed int ids)
    id_emb = jnp.take(id_table, jnrl_id_idx, axis=0)  # [B, EMB]
    # Branch 2: TextVectorization -> Embedding(mask_zero=True) -> GlobalAveragePooling1D (masked mean)
    tok_emb = jnp.take(text_table, text_token_ids, axis=0)  # [B, SEQ, EMB]
    mask = (text_token_ids != 0).astype(jnp.float32)  # [B, SEQ]
    summed = jnp.sum(tok_emb * mask[..., None], axis=1)  # [B, EMB]
    denom = jnp.maximum(jnp.sum(mask, axis=1, keepdims=True), 1.0)
    text_emb = summed / denom  # [B, EMB]
    return jnp.concatenate([id_emb, text_emb], axis=1)  # [B, 2*EMB]

if __name__ == "__main__":
    import jax
    _d = setup_inputs()
    print(jax.jit(kernel)(*tuple(_d.values())))

</pallas_src>

<mosaic_0001>
#map = affine_map<(d0, d1) -> (0)>
#map1 = affine_map<(d0, d1) -> (0, 0)>
module attributes {stable_mosaic.version = 14 : i64} {
  func.func @_sc_body(%arg0: i32, %arg1: i32, %arg2: memref<16384xi32, #tpu.memory_space<hbm>>, %arg3: memref<20x16384xi32, #tpu.memory_space<hbm>>, %arg4: memref<3200032xf32, #tpu.memory_space<hbm>>, %arg5: memref<10000x32xbf16, #tpu.memory_space<hbm>>, %arg6: memref<1x32xf32, #tpu.memory_space<hbm>>, %arg7: memref<64x16384xf32, #tpu.memory_space<hbm>>, %arg8: memref<20x512xi32, #tpu.memory_space<vmem>>, %arg9: memref<512xi32, #tpu.memory_space<vmem>>, %arg10: memref<32x512xi32, #tpu.memory_space<vmem>>, %arg11: memref<32x512xf32, #tpu.memory_space<vmem>>, %arg12: memref<512x32xbf16, #tpu.memory_space<vmem>>, %arg13: memref<512x32xf32, #tpu.memory_space<vmem>>, %arg14: memref<32x512xf32, #tpu.memory_space<vmem>>, %arg15: memref<512xf32, #tpu.memory_space<vmem>>, %arg16: memref<512xf32, #tpu.memory_space<vmem>>, %arg17: memref<1x32xf32, #tpu.memory_space<vmem>>, %arg18: memref<!tpu.dma_semaphore, #tpu.memory_space<semaphore_mem>>, %arg19: memref<!tpu.dma_semaphore, #tpu.memory_space<semaphore_mem>>, %arg20: memref<!tpu.dma_semaphore, #tpu.memory_space<semaphore_mem>>) attributes {dimension_semantics = [#tpu.dimension_semantics<core_parallel>, #tpu.dimension_semantics<subcore_parallel>], iteration_bounds = array<i64: 2, 16>, scalar_prefetch = 0 : i64, scratch_operands = 13 : i64, tpu.core_type = #tpu.core_type<sc_vector_subcore>, window_params = [{transform_indices = #map}, {transform_indices = #map1}, {transform_indices = #map}, {transform_indices = #map1}, {transform_indices = #map1}, {transform_indices = #map1}]} {
    %mul3A = arith.constant 2 : i32
    %mul3A_0 = arith.muli %arg1, %mul3A : i32
    %add3A = arith.addi %mul3A_0, %arg0 : i32
    %mul3A_1 = arith.constant 512 : i32
    %mul3A_2 = arith.muli %add3A, %mul3A_1 : i32
    %dma_start3A = arith.constant 0 : i32
    %dma_start3A_3 = tpu.memref_slice %arg3[%dma_start3A, %mul3A_2] : memref<20x16384xi32, #tpu.memory_space<hbm>> -> memref<20x512xi32, #tpu.memory_space<hbm>>
    %dma_start3A_4 = arith.constant 0 : i32
    %dma_start3A_5 = tpu.memref_slice %arg3[%dma_start3A_4, %mul3A_2] : memref<20x16384xi32, #tpu.memory_space<hbm>> -> memref<20x512xi32, #tpu.memory_space<hbm>>
    tpu.enqueue_dma source(%dma_start3A_5 : memref<20x512xi32, #tpu.memory_space<hbm>>) target(%arg8 : memref<20x512xi32, #tpu.memory_space<vmem>>) target_semaphore(%arg18 : memref<!tpu.dma_semaphore, #tpu.memory_space<semaphore_mem>>)
    %dma_start3A_6 = tpu.memref_slice %arg2[%mul3A_2] : memref<16384xi32, #tpu.memory_space<hbm>> -> memref<512xi32, #tpu.memory_space<hbm>>
    %dma_start3A_7 = tpu.memref_slice %arg2[%mul3A_2] : memref<16384xi32, #tpu.memory_space<hbm>> -> memref<512xi32, #tpu.memory_space<hbm>>
    tpu.enqueue_dma source(%dma_start3A_7 : memref<512xi32, #tpu.memory_space<hbm>>) target(%arg9 : memref<512xi32, #tpu.memory_space<vmem>>) target_semaphore(%arg18 : memref<!tpu.dma_semaphore, #tpu.memory_space<semaphore_mem>>)
    tpu.enqueue_dma source(%arg6 : memref<1x32xf32, #tpu.memory_space<hbm>>) target(%arg17 : memref<1x32xf32, #tpu.memory_space<vmem>>) target_semaphore(%arg18 : memref<!tpu.dma_semaphore, #tpu.memory_space<semaphore_mem>>)
    %scan3A = arith.constant 0 : i32
    %scan3A_8 = arith.constant 512 : i32
    %scan3A_9 = arith.addi %scan3A, %scan3A_8 : i32
    %scan3A_10 = arith.constant 1 : i32
    scf.for %scan3A_985 = %scan3A to %scan3A_9 step %scan3A_10  : i32 {
      %broadcast_in_dim3A_986 = arith.constant 0.000000e+00 : bf16
      %broadcast_in_dim3A_987 = vector.broadcast %broadcast_in_dim3A_986 : bf16 to vector<32xbf16>
      %swap3A = arith.index_cast %scan3A_985 : i32 to index
      %swap3A_988 = arith.constant 0 : index
      %swap3A_989 = tpu.vector_load %arg12[%swap3A, %swap3A_988] {strides = array<i32>} : memref<512x32xbf16, #tpu.memory_space<vmem>>, vector<32xbf16>,
      tpu.vector_store %arg12[%swap3A, %swap3A_988], %broadcast_in_dim3A_987 {strides = array<i32>} : memref<512x32xbf16, #tpu.memory_space<vmem>>, vector<32xbf16>,
    }
    %scan3A_11 = arith.constant 512 : i32
    %dma_wait3A = arith.constant 0 : i32
    %dma_wait3A_12 = tpu.memref_slice %arg3[%dma_wait3A, %mul3A_2] : memref<20x16384xi32, #tpu.memory_space<hbm>> -> memref<20x512xi32, #tpu.memory_space<hbm>>
    %dma_wait3A_13 = arith.constant 0 : i32
    %dma_wait3A_14 = tpu.memref_slice %arg3[%dma_wait3A_13, %mul3A_2] : memref<20x16384xi32, #tpu.memory_space<hbm>> -> memref<20x512xi32, #tpu.memory_space<hbm>>
    tpu.wait_dma2 semaphore(%arg18 : memref<!tpu.dma_semaphore, #tpu.memory_space<semaphore_mem>>) src(%dma_wait3A_14 : memref<20x512xi32, #tpu.memory_space<hbm>>) dst(%arg8 : memref<20x512xi32, #tpu.memory_space<vmem>>)
    %dma_wait3A_15 = tpu.memref_slice %arg2[%mul3A_2] : memref<16384xi32, #tpu.memory_space<hbm>> -> memref<512xi32, #tpu.memory_space<hbm>>
    %dma_wait3A_16 = tpu.memref_slice %arg2[%mul3A_2] : memref<16384xi32, #tpu.memory_space<hbm>> -> memref<512xi32, #tpu.memory_space<hbm>>
    tpu.wait_dma2 semaphore(%arg18 : memref<!tpu.dma_semaphore, #tpu.memory_space<semaphore_mem>>) src(%dma_wait3A_16 : memref<512xi32, #tpu.memory_space<hbm>>) dst(%arg9 : memref<512xi32, #tpu.memory_space<vmem>>)
    tpu.wait_dma2 semaphore(%arg18 : memref<!tpu.dma_semaphore, #tpu.memory_space<semaphore_mem>>) src(%arg6 : memref<1x32xf32, #tpu.memory_space<hbm>>) dst(%arg17 : memref<1x32xf32, #tpu.memory_space<vmem>>)
    %dma_start3A_17 = arith.constant 0 : i32
    %dma_start3A_18 = arith.constant 0 : i32
    %dma_start3A_19 = tpu.memref_slice %arg8[%dma_start3A_17, %dma_start3A_18] : memref<20x512xi32, #tpu.memory_space<vmem>> -> memref<1x512xi32, #tpu.memory_space<vmem>>
    %dma_start3A_20 = tpu.memref_squeeze %dma_start3A_19 : memref<1x512xi32, #tpu.memory_space<vmem>> -> memref<512xi32, #tpu.memory_space<vmem>>
    %dma_start3A_21 = arith.constant 0 : i32
    %dma_start3A_22 = arith.constant 0 : i32
    %dma_start3A_23 = tpu.memref_slice %arg5[%dma_start3A_21, %dma_start3A_22] : memref<10000x32xbf16, #tpu.memory_space<hbm>> -> memref<10000x32xbf16, #tpu.memory_space<hbm>>
    tpu.enqueue_indirect_dma source(%dma_start3A_23 : memref<10000x32xbf16, #tpu.memory_space<hbm>>) target(%arg12 : memref<512x32xbf16, #tpu.memory_space<vmem>>) offsets(%dma_start3A_20 : memref<512xi32, #tpu.memory_space<vmem>>) semaphore(%arg20 : memref<!tpu.dma_semaphore, #tpu.memory_space<semaphore_mem>>) {add = true}
    %dma_start3A_24 = arith.constant 1 : i32
    %dma_start3A_25 = arith.constant 0 : i32
    %dma_start3A_26 = tpu.memref_slice %arg8[%dma_start3A_24, %dma_start3A_25] : memref<20x512xi32, #tpu.memory_space<vmem>> -> memref<1x512xi32, #tpu.memory_space<vmem>>
    %dma_start3A_27 = tpu.memref_squeeze %dma_start3A_26 : memref<1x512xi32, #tpu.memory_space<vmem>> -> memref<512xi32, #tpu.memory_space<vmem>>
    %dma_start3A_28 = arith.constant 0 : i32
    %dma_start3A_29 = arith.constant 0 : i32
    %dma_start3A_30 = tpu.memref_slice %arg5[%dma_start3A_28, %dma_start3A_29] : memref<10000x32xbf16, #tpu.memory_space<hbm>> -> memref<10000x32xbf16, #tpu.memory_space<hbm>>
    tpu.enqueue_indirect_dma source(%dma_start3A_30 : memref<10000x32xbf16, #tpu.memory_space<hbm>>) target(%arg12 : memref<512x32xbf16, #tpu.memory_space<vmem>>) offsets(%dma_start3A_27 : memref<512xi32, #tpu.memory_space<vmem>>) semaphore(%arg20 : memref<!tpu.dma_semaphore, #tpu.memory_space<semaphore_mem>>) {add = true}
    %dma_start3A_31 = arith.constant 2 : i32
    %dma_start3A_32 = arith.constant 0 : i32
    %dma_start3A_33 = tpu.memref_slice %arg8[%dma_start3A_31, %dma_start3A_32] : memref<20x512xi32, #tpu.memory_space<vmem>> -> memref<1x512xi32, #tpu.memory_space<vmem>>
    %dma_start3A_34 = tpu.memref_squeeze %dma_start3A_33 : memref<1x512xi32, #tpu.memory_space<vmem>> -> memref<512xi32, #tpu.memory_space<vmem>>
    %dma_start3A_35 = arith.constant 0 : i32
    %dma_start3A_36 = arith.constant 0 : i32
    %dma_start3A_37 = tpu.memref_slice %arg5[%dma_start3A_35, %dma_start3A_36] : memref<10000x32xbf16, #tpu.memory_space<hbm>> -> memref<10000x32xbf16, #tpu.memory_space<hbm>>
    tpu.enqueue_indirect_dma source(%dma_start3A_37 : memref<10000x32xbf16, #tpu.memory_space<hbm>>) target(%arg12 : memref<512x32xbf16, #tpu.memory_space<vmem>>) offsets(%dma_start3A_34 : memref<512xi32, #tpu.memory_space<vmem>>) semaphore(%arg20 : memref<!tpu.dma_semaphore, #tpu.memory_space<semaphore_mem>>) {add = true}
    %dma_start3A_38 = arith.constant 3 : i32
    %dma_start3A_39 = arith.constant 0 : i32
    %dma_start3A_40 = tpu.memref_slice %arg8[%dma_start3A_38, %dma_start3A_39] : memref<20x512xi32, #tpu.memory_space<vmem>> -> memref<1x512xi32, #tpu.memory_space<vmem>>
    %dma_start3A_41 = tpu.memref_squeeze %dma_start3A_40 : memref<1x512xi32, #tpu.memory_space<vmem>> -> memref<512xi32, #tpu.memory_space<vmem>>
    %dma_start3A_42 = arith.constant 0 : i32
    %dma_start3A_43 = arith.constant 0 : i32
    %dma_start3A_44 = tpu.memref_slice %arg5[%dma_start3A_42, %dma_start3A_43] : memref<10000x32xbf16, #tpu.memory_space<hbm>> -> memref<10000x32xbf16, #tpu.memory_space<hbm>>
    tpu.enqueue_indirect_dma source(%dma_start3A_44 : memref<10000x32xbf16, #tpu.memory_space<hbm>>) target(%arg12 : memref<512x32xbf16, #tpu.memory_space<vmem>>) offsets(%dma_start3A_41 : memref<512xi32, #tpu.memory_space<vmem>>) semaphore(%arg20 : memref<!tpu.dma_semaphore, #tpu.memory_space<semaphore_mem>>) {add = true}
    %dma_start3A_45 = arith.constant 4 : i32
    %dma_start3A_46 = arith.constant 0 : i32
    %dma_start3A_47 = tpu.memref_slice %arg8[%dma_start3A_45, %dma_start3A_46] : memref<20x512xi32, #tpu.memory_space<vmem>> -> memref<1x512xi32, #tpu.memory_space<vmem>>
    %dma_start3A_48 = tpu.memref_squeeze %dma_start3A_47 : memref<1x512xi32, #tpu.memory_space<vmem>> -> memref<512xi32, #tpu.memory_space<vmem>>
    %dma_start3A_49 = arith.constant 0 : i32
    %dma_start3A_50 = arith.constant 0 : i32
    %dma_start3A_51 = tpu.memref_slice %arg5[%dma_start3A_49, %dma_start3A_50] : memref<10000x32xbf16, #tpu.memory_space<hbm>> -> memref<10000x32xbf16, #tpu.memory_space<hbm>>
    tpu.enqueue_indirect_dma source(%dma_start3A_51 : memref<10000x32xbf16, #tpu.memory_space<hbm>>) target(%arg12 : memref<512x32xbf16, #tpu.memory_space<vmem>>) offsets(%dma_start3A_48 : memref<512xi32, #tpu.memory_space<vmem>>) semaphore(%arg20 : memref<!tpu.dma_semaphore, #tpu.memory_space<semaphore_mem>>) {add = true}
    %dma_start3A_52 = arith.constant 5 : i32
    %dma_start3A_53 = arith.constant 0 : i32
    %dma_start3A_54 = tpu.memref_slice %arg8[%dma_start3A_52, %dma_start3A_53] : memref<20x512xi32, #tpu.memory_space<vmem>> -> memref<1x512xi32, #tpu.memory_space<vmem>>
    %dma_start3A_55 = tpu.memref_squeeze %dma_start3A_54 : memref<1x512xi32, #tpu.memory_space<vmem>> -> memref<512xi32, #tpu.memory_space<vmem>>
    %dma_start3A_56 = arith.constant 0 : i32
    %dma_start3A_57 = arith.constant 0 : i32
    %dma_start3A_58 = tpu.memref_slice %arg5[%dma_start3A_56, %dma_start3A_57] : memref<10000x32xbf16, #tpu.memory_space<hbm>> -> memref<10000x32xbf16, #tpu.memory_space<hbm>>
    tpu.enqueue_indirect_dma source(%dma_start3A_58 : memref<10000x32xbf16, #tpu.memory_space<hbm>>) target(%arg12 : memref<512x32xbf16, #tpu.memory_space<vmem>>) offsets(%dma_start3A_55 : memref<512xi32, #tpu.memory_space<vmem>>) semaphore(%arg20 : memref<!tpu.dma_semaphore, #tpu.memory_space<semaphore_mem>>) {add = true}
    %dma_start3A_59 = arith.constant 6 : i32
    %dma_start3A_60 = arith.constant 0 : i32
    %dma_start3A_61 = tpu.memref_slice %arg8[%dma_start3A_59, %dma_start3A_60] : memref<20x512xi32, #tpu.memory_space<vmem>> -> memref<1x512xi32, #tpu.memory_space<vmem>>
    %dma_start3A_62 = tpu.memref_squeeze %dma_start3A_61 : memref<1x512xi32, #tpu.memory_space<vmem>> -> memref<512xi32, #tpu.memory_space<vmem>>
    %dma_start3A_63 = arith.constant 0 : i32
    %dma_start3A_64 = arith.constant 0 : i32
    %dma_start3A_65 = tpu.memref_slice %arg5[%dma_start3A_63, %dma_start3A_64] : memref<10000x32xbf16, #tpu.memory_space<hbm>> -> memref<10000x32xbf16, #tpu.memory_space<hbm>>
    tpu.enqueue_indirect_dma source(%dma_start3A_65 : memref<10000x32xbf16, #tpu.memory_space<hbm>>) target(%arg12 : memref<512x32xbf16, #tpu.memory_space<vmem>>) offsets(%dma_start3A_62 : memref<512xi32, #tpu.memory_space<vmem>>) semaphore(%arg20 : memref<!tpu.dma_semaphore, #tpu.memory_space<semaphore_mem>>) {add = true}
    %dma_start3A_66 = arith.constant 7 : i32
    %dma_start3A_67 = arith.constant 0 : i32
    %dma_start3A_68 = tpu.memref_slice %arg8[%dma_start3A_66, %dma_start3A_67] : memref<20x512xi32, #tpu.memory_space<vmem>> -> memref<1x512xi32, #tpu.memory_space<vmem>>
    %dma_start3A_69 = tpu.memref_squeeze %dma_start3A_68 : memref<1x512xi32, #tpu.memory_space<vmem>> -> memref<512xi32, #tpu.memory_space<vmem>>
    %dma_start3A_70 = arith.constant 0 : i32
    %dma_start3A_71 = arith.constant 0 : i32
    %dma_start3A_72 = tpu.memref_slice %arg5[%dma_start3A_70, %dma_start3A_71] : memref<10000x32xbf16, #tpu.memory_space<hbm>> -> memref<10000x32xbf16, #tpu.memory_space<hbm>>
    tpu.enqueue_indirect_dma source(%dma_start3A_72 : memref<10000x32xbf16, #tpu.memory_space<hbm>>) target(%arg12 : memref<512x32xbf16, #tpu.memory_space<vmem>>) offsets(%dma_start3A_69 : memref<512xi32, #tpu.memory_space<vmem>>) semaphore(%arg20 : memref<!tpu.dma_semaphore, #tpu.memory_space<semaphore_mem>>) {add = true}
    %dma_start3A_73 = arith.constant 8 : i32
    %dma_start3A_74 = arith.constant 0 : i32
    %dma_start3A_75 = tpu.memref_slice %arg8[%dma_start3A_73, %dma_start3A_74] : memref<20x512xi32, #tpu.memory_space<vmem>> -> memref<1x512xi32, #tpu.memory_space<vmem>>
    %dma_start3A_76 = tpu.memref_squeeze %dma_start3A_75 : memref<1x512xi32, #tpu.memory_space<vmem>> -> memref<512xi32, #tpu.memory_space<vmem>>
    %dma_start3A_77 = arith.constant 0 : i32
    %dma_start3A_78 = arith.constant 0 : i32
    %dma_start3A_79 = tpu.memref_slice %arg5[%dma_start3A_77, %dma_start3A_78] : memref<10000x32xbf16, #tpu.memory_space<hbm>> -> memref<10000x32xbf16, #tpu.memory_space<hbm>>
    tpu.enqueue_indirect_dma source(%dma_start3A_79 : memref<10000x32xbf16, #tpu.memory_space<hbm>>) target(%arg12 : memref<512x32xbf16, #tpu.memory_space<vmem>>) offsets(%dma_start3A_76 : memref<512xi32, #tpu.memory_space<vmem>>) semaphore(%arg20 : memref<!tpu.dma_semaphore, #tpu.memory_space<semaphore_mem>>) {add = true}
    %dma_start3A_80 = arith.constant 9 : i32
    %dma_start3A_81 = arith.constant 0 : i32
    %dma_start3A_82 = tpu.memref_slice %arg8[%dma_start3A_80, %dma_start3A_81] : memref<20x512xi32, #tpu.memory_space<vmem>> -> memref<1x512xi32, #tpu.memory_space<vmem>>
    %dma_start3A_83 = tpu.memref_squeeze %dma_start3A_82 : memref<1x512xi32, #tpu.memory_space<vmem>> -> memref<512xi32, #tpu.memory_space<vmem>>
    %dma_start3A_84 = arith.constant 0 : i32
    %dma_start3A_85 = arith.constant 0 : i32
    %dma_start3A_86 = tpu.memref_slice %arg5[%dma_start3A_84, %dma_start3A_85] : memref<10000x32xbf16, #tpu.memory_space<hbm>> -> memref<10000x32xbf16, #tpu.memory_space<hbm>>
    tpu.enqueue_indirect_dma source(%dma_start3A_86 : memref<10000x32xbf16, #tpu.memory_space<hbm>>) target(%arg12 : memref<512x32xbf16, #tpu.memory_space<vmem>>) offsets(%dma_start3A_83 : memref<512xi32, #tpu.memory_space<vmem>>) semaphore(%arg20 : memref<!tpu.dma_semaphore, #tpu.memory_space<semaphore_mem>>) {add = true}
    %dma_start3A_87 = arith.constant 10 : i32
    %dma_start3A_88 = arith.constant 0 : i32
    %dma_start3A_89 = tpu.memref_slice %arg8[%dma_start3A_87, %dma_start3A_88] : memref<20x512xi32, #tpu.memory_space<vmem>> -> memref<1x512xi32, #tpu.memory_space<vmem>>
    %dma_start3A_90 = tpu.memref_squeeze %dma_start3A_89 : memref<1x512xi32, #tpu.memory_space<vmem>> -> memref<512xi32, #tpu.memory_space<vmem>>
    %dma_start3A_91 = arith.constant 0 : i32
    %dma_start3A_92 = arith.constant 0 : i32
    %dma_start3A_93 = tpu.memref_slice %arg5[%dma_start3A_91, %dma_start3A_92] : memref<10000x32xbf16, #tpu.memory_space<hbm>> -> memref<10000x32xbf16, #tpu.memory_space<hbm>>
    tpu.enqueue_indirect_dma source(%dma_start3A_93 : memref<10000x32xbf16, #tpu.memory_space<hbm>>) target(%arg12 : memref<512x32xbf16, #tpu.memory_space<vmem>>) offsets(%dma_start3A_90 : memref<512xi32, #tpu.memory_space<vmem>>) semaphore(%arg20 : memref<!tpu.dma_semaphore, #tpu.memory_space<semaphore_mem>>) {add = true}
    %dma_start3A_94 = arith.constant 11 : i32
    %dma_start3A_95 = arith.constant 0 : i32
    %dma_start3A_96 = tpu.memref_slice %arg8[%dma_start3A_94, %dma_start3A_95] : memref<20x512xi32, #tpu.memory_space<vmem>> -> memref<1x512xi32, #tpu.memory_space<vmem>>
    %dma_start3A_97 = tpu.memref_squeeze %dma_start3A_96 : memref<1x512xi32, #tpu.memory_space<vmem>> -> memref<512xi32, #tpu.memory_space<vmem>>
    %dma_start3A_98 = arith.constant 0 : i32
    %dma_start3A_99 = arith.constant 0 : i32
    %dma_start3A_100 = tpu.memref_slice %arg5[%dma_start3A_98, %dma_start3A_99] : memref<10000x32xbf16, #tpu.memory_space<hbm>> -> memref<10000x32xbf16, #tpu.memory_space<hbm>>
    tpu.enqueue_indirect_dma source(%dma_start3A_100 : memref<10000x32xbf16, #tpu.memory_space<hbm>>) target(%arg12 : memref<512x32xbf16, #tpu.memory_space<vmem>>) offsets(%dma_start3A_97 : memref<512xi32, #tpu.memory_space<vmem>>) semaphore(%arg20 : memref<!tpu.dma_semaphore, #tpu.memory_space<semaphore_mem>>) {add = true}
    %dma_start3A_101 = arith.constant 12 : i32
    %dma_start3A_102 = arith.constant 0 : i32
    %dma_start3A_103 = tpu.memref_slice %arg8[%dma_start3A_101, %dma_start3A_102] : memref<20x512xi32, #tpu.memory_space<vmem>> -> memref<1x512xi32, #tpu.memory_space<vmem>>
    %dma_start3A_104 = tpu.memref_squeeze %dma_start3A_103 : memref<1x512xi32, #tpu.memory_space<vmem>> -> memref<512xi32, #tpu.memory_space<vmem>>
    %dma_start3A_105 = arith.constant 0 : i32
    %dma_start3A_106 = arith.constant 0 : i32
    %dma_start3A_107 = tpu.memref_slice %arg5[%dma_start3A_105, %dma_start3A_106] : memref<10000x32xbf16, #tpu.memory_space<hbm>> -> memref<10000x32xbf16, #tpu.memory_space<hbm>>
    tpu.enqueue_indirect_dma source(%dma_start3A_107 : memref<10000x32xbf16, #tpu.memory_space<hbm>>) target(%arg12 : memref<512x32xbf16, #tpu.memory_space<vmem>>) offsets(%dma_start3A_104 : memref<512xi32, #tpu.memory_space<vmem>>) semaphore(%arg20 : memref<!tpu.dma_semaphore, #tpu.memory_space<semaphore_mem>>) {add = true}
    %dma_start3A_108 = arith.constant 13 : i32
    %dma_start3A_109 = arith.constant 0 : i32
    %dma_start3A_110 = tpu.memref_slice %arg8[%dma_start3A_108, %dma_start3A_109] : memref<20x512xi32, #tpu.memory_space<vmem>> -> memref<1x512xi32, #tpu.memory_space<vmem>>
    %dma_start3A_111 = tpu.memref_squeeze %dma_start3A_110 : memref<1x512xi32, #tpu.memory_space<vmem>> -> memref<512xi32, #tpu.memory_space<vmem>>
    %dma_start3A_112 = arith.constant 0 : i32
    %dma_start3A_113 = arith.constant 0 : i32
    %dma_start3A_114 = tpu.memref_slice %arg5[%dma_start3A_112, %dma_start3A_113] : memref<10000x32xbf16, #tpu.memory_space<hbm>> -> memref<10000x32xbf16, #tpu.memory_space<hbm>>
    tpu.enqueue_indirect_dma source(%dma_start3A_114 : memref<10000x32xbf16, #tpu.memory_space<hbm>>) target(%arg12 : memref<512x32xbf16, #tpu.memory_space<vmem>>) offsets(%dma_start3A_111 : memref<512xi32, #tpu.memory_space<vmem>>) semaphore(%arg20 : memref<!tpu.dma_semaphore, #tpu.memory_space<semaphore_mem>>) {add = true}
    %dma_start3A_115 = arith.constant 14 : i32
    %dma_start3A_116 = arith.constant 0 : i32
    %dma_start3A_117 = tpu.memref_slice %arg8[%dma_start3A_115, %dma_start3A_116] : memref<20x512xi32, #tpu.memory_space<vmem>> -> memref<1x512xi32, #tpu.memory_space<vmem>>
    %dma_start3A_118 = tpu.memref_squeeze %dma_start3A_117 : memref<1x512xi32, #tpu.memory_space<vmem>> -> memref<512xi32, #tpu.memory_space<vmem>>
    %dma_start3A_119 = arith.constant 0 : i32
    %dma_start3A_120 = arith.constant 0 : i32
    %dma_start3A_121 = tpu.memref_slice %arg5[%dma_start3A_119, %dma_start3A_120] : memref<10000x32xbf16, #tpu.memory_space<hbm>> -> memref<10000x32xbf16, #tpu.memory_space<hbm>>
    tpu.enqueue_indirect_dma source(%dma_start3A_121 : memref<10000x32xbf16, #tpu.memory_space<hbm>>) target(%arg12 : memref<512x32xbf16, #tpu.memory_space<vmem>>) offsets(%dma_start3A_118 : memref<512xi32, #tpu.memory_space<vmem>>) semaphore(%arg20 : memref<!tpu.dma_semaphore, #tpu.memory_space<semaphore_mem>>) {add = true}
    %dma_start3A_122 = arith.constant 15 : i32
    %dma_start3A_123 = arith.constant 0 : i32
    %dma_start3A_124 = tpu.memref_slice %arg8[%dma_start3A_122, %dma_start3A_123] : memref<20x512xi32, #tpu.memory_space<vmem>> -> memref<1x512xi32, #tpu.memory_space<vmem>>
    %dma_start3A_125 = tpu.memref_squeeze %dma_start3A_124 : memref<1x512xi32, #tpu.memory_space<vmem>> -> memref<512xi32, #tpu.memory_space<vmem>>
    %dma_start3A_126 = arith.constant 0 : i32
    %dma_start3A_127 = arith.constant 0 : i32
    %dma_start3A_128 = tpu.memref_slice %arg5[%dma_start3A_126, %dma_start3A_127] : memref<10000x32xbf16, #tpu.memory_space<hbm>> -> memref<10000x32xbf16, #tpu.memory_space<hbm>>
    tpu.enqueue_indirect_dma source(%dma_start3A_128 : memref<10000x32xbf16, #tpu.memory_space<hbm>>) target(%arg12 : memref<512x32xbf16, #tpu.memory_space<vmem>>) offsets(%dma_start3A_125 : memref<512xi32, #tpu.memory_space<vmem>>) semaphore(%arg20 : memref<!tpu.dma_semaphore, #tpu.memory_space<semaphore_mem>>) {add = true}
    %dma_start3A_129 = arith.constant 16 : i32
    %dma_start3A_130 = arith.constant 0 : i32
    %dma_start3A_131 = tpu.memref_slice %arg8[%dma_start3A_129, %dma_start3A_130] : memref<20x512xi32, #tpu.memory_space<vmem>> -> memref<1x512xi32, #tpu.memory_space<vmem>>
    %dma_start3A_132 = tpu.memref_squeeze %dma_start3A_131 : memref<1x512xi32, #tpu.memory_space<vmem>> -> memref<512xi32, #tpu.memory_space<vmem>>
    %dma_start3A_133 = arith.constant 0 : i32
    %dma_start3A_134 = arith.constant 0 : i32
    %dma_start3A_135 = tpu.memref_slice %arg5[%dma_start3A_133, %dma_start3A_134] : memref<10000x32xbf16, #tpu.memory_space<hbm>> -> memref<10000x32xbf16, #tpu.memory_space<hbm>>
    tpu.enqueue_indirect_dma source(%dma_start3A_135 : memref<10000x32xbf16, #tpu.memory_space<hbm>>) target(%arg12 : memref<512x32xbf16, #tpu.memory_space<vmem>>) offsets(%dma_start3A_132 : memref<512xi32, #tpu.memory_space<vmem>>) semaphore(%arg20 : memref<!tpu.dma_semaphore, #tpu.memory_space<semaphore_mem>>) {add = true}
    %dma_start3A_136 = arith.constant 17 : i32
    %dma_start3A_137 = arith.constant 0 : i32
    %dma_start3A_138 = tpu.memref_slice %arg8[%dma_start3A_136, %dma_start3A_137] : memref<20x512xi32, #tpu.memory_space<vmem>> -> memref<1x512xi32, #tpu.memory_space<vmem>>
    %dma_start3A_139 = tpu.memref_squeeze %dma_start3A_138 : memref<1x512xi32, #tpu.memory_space<vmem>> -> memref<512xi32, #tpu.memory_space<vmem>>
    %dma_start3A_140 = arith.constant 0 : i32
    %dma_start3A_141 = arith.constant 0 : i32
    %dma_start3A_142 = tpu.memref_slice %arg5[%dma_start3A_140, %dma_start3A_141] : memref<10000x32xbf16, #tpu.memory_space<hbm>> -> memref<10000x32xbf16, #tpu.memory_space<hbm>>
    tpu.enqueue_indirect_dma source(%dma_start3A_142 : memref<10000x32xbf16, #tpu.memory_space<hbm>>) target(%arg12 : memref<512x32xbf16, #tpu.memory_space<vmem>>) offsets(%dma_start3A_139 : memref<512xi32, #tpu.memory_space<vmem>>) semaphore(%arg20 : memref<!tpu.dma_semaphore, #tpu.memory_space<semaphore_mem>>) {add = true}
    %dma_start3A_143 = arith.constant 18 : i32
    %dma_start3A_144 = arith.constant 0 : i32
    %dma_start3A_145 = tpu.memref_slice %arg8[%dma_start3A_143, %dma_start3A_144] : memref<20x512xi32, #tpu.memory_space<vmem>> -> memref<1x512xi32, #tpu.memory_space<vmem>>
    %dma_start3A_146 = tpu.memref_squeeze %dma_start3A_145 : memref<1x512xi32, #tpu.memory_space<vmem>> -> memref<512xi32, #tpu.memory_space<vmem>>
    %dma_start3A_147 = arith.constant 0 : i32
    %dma_start3A_148 = arith.constant 0 : i32
    %dma_start3A_149 = tpu.memref_slice %arg5[%dma_start3A_147, %dma_start3A_148] : memref<10000x32xbf16, #tpu.memory_space<hbm>> -> memref<10000x32xbf16, #tpu.memory_space<hbm>>
    tpu.enqueue_indirect_dma source(%dma_start3A_149 : memref<10000x32xbf16, #tpu.memory_space<hbm>>) target(%arg12 : memref<512x32xbf16, #tpu.memory_space<vmem>>) offsets(%dma_start3A_146 : memref<512xi32, #tpu.memory_space<vmem>>) semaphore(%arg20 : memref<!tpu.dma_semaphore, #tpu.memory_space<semaphore_mem>>) {add = true}
    %dma_start3A_150 = arith.constant 19 : i32
    %dma_start3A_151 = arith.constant 0 : i32
    %dma_start3A_152 = tpu.memref_slice %arg8[%dma_start3A_150, %dma_start3A_151] : memref<20x512xi32, #tpu.memory_space<vmem>> -> memref<1x512xi32, #tpu.memory_space<vmem>>
    %dma_start3A_153 = tpu.memref_squeeze %dma_start3A_152 : memref<1x512xi32, #tpu.memory_space<vmem>> -> memref<512xi32, #tpu.memory_space<vmem>>
    %dma_start3A_154 = arith.constant 0 : i32
    %dma_start3A_155 = arith.constant 0 : i32
    %dma_start3A_156 = tpu.memref_slice %arg5[%dma_start3A_154, %dma_start3A_155] : memref<10000x32xbf16, #tpu.memory_space<hbm>> -> memref<10000x32xbf16, #tpu.memory_space<hbm>>
    tpu.enqueue_indirect_dma source(%dma_start3A_156 : memref<10000x32xbf16, #tpu.memory_space<hbm>>) target(%arg12 : memref<512x32xbf16, #tpu.memory_space<vmem>>) offsets(%dma_start3A_153 : memref<512xi32, #tpu.memory_space<vmem>>) semaphore(%arg20 : memref<!tpu.dma_semaphore, #tpu.memory_space<semaphore_mem>>) {add = true}
    %scan3A_157 = arith.constant 0 : i32
    %scan3A_158 = arith.constant 32 : i32
    %scan3A_159 = arith.addi %scan3A_157, %scan3A_158 : i32
    %scan3A_160 = arith.constant 1 : i32
    scf.for %scan3A_985 = %scan3A_157 to %scan3A_159 step %scan3A_160  : i32 {
      %mul3A_986 = arith.constant 16 : i32
      %mul3A_987 = arith.muli %scan3A_985, %mul3A_986 : i32
      %multiple_of3A = tpu.assume_multiple %mul3A_987, 16 : i32
      %get3A_988 = arith.index_cast %multiple_of3A : i32 to index
      %get3A_989 = tpu.vector_load %arg9[%get3A_988] {strides = array<i32>} : memref<512xi32, #tpu.memory_space<vmem>>, vector<16xi32>,
      %add3A_990 = arith.constant 0 : i32
      %add3A_991 = vector.broadcast %add3A_990 : i32 to vector<16xi32>
      %add3A_992 = arith.addi %get3A_989, %add3A_991 : vector<16xi32>
      %swap3A = arith.constant 0 : i32
      %swap3A_993 = arith.index_cast %swap3A : i32 to index
      %swap3A_994 = arith.index_cast %multiple_of3A : i32 to index
      %swap3A_995 = tpu.vector_load %arg10[%swap3A_993, %swap3A_994] {strides = array<i32>} : memref<32x512xi32, #tpu.memory_space<vmem>>, vector<16xi32>,
      tpu.vector_store %arg10[%swap3A_993, %swap3A_994], %add3A_992 {strides = array<i32>} : memref<32x512xi32, #tpu.memory_space<vmem>>, vector<16xi32>,
      %add3A_996 = arith.constant 100001 : i32
      %add3A_997 = vector.broadcast %add3A_996 : i32 to vector<16xi32>
      %add3A_998 = arith.addi %get3A_989, %add3A_997 : vector<16xi32>
      %swap3A_999 = arith.constant 1 : i32
      %swap3A_1000 = arith.index_cast %swap3A_999 : i32 to index
      %swap3A_1001 = arith.index_cast %multiple_of3A : i32 to index
      %swap3A_1002 = tpu.vector_load %arg10[%swap3A_1000, %swap3A_1001] {strides = array<i32>} : memref<32x512xi32, #tpu.memory_space<vmem>>, vector<16xi32>,
      tpu.vector_store %arg10[%swap3A_1000, %swap3A_1001], %add3A_998 {strides = array<i32>} : memref<32x512xi32, #tpu.memory_space<vmem>>, vector<16xi32>,
      %add3A_1003 = arith.constant 200002 : i32
      %add3A_1004 = vector.broadcast %add3A_1003 : i32 to vector<16xi32>
      %add3A_1005 = arith.addi %get3A_989, %add3A_1004 : vector<16xi32>
      %swap3A_1006 = arith.constant 2 : i32
      %swap3A_1007 = arith.index_cast %swap3A_1006 : i32 to index
      %swap3A_1008 = arith.index_cast %multiple_of3A : i32 to index
      %swap3A_1009 = tpu.vector_load %arg10[%swap3A_1007, %swap3A_1008] {strides = array<i32>} : memref<32x512xi32, #tpu.memory_space<vmem>>, vector<16xi32>,
      tpu.vector_store %arg10[%swap3A_1007, %swap3A_1008], %add3A_1005 {strides = array<i32>} : memref<32x512xi32, #tpu.memory_space<vmem>>, vector<16xi32>,
      %add3A_1010 = arith.constant 300003 : i32
      %add3A_1011 = vector.broadcast %add3A_1010 : i32 to vector<16xi32>
      %add3A_1012 = arith.addi %get3A_989, %add3A_1011 : vector<16xi32>
      %swap3A_1013 = arith.constant 3 : i32
      %swap3A_1014 = arith.index_cast %swap3A_1013 : i32 to index
      %swap3A_1015 = arith.index_cast %multiple_of3A : i32 to index
      %swap3A_1016 = tpu.vector_load %arg10[%swap3A_1014, %swap3A_1015] {strides = array<i32>} : memref<32x512xi32, #tpu.memory_space<vmem>>, vector<16xi32>,
      tpu.vector_store %arg10[%swap3A_1014, %swap3A_1015], %add3A_1012 {strides = array<i32>} : memref<32x512xi32, #tpu.memory_space<vmem>>, vector<16xi32>,
      %add3A_1017 = arith.constant 400004 : i32
      %add3A_1018 = vector.broadcast %add3A_1017 : i32 to vector<16xi32>
      %add3A_1019 = arith.addi %get3A_989, %add3A_1018 : vector<16xi32>
      %swap3A_1020 = arith.constant 4 : i32
      %swap3A_1021 = arith.index_cast %swap3A_1020 : i32 to index
      %swap3A_1022 = arith.index_cast %multiple_of3A : i32 to index
      %swap3A_1023 = tpu.vector_load %arg10[%swap3A_1021, %swap3A_1022] {strides = array<i32>} : memref<32x512xi32, #tpu.memory_space<vmem>>, vector<16xi32>,
      tpu.vector_store %arg10[%swap3A_1021, %swap3A_1022], %add3A_1019 {strides = array<i32>} : memref<32x512xi32, #tpu.memory_space<vmem>>, vector<16xi32>,
      %add3A_1024 = arith.constant 500005 : i32
      %add3A_1025 = vector.broadcast %add3A_1024 : i32 to vector<16xi32>
      %add3A_1026 = arith.addi %get3A_989, %add3A_1025 : vector<16xi32>
      %swap3A_1027 = arith.constant 5 : i32
      %swap3A_1028 = arith.index_cast %swap3A_1027 : i32 to index
      %swap3A_1029 = arith.index_cast %multiple_of3A : i32 to index
      %swap3A_1030 = tpu.vector_load %arg10[%swap3A_1028, %swap3A_1029] {strides = array<i32>} : memref<32x512xi32, #tpu.memory_space<vmem>>, vector<16xi32>,
      tpu.vector_store %arg10[%swap3A_1028, %swap3A_1029], %add3A_1026 {strides = array<i32>} : memref<32x512xi32, #tpu.memory_space<vmem>>, vector<16xi32>,
      %add3A_1031 = arith.constant 600006 : i32
      %add3A_1032 = vector.broadcast %add3A_1031 : i32 to vector<16xi32>
      %add3A_1033 = arith.addi %get3A_989, %add3A_1032 : vector<16xi32>
      %swap3A_1034 = arith.constant 6 : i32
      %swap3A_1035 = arith.index_cast %swap3A_1034 : i32 to index
      %swap3A_1036 = arith.index_cast %multiple_of3A : i32 to index
      %swap3A_1037 = tpu.vector_load %arg10[%swap3A_1035, %swap3A_1036] {strides = array<i32>} : memref<32x512xi32, #tpu.memory_space<vmem>>, vector<16xi32>,
      tpu.vector_store %arg10[%swap3A_1035, %swap3A_1036], %add3A_1033 {strides = array<i32>} : memref<32x512xi32, #tpu.memory_space<vmem>>, vector<16xi32>,
      %add3A_1038 = arith.constant 700007 : i32
      %add3A_1039 = vector.broadcast %add3A_1038 : i32 to vector<16xi32>
      %add3A_1040 = arith.addi %get3A_989, %add3A_1039 : vector<16xi32>
      %swap3A_1041 = arith.constant 7 : i32
      %swap3A_1042 = arith.index_cast %swap3A_1041 : i32 to index
      %swap3A_1043 = arith.index_cast %multiple_of3A : i32 to index
      %swap3A_1044 = tpu.vector_load %arg10[%swap3A_1042, %swap3A_1043] {strides = array<i32>} : memref<32x512xi32, #tpu.memory_space<vmem>>, vector<16xi32>,
      tpu.vector_store %arg10[%swap3A_1042, %swap3A_1043], %add3A_1040 {strides = array<i32>} : memref<32x512xi32, #tpu.memory_space<vmem>>, vector<16xi32>,
      %add3A_1045 = arith.constant 800008 : i32
      %add3A_1046 = vector.broadcast %add3A_1045 : i32 to vector<16xi32>
      %add3A_1047 = arith.addi %get3A_989, %add3A_1046 : vector<16xi32>
      %swap3A_1048 = arith.constant 8 : i32
      %swap3A_1049 = arith.index_cast %swap3A_1048 : i32 to index
      %swap3A_1050 = arith.index_cast %multiple_of3A : i32 to index
      %swap3A_1051 = tpu.vector_load %arg10[%swap3A_1049, %swap3A_1050] {strides = array<i32>} : memref<32x512xi32, #tpu.memory_space<vmem>>, vector<16xi32>,
      tpu.vector_store %arg10[%swap3A_1049, %swap3A_1050], %add3A_1047 {strides = array<i32>} : memref<32x512xi32, #tpu.memory_space<vmem>>, vector<16xi32>,
      %add3A_1052 = arith.constant 900009 : i32
      %add3A_1053 = vector.broadcast %add3A_1052 : i32 to vector<16xi32>
      %add3A_1054 = arith.addi %get3A_989, %add3A_1053 : vector<16xi32>
      %swap3A_1055 = arith.constant 9 : i32
      %swap3A_1056 = arith.index_cast %swap3A_1055 : i32 to index
      %swap3A_1057 = arith.index_cast %multiple_of3A : i32 to index
      %swap3A_1058 = tpu.vector_load %arg10[%swap3A_1056, %swap3A_1057] {strides = array<i32>} : memref<32x512xi32, #tpu.memory_space<vmem>>, vector<16xi32>,
      tpu.vector_store %arg10[%swap3A_1056, %swap3A_1057], %add3A_1054 {strides = array<i32>} : memref<32x512xi32, #tpu.memory_space<vmem>>, vector<16xi32>,
      %add3A_1059 = arith.constant 1000010 : i32
      %add3A_1060 = vector.broadcast %add3A_1059 : i32 to vector<16xi32>
      %add3A_1061 = arith.addi %get3A_989, %add3A_1060 : vector<16xi32>
      %swap3A_1062 = arith.constant 10 : i32
      %swap3A_1063 = arith.index_cast %swap3A_1062 : i32 to index
      %swap3A_1064 = arith.index_cast %multiple_of3A : i32 to index
      %swap3A_1065 = tpu.vector_load %arg10[%swap3A_1063, %swap3A_1064] {strides = array<i32>} : memref<32x512xi32, #tpu.memory_space<vmem>>, vector<16xi32>,
      tpu.vector_store %arg10[%swap3A_1063, %swap3A_1064], %add3A_1061 {strides = array<i32>} : memref<32x512xi32, #tpu.memory_space<vmem>>, vector<16xi32>,
      %add3A_1066 = arith.constant 1100011 : i32
      %add3A_1067 = vector.broadcast %add3A_1066 : i32 to vector<16xi32>
      %add3A_1068 = arith.addi %get3A_989, %add3A_1067 : vector<16xi32>
      %swap3A_1069 = arith.constant 11 : i32
      %swap3A_1070 = arith.index_cast %swap3A_1069 : i32 to index
      %swap3A_1071 = arith.index_cast %multiple_of3A : i32 to index
      %swap3A_1072 = tpu.vector_load %arg10[%swap3A_1070, %swap3A_1071] {strides = array<i32>} : memref<32x512xi32, #tpu.memory_space<vmem>>, vector<16xi32>,
      tpu.vector_store %arg10[%swap3A_1070, %swap3A_1071], %add3A_1068 {strides = array<i32>} : memref<32x512xi32, #tpu.memory_space<vmem>>, vector<16xi32>,
      %add3A_1073 = arith.constant 1200012 : i32
      %add3A_1074 = vector.broadcast %add3A_1073 : i32 to vector<16xi32>
      %add3A_1075 = arith.addi %get3A_989, %add3A_1074 : vector<16xi32>
      %swap3A_1076 = arith.constant 12 : i32
      %swap3A_1077 = arith.index_cast %swap3A_1076 : i32 to index
      %swap3A_1078 = arith.index_cast %multiple_of3A : i32 to index
      %swap3A_1079 = tpu.vector_load %arg10[%swap3A_1077, %swap3A_1078] {strides = array<i32>} : memref<32x512xi32, #tpu.memory_space<vmem>>, vector<16xi32>,
      tpu.vector_store %arg10[%swap3A_1077, %swap3A_1078], %add3A_1075 {strides = array<i32>} : memref<32x512xi32, #tpu.memory_space<vmem>>, vector<16xi32>,
      %add3A_1080 = arith.constant 1300013 : i32
      %add3A_1081 = vector.broadcast %add3A_1080 : i32 to vector<16xi32>
      %add3A_1082 = arith.addi %get3A_989, %add3A_1081 : vector<16xi32>
      %swap3A_1083 = arith.constant 13 : i32
      %swap3A_1084 = arith.index_cast %swap3A_1083 : i32 to index
      %swap3A_1085 = arith.index_cast %multiple_of3A : i32 to index
      %swap3A_1086 = tpu.vector_load %arg10[%swap3A_1084, %swap3A_1085] {strides = array<i32>} : memref<32x512xi32, #tpu.memory_space<vmem>>, vector<16xi32>,
      tpu.vector_store %arg10[%swap3A_1084, %swap3A_1085], %add3A_1082 {strides = array<i32>} : memref<32x512xi32, #tpu.memory_space<vmem>>, vector<16xi32>,
      %add3A_1087 = arith.constant 1400014 : i32
      %add3A_1088 = vector.broadcast %add3A_1087 : i32 to vector<16xi32>
      %add3A_1089 = arith.addi %get3A_989, %add3A_1088 : vector<16xi32>
      %swap3A_1090 = arith.constant 14 : i32
      %swap3A_1091 = arith.index_cast %swap3A_1090 : i32 to index
      %swap3A_1092 = arith.index_cast %multiple_of3A : i32 to index
      %swap3A_1093 = tpu.vector_load %arg10[%swap3A_1091, %swap3A_1092] {strides = array<i32>} : memref<32x512xi32, #tpu.memory_space<vmem>>, vector<16xi32>,
      tpu.vector_store %arg10[%swap3A_1091, %swap3A_1092], %add3A_1089 {strides = array<i32>} : memref<32x512xi32, #tpu.memory_space<vmem>>, vector<16xi32>,
      %add3A_1094 = arith.constant 1500015 : i32
      %add3A_1095 = vector.broadcast %add3A_1094 : i32 to vector<16xi32>
      %add3A_1096 = arith.addi %get3A_989, %add3A_1095 : vector<16xi32>
      %swap3A_1097 = arith.constant 15 : i32
      %swap3A_1098 = arith.index_cast %swap3A_1097 : i32 to index
      %swap3A_1099 = arith.index_cast %multiple_of3A : i32 to index
      %swap3A_1100 = tpu.vector_load %arg10[%swap3A_1098, %swap3A_1099] {strides = array<i32>} : memref<32x512xi32, #tpu.memory_space<vmem>>, vector<16xi32>,
      tpu.vector_store %arg10[%swap3A_1098, %swap3A_1099], %add3A_1096 {strides = array<i32>} : memref<32x512xi32, #tpu.memory_space<vmem>>, vector<16xi32>,
      %add3A_1101 = arith.constant 1600016 : i32
      %add3A_1102 = vector.broadcast %add3A_1101 : i32 to vector<16xi32>
      %add3A_1103 = arith.addi %get3A_989, %add3A_1102 : vector<16xi32>
      %swap3A_1104 = arith.constant 16 : i32
      %swap3A_1105 = arith.index_cast %swap3A_1104 : i32 to index
      %swap3A_1106 = arith.index_cast %multiple_of3A : i32 to index
      %swap3A_1107 = tpu.vector_load %arg10[%swap3A_1105, %swap3A_1106] {strides = array<i32>} : memref<32x512xi32, #tpu.memory_space<vmem>>, vector<16xi32>,
      tpu.vector_store %arg10[%swap3A_1105, %swap3A_1106], %add3A_1103 {strides = array<i32>} : memref<32x512xi32, #tpu.memory_space<vmem>>, vector<16xi32>,
      %add3A_1108 = arith.constant 1700017 : i32
      %add3A_1109 = vector.broadcast %add3A_1108 : i32 to vector<16xi32>
      %add3A_1110 = arith.addi %get3A_989, %add3A_1109 : vector<16xi32>
      %swap3A_1111 = arith.constant 17 : i32
      %swap3A_1112 = arith.index_cast %swap3A_1111 : i32 to index
      %swap3A_1113 = arith.index_cast %multiple_of3A : i32 to index
      %swap3A_1114 = tpu.vector_load %arg10[%swap3A_1112, %swap3A_1113] {strides = array<i32>} : memref<32x512xi32, #tpu.memory_space<vmem>>, vector<16xi32>,
      tpu.vector_store %arg10[%swap3A_1112, %swap3A_1113], %add3A_1110 {strides = array<i32>} : memref<32x512xi32, #tpu.memory_space<vmem>>, vector<16xi32>,
      %add3A_1115 = arith.constant 1800018 : i32
      %add3A_1116 = vector.broadcast %add3A_1115 : i32 to vector<16xi32>
      %add3A_1117 = arith.addi %get3A_989, %add3A_1116 : vector<16xi32>
      %swap3A_1118 = arith.constant 18 : i32
      %swap3A_1119 = arith.index_cast %swap3A_1118 : i32 to index
      %swap3A_1120 = arith.index_cast %multiple_of3A : i32 to index
      %swap3A_1121 = tpu.vector_load %arg10[%swap3A_1119, %swap3A_1120] {strides = array<i32>} : memref<32x512xi32, #tpu.memory_space<vmem>>, vector<16xi32>,
      tpu.vector_store %arg10[%swap3A_1119, %swap3A_1120], %add3A_1117 {strides = array<i32>} : memref<32x512xi32, #tpu.memory_space<vmem>>, vector<16xi32>,
      %add3A_1122 = arith.constant 1900019 : i32
      %add3A_1123 = vector.broadcast %add3A_1122 : i32 to vector<16xi32>
      %add3A_1124 = arith.addi %get3A_989, %add3A_1123 : vector<16xi32>
      %swap3A_1125 = arith.constant 19 : i32
      %swap3A_1126 = arith.index_cast %swap3A_1125 : i32 to index
      %swap3A_1127 = arith.index_cast %multiple_of3A : i32 to index
      %swap3A_1128 = tpu.vector_load %arg10[%swap3A_1126, %swap3A_1127] {strides = array<i32>} : memref<32x512xi32, #tpu.memory_space<vmem>>, vector<16xi32>,
      tpu.vector_store %arg10[%swap3A_1126, %swap3A_1127], %add3A_1124 {strides = array<i32>} : memref<32x512xi32, #tpu.memory_space<vmem>>, vector<16xi32>,
      %add3A_1129 = arith.constant 2000020 : i32
      %add3A_1130 = vector.broadcast %add3A_1129 : i32 to vector<16xi32>
      %add3A_1131 = arith.addi %get3A_989, %add3A_1130 : vector<16xi32>
      %swap3A_1132 = arith.constant 20 : i32
      %swap3A_1133 = arith.index_cast %swap3A_1132 : i32 to index
      %swap3A_1134 = arith.index_cast %multiple_of3A : i32 to index
      %swap3A_1135 = tpu.vector_load %arg10[%swap3A_1133, %swap3A_1134] {strides = array<i32>} : memref<32x512xi32, #tpu.memory_space<vmem>>, vector<16xi32>,
      tpu.vector_store %arg10[%swap3A_1133, %swap3A_1134], %add3A_1131 {strides = array<i32>} : memref<32x512xi32, #tpu.memory_space<vmem>>, vector<16xi32>,
      %add3A_1136 = arith.constant 2100021 : i32
      %add3A_1137 = vector.broadcast %add3A_1136 : i32 to vector<16xi32>
      %add3A_1138 = arith.addi %get3A_989, %add3A_1137 : vector<16xi32>
      %swap3A_1139 = arith.constant 21 : i32
      %swap3A_1140 = arith.index_cast %swap3A_1139 : i32 to index
      %swap3A_1141 = arith.index_cast %multiple_of3A : i32 to index
      %swap3A_1142 = tpu.vector_load %arg10[%swap3A_1140, %swap3A_1141] {strides = array<i32>} : memref<32x512xi32, #tpu.memory_space<vmem>>, vector<16xi32>,
      tpu.vector_store %arg10[%swap3A_1140, %swap3A_1141], %add3A_1138 {strides = array<i32>} : memref<32x512xi32, #tpu.memory_space<vmem>>, vector<16xi32>,
      %add3A_1143 = arith.constant 2200022 : i32
      %add3A_1144 = vector.broadcast %add3A_1143 : i32 to vector<16xi32>
      %add3A_1145 = arith.addi %get3A_989, %add3A_1144 : vector<16xi32>
      %swap3A_1146 = arith.constant 22 : i32
      %swap3A_1147 = arith.index_cast %swap3A_1146 : i32 to index
      %swap3A_1148 = arith.index_cast %multiple_of3A : i32 to index
      %swap3A_1149 = tpu.vector_load %arg10[%swap3A_1147, %swap3A_1148] {strides = array<i32>} : memref<32x512xi32, #tpu.memory_space<vmem>>, vector<16xi32>,
      tpu.vector_store %arg10[%swap3A_1147, %swap3A_1148], %add3A_1145 {strides = array<i32>} : memref<32x512xi32, #tpu.memory_space<vmem>>, vector<16xi32>,
      %add3A_1150 = arith.constant 2300023 : i32
      %add3A_1151 = vector.broadcast %add3A_1150 : i32 to vector<16xi32>
      %add3A_1152 = arith.addi %get3A_989, %add3A_1151 : vector<16xi32>
      %swap3A_1153 = arith.constant 23 : i32
      %swap3A_1154 = arith.index_cast %swap3A_1153 : i32 to index
      %swap3A_1155 = arith.index_cast %multiple_of3A : i32 to index
      %swap3A_1156 = tpu.vector_load %arg10[%swap3A_1154, %swap3A_1155] {strides = array<i32>} : memref<32x512xi32, #tpu.memory_space<vmem>>, vector<16xi32>,
      tpu.vector_store %arg10[%swap3A_1154, %swap3A_1155], %add3A_1152 {strides = array<i32>} : memref<32x512xi32, #tpu.memory_space<vmem>>, vector<16xi32>,
      %add3A_1157 = arith.constant 2400024 : i32
      %add3A_1158 = vector.broadcast %add3A_1157 : i32 to vector<16xi32>
      %add3A_1159 = arith.addi %get3A_989, %add3A_1158 : vector<16xi32>
      %swap3A_1160 = arith.constant 24 : i32
      %swap3A_1161 = arith.index_cast %swap3A_1160 : i32 to index
      %swap3A_1162 = arith.index_cast %multiple_of3A : i32 to index
      %swap3A_1163 = tpu.vector_load %arg10[%swap3A_1161, %swap3A_1162] {strides = array<i32>} : memref<32x512xi32, #tpu.memory_space<vmem>>, vector<16xi32>,
      tpu.vector_store %arg10[%swap3A_1161, %swap3A_1162], %add3A_1159 {strides = array<i32>} : memref<32x512xi32, #tpu.memory_space<vmem>>, vector<16xi32>,
      %add3A_1164 = arith.constant 2500025 : i32
      %add3A_1165 = vector.broadcast %add3A_1164 : i32 to vector<16xi32>
      %add3A_1166 = arith.addi %get3A_989, %add3A_1165 : vector<16xi32>
      %swap3A_1167 = arith.constant 25 : i32
      %swap3A_1168 = arith.index_cast %swap3A_1167 : i32 to index
      %swap3A_1169 = arith.index_cast %multiple_of3A : i32 to index
      %swap3A_1170 = tpu.vector_load %arg10[%swap3A_1168, %swap3A_1169] {strides = array<i32>} : memref<32x512xi32, #tpu.memory_space<vmem>>, vector<16xi32>,
      tpu.vector_store %arg10[%swap3A_1168, %swap3A_1169], %add3A_1166 {strides = array<i32>} : memref<32x512xi32, #tpu.memory_space<vmem>>, vector<16xi32>,
      %add3A_1171 = arith.constant 2600026 : i32
      %add3A_1172 = vector.broadcast %add3A_1171 : i32 to vector<16xi32>
      %add3A_1173 = arith.addi %get3A_989, %add3A_1172 : vector<16xi32>
      %swap3A_1174 = arith.constant 26 : i32
      %swap3A_1175 = arith.index_cast %swap3A_1174 : i32 to index
      %swap3A_1176 = arith.index_cast %multiple_of3A : i32 to index
      %swap3A_1177 = tpu.vector_load %arg10[%swap3A_1175, %swap3A_1176] {strides = array<i32>} : memref<32x512xi32, #tpu.memory_space<vmem>>, vector<16xi32>,
      tpu.vector_store %arg10[%swap3A_1175, %swap3A_1176], %add3A_1173 {strides = array<i32>} : memref<32x512xi32, #tpu.memory_space<vmem>>, vector<16xi32>,
      %add3A_1178 = arith.constant 2700027 : i32
      %add3A_1179 = vector.broadcast %add3A_1178 : i32 to vector<16xi32>
      %add3A_1180 = arith.addi %get3A_989, %add3A_1179 : vector<16xi32>
      %swap3A_1181 = arith.constant 27 : i32
      %swap3A_1182 = arith.index_cast %swap3A_1181 : i32 to index
      %swap3A_1183 = arith.index_cast %multiple_of3A : i32 to index
      %swap3A_1184 = tpu.vector_load %arg10[%swap3A_1182, %swap3A_1183] {strides = array<i32>} : memref<32x512xi32, #tpu.memory_space<vmem>>, vector<16xi32>,
      tpu.vector_store %arg10[%swap3A_1182, %swap3A_1183], %add3A_1180 {strides = array<i32>} : memref<32x512xi32, #tpu.memory_space<vmem>>, vector<16xi32>,
      %add3A_1185 = arith.constant 2800028 : i32
      %add3A_1186 = vector.broadcast %add3A_1185 : i32 to vector<16xi32>
      %add3A_1187 = arith.addi %get3A_989, %add3A_1186 : vector<16xi32>
      %swap3A_1188 = arith.constant 28 : i32
      %swap3A_1189 = arith.index_cast %swap3A_1188 : i32 to index
      %swap3A_1190 = arith.index_cast %multiple_of3A : i32 to index
      %swap3A_1191 = tpu.vector_load %arg10[%swap3A_1189, %swap3A_1190] {strides = array<i32>} : memref<32x512xi32, #tpu.memory_space<vmem>>, vector<16xi32>,
      tpu.vector_store %arg10[%swap3A_1189, %swap3A_1190], %add3A_1187 {strides = array<i32>} : memref<32x512xi32, #tpu.memory_space<vmem>>, vector<16xi32>,
      %add3A_1192 = arith.constant 2900029 : i32
      %add3A_1193 = vector.broadcast %add3A_1192 : i32 to vector<16xi32>
      %add3A_1194 = arith.addi %get3A_989, %add3A_1193 : vector<16xi32>
      %swap3A_1195 = arith.constant 29 : i32
      %swap3A_1196 = arith.index_cast %swap3A_1195 : i32 to index
      %swap3A_1197 = arith.index_cast %multiple_of3A : i32 to index
      %swap3A_1198 = tpu.vector_load %arg10[%swap3A_1196, %swap3A_1197] {strides = array<i32>} : memref<32x512xi32, #tpu.memory_space<vmem>>, vector<16xi32>,
      tpu.vector_store %arg10[%swap3A_1196, %swap3A_1197], %add3A_1194 {strides = array<i32>} : memref<32x512xi32, #tpu.memory_space<vmem>>, vector<16xi32>,
      %add3A_1199 = arith.constant 3000030 : i32
      %add3A_1200 = vector.broadcast %add3A_1199 : i32 to vector<16xi32>
      %add3A_1201 = arith.addi %get3A_989, %add3A_1200 : vector<16xi32>
      %swap3A_1202 = arith.constant 30 : i32
      %swap3A_1203 = arith.index_cast %swap3A_1202 : i32 to index
      %swap3A_1204 = arith.index_cast %multiple_of3A : i32 to index
      %swap3A_1205 = tpu.vector_load %arg10[%swap3A_1203, %swap3A_1204] {strides = array<i32>} : memref<32x512xi32, #tpu.memory_space<vmem>>, vector<16xi32>,
      tpu.vector_store %arg10[%swap3A_1203, %swap3A_1204], %add3A_1201 {strides = array<i32>} : memref<32x512xi32, #tpu.memory_space<vmem>>, vector<16xi32>,
      %add3A_1206 = arith.constant 3100031 : i32
      %add3A_1207 = vector.broadcast %add3A_1206 : i32 to vector<16xi32>
      %add3A_1208 = arith.addi %get3A_989, %add3A_1207 : vector<16xi32>
      %swap3A_1209 = arith.constant 31 : i32
      %swap3A_1210 = arith.index_cast %swap3A_1209 : i32 to index
      %swap3A_1211 = arith.index_cast %multiple_of3A : i32 to index
      %swap3A_1212 = tpu.vector_load %arg10[%swap3A_1210, %swap3A_1211] {strides = array<i32>} : memref<32x512xi32, #tpu.memory_space<vmem>>, vector<16xi32>,
      tpu.vector_store %arg10[%swap3A_1210, %swap3A_1211], %add3A_1208 {strides = array<i32>} : memref<32x512xi32, #tpu.memory_space<vmem>>, vector<16xi32>,
    }
    %scan3A_161 = arith.constant 32 : i32
    %dma_start3A_162 = arith.constant 0 : i32
    %dma_start3A_163 = arith.constant 0 : i32
    %dma_start3A_164 = arith.constant 0 : i32
    %dma_start3A_165 = tpu.memref_slice %arg11[%dma_start3A_163, %dma_start3A_164] : memref<32x512xf32, #tpu.memory_space<vmem>> -> memref<1x512xf32, #tpu.memory_space<vmem>>
    %dma_start3A_166 = tpu.memref_squeeze %dma_start3A_165 : memref<1x512xf32, #tpu.memory_space<vmem>> -> memref<512xf32, #tpu.memory_space<vmem>>
    %dma_start3A_167 = arith.constant 0 : i32
    %dma_start3A_168 = tpu.memref_slice %arg10[%dma_start3A_162, %dma_start3A_167] : memref<32x512xi32, #tpu.memory_space<vmem>> -> memref<1x512xi32, #tpu.memory_space<vmem>>
    %dma_start3A_169 = tpu.memref_squeeze %dma_start3A_168 : memref<1x512xi32, #tpu.memory_space<vmem>> -> memref<512xi32, #tpu.memory_space<vmem>>
    %dma_start3A_170 = arith.constant 0 : i32
    %dma_start3A_171 = tpu.memref_slice %arg4[%dma_start3A_170] : memref<3200032xf32, #tpu.memory_space<hbm>> -> memref<3200032xf32, #tpu.memory_space<hbm>>
    tpu.enqueue_indirect_dma source(%dma_start3A_171 : memref<3200032xf32, #tpu.memory_space<hbm>>) target(%dma_start3A_166 : memref<512xf32, #tpu.memory_space<vmem>>) offsets(%dma_start3A_169 : memref<512xi32, #tpu.memory_space<vmem>>) semaphore(%arg19 : memref<!tpu.dma_semaphore, #tpu.memory_space<semaphore_mem>>)
    %dma_start3A_172 = arith.constant 1 : i32
    %dma_start3A_173 = arith.constant 1 : i32
    %dma_start3A_174 = arith.constant 0 : i32
    %dma_start3A_175 = tpu.memref_slice %arg11[%dma_start3A_173, %dma_start3A_174] : memref<32x512xf32, #tpu.memory_space<vmem>> -> memref<1x512xf32, #tpu.memory_space<vmem>>
    %dma_start3A_176 = tpu.memref_squeeze %dma_start3A_175 : memref<1x512xf32, #tpu.memory_space<vmem>> -> memref<512xf32, #tpu.memory_space<vmem>>
    %dma_start3A_177 = arith.constant 0 : i32
    %dma_start3A_178 = tpu.memref_slice %arg10[%dma_start3A_172, %dma_start3A_177] : memref<32x512xi32, #tpu.memory_space<vmem>> -> memref<1x512xi32, #tpu.memory_space<vmem>>
    %dma_start3A_179 = tpu.memref_squeeze %dma_start3A_178 : memref<1x512xi32, #tpu.memory_space<vmem>> -> memref<512xi32, #tpu.memory_space<vmem>>
    %dma_start3A_180 = arith.constant 0 : i32
    %dma_start3A_181 = tpu.memref_slice %arg4[%dma_start3A_180] : memref<3200032xf32, #tpu.memory_space<hbm>> -> memref<3200032xf32, #tpu.memory_space<hbm>>
    tpu.enqueue_indirect_dma source(%dma_start3A_181 : memref<3200032xf32, #tpu.memory_space<hbm>>) target(%dma_start3A_176 : memref<512xf32, #tpu.memory_space<vmem>>) offsets(%dma_start3A_179 : memref<512xi32, #tpu.memory_space<vmem>>) semaphore(%arg19 : memref<!tpu.dma_semaphore, #tpu.memory_space<semaphore_mem>>)
    %dma_start3A_182 = arith.constant 2 : i32
    %dma_start3A_183 = arith.constant 2 : i32
    %dma_start3A_184 = arith.constant 0 : i32
    %dma_start3A_185 = tpu.memref_slice %arg11[%dma_start3A_183, %dma_start3A_184] : memref<32x512xf32, #tpu.memory_space<vmem>> -> memref<1x512xf32, #tpu.memory_space<vmem>>
    %dma_start3A_186 = tpu.memref_squeeze %dma_start3A_185 : memref<1x512xf32, #tpu.memory_space<vmem>> -> memref<512xf32, #tpu.memory_space<vmem>>
    %dma_start3A_187 = arith.constant 0 : i32
    %dma_start3A_188 = tpu.memref_slice %arg10[%dma_start3A_182, %dma_start3A_187] : memref<32x512xi32, #tpu.memory_space<vmem>> -> memref<1x512xi32, #tpu.memory_space<vmem>>
    %dma_start3A_189 = tpu.memref_squeeze %dma_start3A_188 : memref<1x512xi32, #tpu.memory_space<vmem>> -> memref<512xi32, #tpu.memory_space<vmem>>
    %dma_start3A_190 = arith.constant 0 : i32
    %dma_start3A_191 = tpu.memref_slice %arg4[%dma_start3A_190] : memref<3200032xf32, #tpu.memory_space<hbm>> -> memref<3200032xf32, #tpu.memory_space<hbm>>
    tpu.enqueue_indirect_dma source(%dma_start3A_191 : memref<3200032xf32, #tpu.memory_space<hbm>>) target(%dma_start3A_186 : memref<512xf32, #tpu.memory_space<vmem>>) offsets(%dma_start3A_189 : memref<512xi32, #tpu.memory_space<vmem>>) semaphore(%arg19 : memref<!tpu.dma_semaphore, #tpu.memory_space<semaphore_mem>>)
    %dma_start3A_192 = arith.constant 3 : i32
    %dma_start3A_193 = arith.constant 3 : i32
    %dma_start3A_194 = arith.constant 0 : i32
    %dma_start3A_195 = tpu.memref_slice %arg11[%dma_start3A_193, %dma_start3A_194] : memref<32x512xf32, #tpu.memory_space<vmem>> -> memref<1x512xf32, #tpu.memory_space<vmem>>
    %dma_start3A_196 = tpu.memref_squeeze %dma_start3A_195 : memref<1x512xf32, #tpu.memory_space<vmem>> -> memref<512xf32, #tpu.memory_space<vmem>>
    %dma_start3A_197 = arith.constant 0 : i32
    %dma_start3A_198 = tpu.memref_slice %arg10[%dma_start3A_192, %dma_start3A_197] : memref<32x512xi32, #tpu.memory_space<vmem>> -> memref<1x512xi32, #tpu.memory_space<vmem>>
    %dma_start3A_199 = tpu.memref_squeeze %dma_start3A_198 : memref<1x512xi32, #tpu.memory_space<vmem>> -> memref<512xi32, #tpu.memory_space<vmem>>
    %dma_start3A_200 = arith.constant 0 : i32
    %dma_start3A_201 = tpu.memref_slice %arg4[%dma_start3A_200] : memref<3200032xf32, #tpu.memory_space<hbm>> -> memref<3200032xf32, #tpu.memory_space<hbm>>
    tpu.enqueue_indirect_dma source(%dma_start3A_201 : memref<3200032xf32, #tpu.memory_space<hbm>>) target(%dma_start3A_196 : memref<512xf32, #tpu.memory_space<vmem>>) offsets(%dma_start3A_199 : memref<512xi32, #tpu.memory_space<vmem>>) semaphore(%arg19 : memref<!tpu.dma_semaphore, #tpu.memory_space<semaphore_mem>>)
    %dma_start3A_202 = arith.constant 4 : i32
    %dma_start3A_203 = arith.constant 4 : i32
    %dma_start3A_204 = arith.constant 0 : i32
    %dma_start3A_205 = tpu.memref_slice %arg11[%dma_start3A_203, %dma_start3A_204] : memref<32x512xf32, #tpu.memory_space<vmem>> -> memref<1x512xf32, #tpu.memory_space<vmem>>
    %dma_start3A_206 = tpu.memref_squeeze %dma_start3A_205 : memref<1x512xf32, #tpu.memory_space<vmem>> -> memref<512xf32, #tpu.memory_space<vmem>>
    %dma_start3A_207 = arith.constant 0 : i32
    %dma_start3A_208 = tpu.memref_slice %arg10[%dma_start3A_202, %dma_start3A_207] : memref<32x512xi32, #tpu.memory_space<vmem>> -> memref<1x512xi32, #tpu.memory_space<vmem>>
    %dma_start3A_209 = tpu.memref_squeeze %dma_start3A_208 : memref<1x512xi32, #tpu.memory_space<vmem>> -> memref<512xi32, #tpu.memory_space<vmem>>
    %dma_start3A_210 = arith.constant 0 : i32
    %dma_start3A_211 = tpu.memref_slice %arg4[%dma_start3A_210] : memref<3200032xf32, #tpu.memory_space<hbm>> -> memref<3200032xf32, #tpu.memory_space<hbm>>
    tpu.enqueue_indirect_dma source(%dma_start3A_211 : memref<3200032xf32, #tpu.memory_space<hbm>>) target(%dma_start3A_206 : memref<512xf32, #tpu.memory_space<vmem>>) offsets(%dma_start3A_209 : memref<512xi32, #tpu.memory_space<vmem>>) semaphore(%arg19 : memref<!tpu.dma_semaphore, #tpu.memory_space<semaphore_mem>>)
    %dma_start3A_212 = arith.constant 5 : i32
    %dma_start3A_213 = arith.constant 5 : i32
    %dma_start3A_214 = arith.constant 0 : i32
    %dma_start3A_215 = tpu.memref_slice %arg11[%dma_start3A_213, %dma_start3A_214] : memref<32x512xf32, #tpu.memory_space<vmem>> -> memref<1x512xf32, #tpu.memory_space<vmem>>
    %dma_start3A_216 = tpu.memref_squeeze %dma_start3A_215 : memref<1x512xf32, #tpu.memory_space<vmem>> -> memref<512xf32, #tpu.memory_space<vmem>>
    %dma_start3A_217 = arith.constant 0 : i32
    %dma_start3A_218 = tpu.memref_slice %arg10[%dma_start3A_212, %dma_start3A_217] : memref<32x512xi32, #tpu.memory_space<vmem>> -> memref<1x512xi32, #tpu.memory_space<vmem>>
    %dma_start3A_219 = tpu.memref_squeeze %dma_start3A_218 : memref<1x512xi32, #tpu.memory_space<vmem>> -> memref<512xi32, #tpu.memory_space<vmem>>
    %dma_start3A_220 = arith.constant 0 : i32
    %dma_start3A_221 = tpu.memref_slice %arg4[%dma_start3A_220] : memref<3200032xf32, #tpu.memory_space<hbm>> -> memref<3200032xf32, #tpu.memory_space<hbm>>
    tpu.enqueue_indirect_dma source(%dma_start3A_221 : memref<3200032xf32, #tpu.memory_space<hbm>>) target(%dma_start3A_216 : memref<512xf32, #tpu.memory_space<vmem>>) offsets(%dma_start3A_219 : memref<512xi32, #tpu.memory_space<vmem>>) semaphore(%arg19 : memref<!tpu.dma_semaphore, #tpu.memory_space<semaphore_mem>>)
    %dma_start3A_222 = arith.constant 6 : i32
    %dma_start3A_223 = arith.constant 6 : i32
    %dma_start3A_224 = arith.constant 0 : i32
    %dma_start3A_225 = tpu.memref_slice %arg11[%dma_start3A_223, %dma_start3A_224] : memref<32x512xf32, #tpu.memory_space<vmem>> -> memref<1x512xf32, #tpu.memory_space<vmem>>
    %dma_start3A_226 = tpu.memref_squeeze %dma_start3A_225 : memref<1x512xf32, #tpu.memory_space<vmem>> -> memref<512xf32, #tpu.memory_space<vmem>>
    %dma_start3A_227 = arith.constant 0 : i32
    %dma_start3A_228 = tpu.memref_slice %arg10[%dma_start3A_222, %dma_start3A_227] : memref<32x512xi32, #tpu.memory_space<vmem>> -> memref<1x512xi32, #tpu.memory_space<vmem>>
    %dma_start3A_229 = tpu.memref_squeeze %dma_start3A_228 : memref<1x512xi32, #tpu.memory_space<vmem>> -> memref<512xi32, #tpu.memory_space<vmem>>
    %dma_start3A_230 = arith.constant 0 : i32
    %dma_start3A_231 = tpu.memref_slice %arg4[%dma_start3A_230] : memref<3200032xf32, #tpu.memory_space<hbm>> -> memref<3200032xf32, #tpu.memory_space<hbm>>
    tpu.enqueue_indirect_dma source(%dma_start3A_231 : memref<3200032xf32, #tpu.memory_space<hbm>>) target(%dma_start3A_226 : memref<512xf32, #tpu.memory_space<vmem>>) offsets(%dma_start3A_229 : memref<512xi32, #tpu.memory_space<vmem>>) semaphore(%arg19 : memref<!tpu.dma_semaphore, #tpu.memory_space<semaphore_mem>>)
    %dma_start3A_232 = arith.constant 7 : i32
    %dma_start3A_233 = arith.constant 7 : i32
    %dma_start3A_234 = arith.constant 0 : i32
    %dma_start3A_235 = tpu.memref_slice %arg11[%dma_start3A_233, %dma_start3A_234] : memref<32x512xf32, #tpu.memory_space<vmem>> -> memref<1x512xf32, #tpu.memory_space<vmem>>
    %dma_start3A_236 = tpu.memref_squeeze %dma_start3A_235 : memref<1x512xf32, #tpu.memory_space<vmem>> -> memref<512xf32, #tpu.memory_space<vmem>>
    %dma_start3A_237 = arith.constant 0 : i32
    %dma_start3A_238 = tpu.memref_slice %arg10[%dma_start3A_232, %dma_start3A_237] : memref<32x512xi32, #tpu.memory_space<vmem>> -> memref<1x512xi32, #tpu.memory_space<vmem>>
    %dma_start3A_239 = tpu.memref_squeeze %dma_start3A_238 : memref<1x512xi32, #tpu.memory_space<vmem>> -> memref<512xi32, #tpu.memory_space<vmem>>
    %dma_start3A_240 = arith.constant 0 : i32
    %dma_start3A_241 = tpu.memref_slice %arg4[%dma_start3A_240] : memref<3200032xf32, #tpu.memory_space<hbm>> -> memref<3200032xf32, #tpu.memory_space<hbm>>
    tpu.enqueue_indirect_dma source(%dma_start3A_241 : memref<3200032xf32, #tpu.memory_space<hbm>>) target(%dma_start3A_236 : memref<512xf32, #tpu.memory_space<vmem>>) offsets(%dma_start3A_239 : memref<512xi32, #tpu.memory_space<vmem>>) semaphore(%arg19 : memref<!tpu.dma_semaphore, #tpu.memory_space<semaphore_mem>>)
    %dma_start3A_242 = arith.constant 8 : i32
    %dma_start3A_243 = arith.constant 8 : i32
    %dma_start3A_244 = arith.constant 0 : i32
    %dma_start3A_245 = tpu.memref_slice %arg11[%dma_start3A_243, %dma_start3A_244] : memref<32x512xf32, #tpu.memory_space<vmem>> -> memref<1x512xf32, #tpu.memory_space<vmem>>
    %dma_start3A_246 = tpu.memref_squeeze %dma_start3A_245 : memref<1x512xf32, #tpu.memory_space<vmem>> -> memref<512xf32, #tpu.memory_space<vmem>>
    %dma_start3A_247 = arith.constant 0 : i32
    %dma_start3A_248 = tpu.memref_slice %arg10[%dma_start3A_242, %dma_start3A_247] : memref<32x512xi32, #tpu.memory_space<vmem>> -> memref<1x512xi32, #tpu.memory_space<vmem>>
    %dma_start3A_249 = tpu.memref_squeeze %dma_start3A_248 : memref<1x512xi32, #tpu.memory_space<vmem>> -> memref<512xi32, #tpu.memory_space<vmem>>
    %dma_start3A_250 = arith.constant 0 : i32
    %dma_start3A_251 = tpu.memref_slice %arg4[%dma_start3A_250] : memref<3200032xf32, #tpu.memory_space<hbm>> -> memref<3200032xf32, #tpu.memory_space<hbm>>
    tpu.enqueue_indirect_dma source(%dma_start3A_251 : memref<3200032xf32, #tpu.memory_space<hbm>>) target(%dma_start3A_246 : memref<512xf32, #tpu.memory_space<vmem>>) offsets(%dma_start3A_249 : memref<512xi32, #tpu.memory_space<vmem>>) semaphore(%arg19 : memref<!tpu.dma_semaphore, #tpu.memory_space<semaphore_mem>>)
    %dma_start3A_252 = arith.constant 9 : i32
    %dma_start3A_253 = arith.constant 9 : i32
    %dma_start3A_254 = arith.constant 0 : i32
    %dma_start3A_255 = tpu.memref_slice %arg11[%dma_start3A_253, %dma_start3A_254] : memref<32x512xf32, #tpu.memory_space<vmem>> -> memref<1x512xf32, #tpu.memory_space<vmem>>
    %dma_start3A_256 = tpu.memref_squeeze %dma_start3A_255 : memref<1x512xf32, #tpu.memory_space<vmem>> -> memref<512xf32, #tpu.memory_space<vmem>>
    %dma_start3A_257 = arith.constant 0 : i32
    %dma_start3A_258 = tpu.memref_slice %arg10[%dma_start3A_252, %dma_start3A_257] : memref<32x512xi32, #tpu.memory_space<vmem>> -> memref<1x512xi32, #tpu.memory_space<vmem>>
    %dma_start3A_259 = tpu.memref_squeeze %dma_start3A_258 : memref<1x512xi32, #tpu.memory_space<vmem>> -> memref<512xi32, #tpu.memory_space<vmem>>
    %dma_start3A_260 = arith.constant 0 : i32
    %dma_start3A_261 = tpu.memref_slice %arg4[%dma_start3A_260] : memref<3200032xf32, #tpu.memory_space<hbm>> -> memref<3200032xf32, #tpu.memory_space<hbm>>
    tpu.enqueue_indirect_dma source(%dma_start3A_261 : memref<3200032xf32, #tpu.memory_space<hbm>>) target(%dma_start3A_256 : memref<512xf32, #tpu.memory_space<vmem>>) offsets(%dma_start3A_259 : memref<512xi32, #tpu.memory_space<vmem>>) semaphore(%arg19 : memref<!tpu.dma_semaphore, #tpu.memory_space<semaphore_mem>>)
    %dma_start3A_262 = arith.constant 10 : i32
    %dma_start3A_263 = arith.constant 10 : i32
    %dma_start3A_264 = arith.constant 0 : i32
    %dma_start3A_265 = tpu.memref_slice %arg11[%dma_start3A_263, %dma_start3A_264] : memref<32x512xf32, #tpu.memory_space<vmem>> -> memref<1x512xf32, #tpu.memory_space<vmem>>
    %dma_start3A_266 = tpu.memref_squeeze %dma_start3A_265 : memref<1x512xf32, #tpu.memory_space<vmem>> -> memref<512xf32, #tpu.memory_space<vmem>>
    %dma_start3A_267 = arith.constant 0 : i32
    %dma_start3A_268 = tpu.memref_slice %arg10[%dma_start3A_262, %dma_start3A_267] : memref<32x512xi32, #tpu.memory_space<vmem>> -> memref<1x512xi32, #tpu.memory_space<vmem>>
    %dma_start3A_269 = tpu.memref_squeeze %dma_start3A_268 : memref<1x512xi32, #tpu.memory_space<vmem>> -> memref<512xi32, #tpu.memory_space<vmem>>
    %dma_start3A_270 = arith.constant 0 : i32
    %dma_start3A_271 = tpu.memref_slice %arg4[%dma_start3A_270] : memref<3200032xf32, #tpu.memory_space<hbm>> -> memref<3200032xf32, #tpu.memory_space<hbm>>
    tpu.enqueue_indirect_dma source(%dma_start3A_271 : memref<3200032xf32, #tpu.memory_space<hbm>>) target(%dma_start3A_266 : memref<512xf32, #tpu.memory_space<vmem>>) offsets(%dma_start3A_269 : memref<512xi32, #tpu.memory_space<vmem>>) semaphore(%arg19 : memref<!tpu.dma_semaphore, #tpu.memory_space<semaphore_mem>>)
    %dma_start3A_272 = arith.constant 11 : i32
    %dma_start3A_273 = arith.constant 11 : i32
    %dma_start3A_274 = arith.constant 0 : i32
    %dma_start3A_275 = tpu.memref_slice %arg11[%dma_start3A_273, %dma_start3A_274] : memref<32x512xf32, #tpu.memory_space<vmem>> -> memref<1x512xf32, #tpu.memory_space<vmem>>
    %dma_start3A_276 = tpu.memref_squeeze %dma_start3A_275 : memref<1x512xf32, #tpu.memory_space<vmem>> -> memref<512xf32, #tpu.memory_space<vmem>>
    %dma_start3A_277 = arith.constant 0 : i32
    %dma_start3A_278 = tpu.memref_slice %arg10[%dma_start3A_272, %dma_start3A_277] : memref<32x512xi32, #tpu.memory_space<vmem>> -> memref<1x512xi32, #tpu.memory_space<vmem>>
    %dma_start3A_279 = tpu.memref_squeeze %dma_start3A_278 : memref<1x512xi32, #tpu.memory_space<vmem>> -> memref<512xi32, #tpu.memory_space<vmem>>
    %dma_start3A_280 = arith.constant 0 : i32
    %dma_start3A_281 = tpu.memref_slice %arg4[%dma_start3A_280] : memref<3200032xf32, #tpu.memory_space<hbm>> -> memref<3200032xf32, #tpu.memory_space<hbm>>
    tpu.enqueue_indirect_dma source(%dma_start3A_281 : memref<3200032xf32, #tpu.memory_space<hbm>>) target(%dma_start3A_276 : memref<512xf32, #tpu.memory_space<vmem>>) offsets(%dma_start3A_279 : memref<512xi32, #tpu.memory_space<vmem>>) semaphore(%arg19 : memref<!tpu.dma_semaphore, #tpu.memory_space<semaphore_mem>>)
    %dma_start3A_282 = arith.constant 12 : i32
    %dma_start3A_283 = arith.constant 12 : i32
    %dma_start3A_284 = arith.constant 0 : i32
    %dma_start3A_285 = tpu.memref_slice %arg11[%dma_start3A_283, %dma_start3A_284] : memref<32x512xf32, #tpu.memory_space<vmem>> -> memref<1x512xf32, #tpu.memory_space<vmem>>
    %dma_start3A_286 = tpu.memref_squeeze %dma_start3A_285 : memref<1x512xf32, #tpu.memory_space<vmem>> -> memref<512xf32, #tpu.memory_space<vmem>>
    %dma_start3A_287 = arith.constant 0 : i32
    %dma_start3A_288 = tpu.memref_slice %arg10[%dma_start3A_282, %dma_start3A_287] : memref<32x512xi32, #tpu.memory_space<vmem>> -> memref<1x512xi32, #tpu.memory_space<vmem>>
    %dma_start3A_289 = tpu.memref_squeeze %dma_start3A_288 : memref<1x512xi32, #tpu.memory_space<vmem>> -> memref<512xi32, #tpu.memory_space<vmem>>
    %dma_start3A_290 = arith.constant 0 : i32
    %dma_start3A_291 = tpu.memref_slice %arg4[%dma_start3A_290] : memref<3200032xf32, #tpu.memory_space<hbm>> -> memref<3200032xf32, #tpu.memory_space<hbm>>
    tpu.enqueue_indirect_dma source(%dma_start3A_291 : memref<3200032xf32, #tpu.memory_space<hbm>>) target(%dma_start3A_286 : memref<512xf32, #tpu.memory_space<vmem>>) offsets(%dma_start3A_289 : memref<512xi32, #tpu.memory_space<vmem>>) semaphore(%arg19 : memref<!tpu.dma_semaphore, #tpu.memory_space<semaphore_mem>>)
    %dma_start3A_292 = arith.constant 13 : i32
    %dma_start3A_293 = arith.constant 13 : i32
    %dma_start3A_294 = arith.constant 0 : i32
    %dma_start3A_295 = tpu.memref_slice %arg11[%dma_start3A_293, %dma_start3A_294] : memref<32x512xf32, #tpu.memory_space<vmem>> -> memref<1x512xf32, #tpu.memory_space<vmem>>
    %dma_start3A_296 = tpu.memref_squeeze %dma_start3A_295 : memref<1x512xf32, #tpu.memory_space<vmem>> -> memref<512xf32, #tpu.memory_space<vmem>>
    %dma_start3A_297 = arith.constant 0 : i32
    %dma_start3A_298 = tpu.memref_slice %arg10[%dma_start3A_292, %dma_start3A_297] : memref<32x512xi32, #tpu.memory_space<vmem>> -> memref<1x512xi32, #tpu.memory_space<vmem>>
    %dma_start3A_299 = tpu.memref_squeeze %dma_start3A_298 : memref<1x512xi32, #tpu.memory_space<vmem>> -> memref<512xi32, #tpu.memory_space<vmem>>
    %dma_start3A_300 = arith.constant 0 : i32
    %dma_start3A_301 = tpu.memref_slice %arg4[%dma_start3A_300] : memref<3200032xf32, #tpu.memory_space<hbm>> -> memref<3200032xf32, #tpu.memory_space<hbm>>
    tpu.enqueue_indirect_dma source(%dma_start3A_301 : memref<3200032xf32, #tpu.memory_space<hbm>>) target(%dma_start3A_296 : memref<512xf32, #tpu.memory_space<vmem>>) offsets(%dma_start3A_299 : memref<512xi32, #tpu.memory_space<vmem>>) semaphore(%arg19 : memref<!tpu.dma_semaphore, #tpu.memory_space<semaphore_mem>>)
    %dma_start3A_302 = arith.constant 14 : i32
    %dma_start3A_303 = arith.constant 14 : i32
    %dma_start3A_304 = arith.constant 0 : i32
    %dma_start3A_305 = tpu.memref_slice %arg11[%dma_start3A_303, %dma_start3A_304] : memref<32x512xf32, #tpu.memory_space<vmem>> -> memref<1x512xf32, #tpu.memory_space<vmem>>
    %dma_start3A_306 = tpu.memref_squeeze %dma_start3A_305 : memref<1x512xf32, #tpu.memory_space<vmem>> -> memref<512xf32, #tpu.memory_space<vmem>>
    %dma_start3A_307 = arith.constant 0 : i32
    %dma_start3A_308 = tpu.memref_slice %arg10[%dma_start3A_302, %dma_start3A_307] : memref<32x512xi32, #tpu.memory_space<vmem>> -> memref<1x512xi32, #tpu.memory_space<vmem>>
    %dma_start3A_309 = tpu.memref_squeeze %dma_start3A_308 : memref<1x512xi32, #tpu.memory_space<vmem>> -> memref<512xi32, #tpu.memory_space<vmem>>
    %dma_start3A_310 = arith.constant 0 : i32
    %dma_start3A_311 = tpu.memref_slice %arg4[%dma_start3A_310] : memref<3200032xf32, #tpu.memory_space<hbm>> -> memref<3200032xf32, #tpu.memory_space<hbm>>
    tpu.enqueue_indirect_dma source(%dma_start3A_311 : memref<3200032xf32, #tpu.memory_space<hbm>>) target(%dma_start3A_306 : memref<512xf32, #tpu.memory_space<vmem>>) offsets(%dma_start3A_309 : memref<512xi32, #tpu.memory_space<vmem>>) semaphore(%arg19 : memref<!tpu.dma_semaphore, #tpu.memory_space<semaphore_mem>>)
    %dma_start3A_312 = arith.constant 15 : i32
    %dma_start3A_313 = arith.constant 15 : i32
    %dma_start3A_314 = arith.constant 0 : i32
    %dma_start3A_315 = tpu.memref_slice %arg11[%dma_start3A_313, %dma_start3A_314] : memref<32x512xf32, #tpu.memory_space<vmem>> -> memref<1x512xf32, #tpu.memory_space<vmem>>
    %dma_start3A_316 = tpu.memref_squeeze %dma_start3A_315 : memref<1x512xf32, #tpu.memory_space<vmem>> -> memref<512xf32, #tpu.memory_space<vmem>>
    %dma_start3A_317 = arith.constant 0 : i32
    %dma_start3A_318 = tpu.memref_slice %arg10[%dma_start3A_312, %dma_start3A_317] : memref<32x512xi32, #tpu.memory_space<vmem>> -> memref<1x512xi32, #tpu.memory_space<vmem>>
    %dma_start3A_319 = tpu.memref_squeeze %dma_start3A_318 : memref<1x512xi32, #tpu.memory_space<vmem>> -> memref<512xi32, #tpu.memory_space<vmem>>
    %dma_start3A_320 = arith.constant 0 : i32
    %dma_start3A_321 = tpu.memref_slice %arg4[%dma_start3A_320] : memref<3200032xf32, #tpu.memory_space<hbm>> -> memref<3200032xf32, #tpu.memory_space<hbm>>
    tpu.enqueue_indirect_dma source(%dma_start3A_321 : memref<3200032xf32, #tpu.memory_space<hbm>>) target(%dma_start3A_316 : memref<512xf32, #tpu.memory_space<vmem>>) offsets(%dma_start3A_319 : memref<512xi32, #tpu.memory_space<vmem>>) semaphore(%arg19 : memref<!tpu.dma_semaphore, #tpu.memory_space<semaphore_mem>>)
    %dma_start3A_322 = arith.constant 16 : i32
    %dma_start3A_323 = arith.constant 16 : i32
    %dma_start3A_324 = arith.constant 0 : i32
    %dma_start3A_325 = tpu.memref_slice %arg11[%dma_start3A_323, %dma_start3A_324] : memref<32x512xf32, #tpu.memory_space<vmem>> -> memref<1x512xf32, #tpu.memory_space<vmem>>
    %dma_start3A_326 = tpu.memref_squeeze %dma_start3A_325 : memref<1x512xf32, #tpu.memory_space<vmem>> -> memref<512xf32, #tpu.memory_space<vmem>>
    %dma_start3A_327 = arith.constant 0 : i32
    %dma_start3A_328 = tpu.memref_slice %arg10[%dma_start3A_322, %dma_start3A_327] : memref<32x512xi32, #tpu.memory_space<vmem>> -> memref<1x512xi32, #tpu.memory_space<vmem>>
    %dma_start3A_329 = tpu.memref_squeeze %dma_start3A_328 : memref<1x512xi32, #tpu.memory_space<vmem>> -> memref<512xi32, #tpu.memory_space<vmem>>
    %dma_start3A_330 = arith.constant 0 : i32
    %dma_start3A_331 = tpu.memref_slice %arg4[%dma_start3A_330] : memref<3200032xf32, #tpu.memory_space<hbm>> -> memref<3200032xf32, #tpu.memory_space<hbm>>
    tpu.enqueue_indirect_dma source(%dma_start3A_331 : memref<3200032xf32, #tpu.memory_space<hbm>>) target(%dma_start3A_326 : memref<512xf32, #tpu.memory_space<vmem>>) offsets(%dma_start3A_329 : memref<512xi32, #tpu.memory_space<vmem>>) semaphore(%arg19 : memref<!tpu.dma_semaphore, #tpu.memory_space<semaphore_mem>>)
    %dma_start3A_332 = arith.constant 17 : i32
    %dma_start3A_333 = arith.constant 17 : i32
    %dma_start3A_334 = arith.constant 0 : i32
    %dma_start3A_335 = tpu.memref_slice %arg11[%dma_start3A_333, %dma_start3A_334] : memref<32x512xf32, #tpu.memory_space<vmem>> -> memref<1x512xf32, #tpu.memory_space<vmem>>
    %dma_start3A_336 = tpu.memref_squeeze %dma_start3A_335 : memref<1x512xf32, #tpu.memory_space<vmem>> -> memref<512xf32, #tpu.memory_space<vmem>>
    %dma_start3A_337 = arith.constant 0 : i32
    %dma_start3A_338 = tpu.memref_slice %arg10[%dma_start3A_332, %dma_start3A_337] : memref<32x512xi32, #tpu.memory_space<vmem>> -> memref<1x512xi32, #tpu.memory_space<vmem>>
    %dma_start3A_339 = tpu.memref_squeeze %dma_start3A_338 : memref<1x512xi32, #tpu.memory_space<vmem>> -> memref<512xi32, #tpu.memory_space<vmem>>
    %dma_start3A_340 = arith.constant 0 : i32
    %dma_start3A_341 = tpu.memref_slice %arg4[%dma_start3A_340] : memref<3200032xf32, #tpu.memory_space<hbm>> -> memref<3200032xf32, #tpu.memory_space<hbm>>
    tpu.enqueue_indirect_dma source(%dma_start3A_341 : memref<3200032xf32, #tpu.memory_space<hbm>>) target(%dma_start3A_336 : memref<512xf32, #tpu.memory_space<vmem>>) offsets(%dma_start3A_339 : memref<512xi32, #tpu.memory_space<vmem>>) semaphore(%arg19 : memref<!tpu.dma_semaphore, #tpu.memory_space<semaphore_mem>>)
    %dma_start3A_342 = arith.constant 18 : i32
    %dma_start3A_343 = arith.constant 18 : i32
    %dma_start3A_344 = arith.constant 0 : i32
    %dma_start3A_345 = tpu.memref_slice %arg11[%dma_start3A_343, %dma_start3A_344] : memref<32x512xf32, #tpu.memory_space<vmem>> -> memref<1x512xf32, #tpu.memory_space<vmem>>
    %dma_start3A_346 = tpu.memref_squeeze %dma_start3A_345 : memref<1x512xf32, #tpu.memory_space<vmem>> -> memref<512xf32, #tpu.memory_space<vmem>>
    %dma_start3A_347 = arith.constant 0 : i32
    %dma_start3A_348 = tpu.memref_slice %arg10[%dma_start3A_342, %dma_start3A_347] : memref<32x512xi32, #tpu.memory_space<vmem>> -> memref<1x512xi32, #tpu.memory_space<vmem>>
    %dma_start3A_349 = tpu.memref_squeeze %dma_start3A_348 : memref<1x512xi32, #tpu.memory_space<vmem>> -> memref<512xi32, #tpu.memory_space<vmem>>
    %dma_start3A_350 = arith.constant 0 : i32
    %dma_start3A_351 = tpu.memref_slice %arg4[%dma_start3A_350] : memref<3200032xf32, #tpu.memory_space<hbm>> -> memref<3200032xf32, #tpu.memory_space<hbm>>
    tpu.enqueue_indirect_dma source(%dma_start3A_351 : memref<3200032xf32, #tpu.memory_space<hbm>>) target(%dma_start3A_346 : memref<512xf32, #tpu.memory_space<vmem>>) offsets(%dma_start3A_349 : memref<512xi32, #tpu.memory_space<vmem>>) semaphore(%arg19 : memref<!tpu.dma_semaphore, #tpu.memory_space<semaphore_mem>>)
    %dma_start3A_352 = arith.constant 19 : i32
    %dma_start3A_353 = arith.constant 19 : i32
    %dma_start3A_354 = arith.constant 0 : i32
    %dma_start3A_355 = tpu.memref_slice %arg11[%dma_start3A_353, %dma_start3A_354] : memref<32x512xf32, #tpu.memory_space<vmem>> -> memref<1x512xf32, #tpu.memory_space<vmem>>
    %dma_start3A_356 = tpu.memref_squeeze %dma_start3A_355 : memref<1x512xf32, #tpu.memory_space<vmem>> -> memref<512xf32, #tpu.memory_space<vmem>>
    %dma_start3A_357 = arith.constant 0 : i32
    %dma_start3A_358 = tpu.memref_slice %arg10[%dma_start3A_352, %dma_start3A_357] : memref<32x512xi32, #tpu.memory_space<vmem>> -> memref<1x512xi32, #tpu.memory_space<vmem>>
    %dma_start3A_359 = tpu.memref_squeeze %dma_start3A_358 : memref<1x512xi32, #tpu.memory_space<vmem>> -> memref<512xi32, #tpu.memory_space<vmem>>
    %dma_start3A_360 = arith.constant 0 : i32
    %dma_start3A_361 = tpu.memref_slice %arg4[%dma_start3A_360] : memref<3200032xf32, #tpu.memory_space<hbm>> -> memref<3200032xf32, #tpu.memory_space<hbm>>
    tpu.enqueue_indirect_dma source(%dma_start3A_361 : memref<3200032xf32, #tpu.memory_space<hbm>>) target(%dma_start3A_356 : memref<512xf32, #tpu.memory_space<vmem>>) offsets(%dma_start3A_359 : memref<512xi32, #tpu.memory_space<vmem>>) semaphore(%arg19 : memref<!tpu.dma_semaphore, #tpu.memory_space<semaphore_mem>>)
    %dma_start3A_362 = arith.constant 20 : i32
    %dma_start3A_363 = arith.constant 20 : i32
    %dma_start3A_364 = arith.constant 0 : i32
    %dma_start3A_365 = tpu.memref_slice %arg11[%dma_start3A_363, %dma_start3A_364] : memref<32x512xf32, #tpu.memory_space<vmem>> -> memref<1x512xf32, #tpu.memory_space<vmem>>
    %dma_start3A_366 = tpu.memref_squeeze %dma_start3A_365 : memref<1x512xf32, #tpu.memory_space<vmem>> -> memref<512xf32, #tpu.memory_space<vmem>>
    %dma_start3A_367 = arith.constant 0 : i32
    %dma_start3A_368 = tpu.memref_slice %arg10[%dma_start3A_362, %dma_start3A_367] : memref<32x512xi32, #tpu.memory_space<vmem>> -> memref<1x512xi32, #tpu.memory_space<vmem>>
    %dma_start3A_369 = tpu.memref_squeeze %dma_start3A_368 : memref<1x512xi32, #tpu.memory_space<vmem>> -> memref<512xi32, #tpu.memory_space<vmem>>
    %dma_start3A_370 = arith.constant 0 : i32
    %dma_start3A_371 = tpu.memref_slice %arg4[%dma_start3A_370] : memref<3200032xf32, #tpu.memory_space<hbm>> -> memref<3200032xf32, #tpu.memory_space<hbm>>
    tpu.enqueue_indirect_dma source(%dma_start3A_371 : memref<3200032xf32, #tpu.memory_space<hbm>>) target(%dma_start3A_366 : memref<512xf32, #tpu.memory_space<vmem>>) offsets(%dma_start3A_369 : memref<512xi32, #tpu.memory_space<vmem>>) semaphore(%arg19 : memref<!tpu.dma_semaphore, #tpu.memory_space<semaphore_mem>>)
    %dma_start3A_372 = arith.constant 21 : i32
    %dma_start3A_373 = arith.constant 21 : i32
    %dma_start3A_374 = arith.constant 0 : i32
    %dma_start3A_375 = tpu.memref_slice %arg11[%dma_start3A_373, %dma_start3A_374] : memref<32x512xf32, #tpu.memory_space<vmem>> -> memref<1x512xf32, #tpu.memory_space<vmem>>
    %dma_start3A_376 = tpu.memref_squeeze %dma_start3A_375 : memref<1x512xf32, #tpu.memory_space<vmem>> -> memref<512xf32, #tpu.memory_space<vmem>>
    %dma_start3A_377 = arith.constant 0 : i32
    %dma_start3A_378 = tpu.memref_slice %arg10[%dma_start3A_372, %dma_start3A_377] : memref<32x512xi32, #tpu.memory_space<vmem>> -> memref<1x512xi32, #tpu.memory_space<vmem>>
    %dma_start3A_379 = tpu.memref_squeeze %dma_start3A_378 : memref<1x512xi32, #tpu.memory_space<vmem>> -> memref<512xi32, #tpu.memory_space<vmem>>
    %dma_start3A_380 = arith.constant 0 : i32
    %dma_start3A_381 = tpu.memref_slice %arg4[%dma_start3A_380] : memref<3200032xf32, #tpu.memory_space<hbm>> -> memref<3200032xf32, #tpu.memory_space<hbm>>
    tpu.enqueue_indirect_dma source(%dma_start3A_381 : memref<3200032xf32, #tpu.memory_space<hbm>>) target(%dma_start3A_376 : memref<512xf32, #tpu.memory_space<vmem>>) offsets(%dma_start3A_379 : memref<512xi32, #tpu.memory_space<vmem>>) semaphore(%arg19 : memref<!tpu.dma_semaphore, #tpu.memory_space<semaphore_mem>>)
    %dma_start3A_382 = arith.constant 22 : i32
    %dma_start3A_383 = arith.constant 22 : i32
    %dma_start3A_384 = arith.constant 0 : i32
    %dma_start3A_385 = tpu.memref_slice %arg11[%dma_start3A_383, %dma_start3A_384] : memref<32x512xf32, #tpu.memory_space<vmem>> -> memref<1x512xf32, #tpu.memory_space<vmem>>
    %dma_start3A_386 = tpu.memref_squeeze %dma_start3A_385 : memref<1x512xf32, #tpu.memory_space<vmem>> -> memref<512xf32, #tpu.memory_space<vmem>>
    %dma_start3A_387 = arith.constant 0 : i32
    %dma_start3A_388 = tpu.memref_slice %arg10[%dma_start3A_382, %dma_start3A_387] : memref<32x512xi32, #tpu.memory_space<vmem>> -> memref<1x512xi32, #tpu.memory_space<vmem>>
    %dma_start3A_389 = tpu.memref_squeeze %dma_start3A_388 : memref<1x512xi32, #tpu.memory_space<vmem>> -> memref<512xi32, #tpu.memory_space<vmem>>
    %dma_start3A_390 = arith.constant 0 : i32
    %dma_start3A_391 = tpu.memref_slice %arg4[%dma_start3A_390] : memref<3200032xf32, #tpu.memory_space<hbm>> -> memref<3200032xf32, #tpu.memory_space<hbm>>
    tpu.enqueue_indirect_dma source(%dma_start3A_391 : memref<3200032xf32, #tpu.memory_space<hbm>>) target(%dma_start3A_386 : memref<512xf32, #tpu.memory_space<vmem>>) offsets(%dma_start3A_389 : memref<512xi32, #tpu.memory_space<vmem>>) semaphore(%arg19 : memref<!tpu.dma_semaphore, #tpu.memory_space<semaphore_mem>>)
    %dma_start3A_392 = arith.constant 23 : i32
    %dma_start3A_393 = arith.constant 23 : i32
    %dma_start3A_394 = arith.constant 0 : i32
    %dma_start3A_395 = tpu.memref_slice %arg11[%dma_start3A_393, %dma_start3A_394] : memref<32x512xf32, #tpu.memory_space<vmem>> -> memref<1x512xf32, #tpu.memory_space<vmem>>
    %dma_start3A_396 = tpu.memref_squeeze %dma_start3A_395 : memref<1x512xf32, #tpu.memory_space<vmem>> -> memref<512xf32, #tpu.memory_space<vmem>>
    %dma_start3A_397 = arith.constant 0 : i32
    %dma_start3A_398 = tpu.memref_slice %arg10[%dma_start3A_392, %dma_start3A_397] : memref<32x512xi32, #tpu.memory_space<vmem>> -> memref<1x512xi32, #tpu.memory_space<vmem>>
    %dma_start3A_399 = tpu.memref_squeeze %dma_start3A_398 : memref<1x512xi32, #tpu.memory_space<vmem>> -> memref<512xi32, #tpu.memory_space<vmem>>
    %dma_start3A_400 = arith.constant 0 : i32
    %dma_start3A_401 = tpu.memref_slice %arg4[%dma_start3A_400] : memref<3200032xf32, #tpu.memory_space<hbm>> -> memref<3200032xf32, #tpu.memory_space<hbm>>
    tpu.enqueue_indirect_dma source(%dma_start3A_401 : memref<3200032xf32, #tpu.memory_space<hbm>>) target(%dma_start3A_396 : memref<512xf32, #tpu.memory_space<vmem>>) offsets(%dma_start3A_399 : memref<512xi32, #tpu.memory_space<vmem>>) semaphore(%arg19 : memref<!tpu.dma_semaphore, #tpu.memory_space<semaphore_mem>>)
    %dma_start3A_402 = arith.constant 24 : i32
    %dma_start3A_403 = arith.constant 24 : i32
    %dma_start3A_404 = arith.constant 0 : i32
    %dma_start3A_405 = tpu.memref_slice %arg11[%dma_start3A_403, %dma_start3A_404] : memref<32x512xf32, #tpu.memory_space<vmem>> -> memref<1x512xf32, #tpu.memory_space<vmem>>
    %dma_start3A_406 = tpu.memref_squeeze %dma_start3A_405 : memref<1x512xf32, #tpu.memory_space<vmem>> -> memref<512xf32, #tpu.memory_space<vmem>>
    %dma_start3A_407 = arith.constant 0 : i32
    %dma_start3A_408 = tpu.memref_slice %arg10[%dma_start3A_402, %dma_start3A_407] : memref<32x512xi32, #tpu.memory_space<vmem>> -> memref<1x512xi32, #tpu.memory_space<vmem>>
    %dma_start3A_409 = tpu.memref_squeeze %dma_start3A_408 : memref<1x512xi32, #tpu.memory_space<vmem>> -> memref<512xi32, #tpu.memory_space<vmem>>
    %dma_start3A_410 = arith.constant 0 : i32
    %dma_start3A_411 = tpu.memref_slice %arg4[%dma_start3A_410] : memref<3200032xf32, #tpu.memory_space<hbm>> -> memref<3200032xf32, #tpu.memory_space<hbm>>
    tpu.enqueue_indirect_dma source(%dma_start3A_411 : memref<3200032xf32, #tpu.memory_space<hbm>>) target(%dma_start3A_406 : memref<512xf32, #tpu.memory_space<vmem>>) offsets(%dma_start3A_409 : memref<512xi32, #tpu.memory_space<vmem>>) semaphore(%arg19 : memref<!tpu.dma_semaphore, #tpu.memory_space<semaphore_mem>>)
    %dma_start3A_412 = arith.constant 25 : i32
    %dma_start3A_413 = arith.constant 25 : i32
    %dma_start3A_414 = arith.constant 0 : i32
    %dma_start3A_415 = tpu.memref_slice %arg11[%dma_start3A_413, %dma_start3A_414] : memref<32x512xf32, #tpu.memory_space<vmem>> -> memref<1x512xf32, #tpu.memory_space<vmem>>
    %dma_start3A_416 = tpu.memref_squeeze %dma_start3A_415 : memref<1x512xf32, #tpu.memory_space<vmem>> -> memref<512xf32, #tpu.memory_space<vmem>>
    %dma_start3A_417 = arith.constant 0 : i32
    %dma_start3A_418 = tpu.memref_slice %arg10[%dma_start3A_412, %dma_start3A_417] : memref<32x512xi32, #tpu.memory_space<vmem>> -> memref<1x512xi32, #tpu.memory_space<vmem>>
    %dma_start3A_419 = tpu.memref_squeeze %dma_start3A_418 : memref<1x512xi32, #tpu.memory_space<vmem>> -> memref<512xi32, #tpu.memory_space<vmem>>
    %dma_start3A_420 = arith.constant 0 : i32
    %dma_start3A_421 = tpu.memref_slice %arg4[%dma_start3A_420] : memref<3200032xf32, #tpu.memory_space<hbm>> -> memref<3200032xf32, #tpu.memory_space<hbm>>
    tpu.enqueue_indirect_dma source(%dma_start3A_421 : memref<3200032xf32, #tpu.memory_space<hbm>>) target(%dma_start3A_416 : memref<512xf32, #tpu.memory_space<vmem>>) offsets(%dma_start3A_419 : memref<512xi32, #tpu.memory_space<vmem>>) semaphore(%arg19 : memref<!tpu.dma_semaphore, #tpu.memory_space<semaphore_mem>>)
    %dma_start3A_422 = arith.constant 26 : i32
    %dma_start3A_423 = arith.constant 26 : i32
    %dma_start3A_424 = arith.constant 0 : i32
    %dma_start3A_425 = tpu.memref_slice %arg11[%dma_start3A_423, %dma_start3A_424] : memref<32x512xf32, #tpu.memory_space<vmem>> -> memref<1x512xf32, #tpu.memory_space<vmem>>
    %dma_start3A_426 = tpu.memref_squeeze %dma_start3A_425 : memref<1x512xf32, #tpu.memory_space<vmem>> -> memref<512xf32, #tpu.memory_space<vmem>>
    %dma_start3A_427 = arith.constant 0 : i32
    %dma_start3A_428 = tpu.memref_slice %arg10[%dma_start3A_422, %dma_start3A_427] : memref<32x512xi32, #tpu.memory_space<vmem>> -> memref<1x512xi32, #tpu.memory_space<vmem>>
    %dma_start3A_429 = tpu.memref_squeeze %dma_start3A_428 : memref<1x512xi32, #tpu.memory_space<vmem>> -> memref<512xi32, #tpu.memory_space<vmem>>
    %dma_start3A_430 = arith.constant 0 : i32
    %dma_start3A_431 = tpu.memref_slice %arg4[%dma_start3A_430] : memref<3200032xf32, #tpu.memory_space<hbm>> -> memref<3200032xf32, #tpu.memory_space<hbm>>
    tpu.enqueue_indirect_dma source(%dma_start3A_431 : memref<3200032xf32, #tpu.memory_space<hbm>>) target(%dma_start3A_426 : memref<512xf32, #tpu.memory_space<vmem>>) offsets(%dma_start3A_429 : memref<512xi32, #tpu.memory_space<vmem>>) semaphore(%arg19 : memref<!tpu.dma_semaphore, #tpu.memory_space<semaphore_mem>>)
    %dma_start3A_432 = arith.constant 27 : i32
    %dma_start3A_433 = arith.constant 27 : i32
    %dma_start3A_434 = arith.constant 0 : i32
    %dma_start3A_435 = tpu.memref_slice %arg11[%dma_start3A_433, %dma_start3A_434] : memref<32x512xf32, #tpu.memory_space<vmem>> -> memref<1x512xf32, #tpu.memory_space<vmem>>
    %dma_start3A_436 = tpu.memref_squeeze %dma_start3A_435 : memref<1x512xf32, #tpu.memory_space<vmem>> -> memref<512xf32, #tpu.memory_space<vmem>>
    %dma_start3A_437 = arith.constant 0 : i32
    %dma_start3A_438 = tpu.memref_slice %arg10[%dma_start3A_432, %dma_start3A_437] : memref<32x512xi32, #tpu.memory_space<vmem>> -> memref<1x512xi32, #tpu.memory_space<vmem>>
    %dma_start3A_439 = tpu.memref_squeeze %dma_start3A_438 : memref<1x512xi32, #tpu.memory_space<vmem>> -> memref<512xi32, #tpu.memory_space<vmem>>
    %dma_start3A_440 = arith.constant 0 : i32
    %dma_start3A_441 = tpu.memref_slice %arg4[%dma_start3A_440] : memref<3200032xf32, #tpu.memory_space<hbm>> -> memref<3200032xf32, #tpu.memory_space<hbm>>
    tpu.enqueue_indirect_dma source(%dma_start3A_441 : memref<3200032xf32, #tpu.memory_space<hbm>>) target(%dma_start3A_436 : memref<512xf32, #tpu.memory_space<vmem>>) offsets(%dma_start3A_439 : memref<512xi32, #tpu.memory_space<vmem>>) semaphore(%arg19 : memref<!tpu.dma_semaphore, #tpu.memory_space<semaphore_mem>>)
    %dma_start3A_442 = arith.constant 28 : i32
    %dma_start3A_443 = arith.constant 28 : i32
    %dma_start3A_444 = arith.constant 0 : i32
    %dma_start3A_445 = tpu.memref_slice %arg11[%dma_start3A_443, %dma_start3A_444] : memref<32x512xf32, #tpu.memory_space<vmem>> -> memref<1x512xf32, #tpu.memory_space<vmem>>
    %dma_start3A_446 = tpu.memref_squeeze %dma_start3A_445 : memref<1x512xf32, #tpu.memory_space<vmem>> -> memref<512xf32, #tpu.memory_space<vmem>>
    %dma_start3A_447 = arith.constant 0 : i32
    %dma_start3A_448 = tpu.memref_slice %arg10[%dma_start3A_442, %dma_start3A_447] : memref<32x512xi32, #tpu.memory_space<vmem>> -> memref<1x512xi32, #tpu.memory_space<vmem>>
    %dma_start3A_449 = tpu.memref_squeeze %dma_start3A_448 : memref<1x512xi32, #tpu.memory_space<vmem>> -> memref<512xi32, #tpu.memory_space<vmem>>
    %dma_start3A_450 = arith.constant 0 : i32
    %dma_start3A_451 = tpu.memref_slice %arg4[%dma_start3A_450] : memref<3200032xf32, #tpu.memory_space<hbm>> -> memref<3200032xf32, #tpu.memory_space<hbm>>
    tpu.enqueue_indirect_dma source(%dma_start3A_451 : memref<3200032xf32, #tpu.memory_space<hbm>>) target(%dma_start3A_446 : memref<512xf32, #tpu.memory_space<vmem>>) offsets(%dma_start3A_449 : memref<512xi32, #tpu.memory_space<vmem>>) semaphore(%arg19 : memref<!tpu.dma_semaphore, #tpu.memory_space<semaphore_mem>>)
    %dma_start3A_452 = arith.constant 29 : i32
    %dma_start3A_453 = arith.constant 29 : i32
    %dma_start3A_454 = arith.constant 0 : i32
    %dma_start3A_455 = tpu.memref_slice %arg11[%dma_start3A_453, %dma_start3A_454] : memref<32x512xf32, #tpu.memory_space<vmem>> -> memref<1x512xf32, #tpu.memory_space<vmem>>
    %dma_start3A_456 = tpu.memref_squeeze %dma_start3A_455 : memref<1x512xf32, #tpu.memory_space<vmem>> -> memref<512xf32, #tpu.memory_space<vmem>>
    %dma_start3A_457 = arith.constant 0 : i32
    %dma_start3A_458 = tpu.memref_slice %arg10[%dma_start3A_452, %dma_start3A_457] : memref<32x512xi32, #tpu.memory_space<vmem>> -> memref<1x512xi32, #tpu.memory_space<vmem>>
    %dma_start3A_459 = tpu.memref_squeeze %dma_start3A_458 : memref<1x512xi32, #tpu.memory_space<vmem>> -> memref<512xi32, #tpu.memory_space<vmem>>
    %dma_start3A_460 = arith.constant 0 : i32
    %dma_start3A_461 = tpu.memref_slice %arg4[%dma_start3A_460] : memref<3200032xf32, #tpu.memory_space<hbm>> -> memref<3200032xf32, #tpu.memory_space<hbm>>
    tpu.enqueue_indirect_dma source(%dma_start3A_461 : memref<3200032xf32, #tpu.memory_space<hbm>>) target(%dma_start3A_456 : memref<512xf32, #tpu.memory_space<vmem>>) offsets(%dma_start3A_459 : memref<512xi32, #tpu.memory_space<vmem>>) semaphore(%arg19 : memref<!tpu.dma_semaphore, #tpu.memory_space<semaphore_mem>>)
    %dma_start3A_462 = arith.constant 30 : i32
    %dma_start3A_463 = arith.constant 30 : i32
    %dma_start3A_464 = arith.constant 0 : i32
    %dma_start3A_465 = tpu.memref_slice %arg11[%dma_start3A_463, %dma_start3A_464] : memref<32x512xf32, #tpu.memory_space<vmem>> -> memref<1x512xf32, #tpu.memory_space<vmem>>
    %dma_start3A_466 = tpu.memref_squeeze %dma_start3A_465 : memref<1x512xf32, #tpu.memory_space<vmem>> -> memref<512xf32, #tpu.memory_space<vmem>>
    %dma_start3A_467 = arith.constant 0 : i32
    %dma_start3A_468 = tpu.memref_slice %arg10[%dma_start3A_462, %dma_start3A_467] : memref<32x512xi32, #tpu.memory_space<vmem>> -> memref<1x512xi32, #tpu.memory_space<vmem>>
    %dma_start3A_469 = tpu.memref_squeeze %dma_start3A_468 : memref<1x512xi32, #tpu.memory_space<vmem>> -> memref<512xi32, #tpu.memory_space<vmem>>
    %dma_start3A_470 = arith.constant 0 : i32
    %dma_start3A_471 = tpu.memref_slice %arg4[%dma_start3A_470] : memref<3200032xf32, #tpu.memory_space<hbm>> -> memref<3200032xf32, #tpu.memory_space<hbm>>
    tpu.enqueue_indirect_dma source(%dma_start3A_471 : memref<3200032xf32, #tpu.memory_space<hbm>>) target(%dma_start3A_466 : memref<512xf32, #tpu.memory_space<vmem>>) offsets(%dma_start3A_469 : memref<512xi32, #tpu.memory_space<vmem>>) semaphore(%arg19 : memref<!tpu.dma_semaphore, #tpu.memory_space<semaphore_mem>>)
    %dma_start3A_472 = arith.constant 31 : i32
    %dma_start3A_473 = arith.constant 31 : i32
    %dma_start3A_474 = arith.constant 0 : i32
    %dma_start3A_475 = tpu.memref_slice %arg11[%dma_start3A_473, %dma_start3A_474] : memref<32x512xf32, #tpu.memory_space<vmem>> -> memref<1x512xf32, #tpu.memory_space<vmem>>
    %dma_start3A_476 = tpu.memref_squeeze %dma_start3A_475 : memref<1x512xf32, #tpu.memory_space<vmem>> -> memref<512xf32, #tpu.memory_space<vmem>>
    %dma_start3A_477 = arith.constant 0 : i32
    %dma_start3A_478 = tpu.memref_slice %arg10[%dma_start3A_472, %dma_start3A_477] : memref<32x512xi32, #tpu.memory_space<vmem>> -> memref<1x512xi32, #tpu.memory_space<vmem>>
    %dma_start3A_479 = tpu.memref_squeeze %dma_start3A_478 : memref<1x512xi32, #tpu.memory_space<vmem>> -> memref<512xi32, #tpu.memory_space<vmem>>
    %dma_start3A_480 = arith.constant 0 : i32
    %dma_start3A_481 = tpu.memref_slice %arg4[%dma_start3A_480] : memref<3200032xf32, #tpu.memory_space<hbm>> -> memref<3200032xf32, #tpu.memory_space<hbm>>
    tpu.enqueue_indirect_dma source(%dma_start3A_481 : memref<3200032xf32, #tpu.memory_space<hbm>>) target(%dma_start3A_476 : memref<512xf32, #tpu.memory_space<vmem>>) offsets(%dma_start3A_479 : memref<512xi32, #tpu.memory_space<vmem>>) semaphore(%arg19 : memref<!tpu.dma_semaphore, #tpu.memory_space<semaphore_mem>>)
    %broadcast_in_dim3A = arith.constant 1.000000e+00 : f32
    %broadcast_in_dim3A_482 = vector.broadcast %broadcast_in_dim3A : f32 to vector<16xf32>
    %broadcast_in_dim3A_483 = arith.constant 0.000000e+00 : f32
    %broadcast_in_dim3A_484 = vector.broadcast %broadcast_in_dim3A_483 : f32 to vector<16xf32>
    %scan3A_485 = arith.constant 0 : i32
    %scan3A_486 = arith.constant 32 : i32
    %scan3A_487 = arith.addi %scan3A_485, %scan3A_486 : i32
    %scan3A_488 = arith.constant 1 : i32
    scf.for %scan3A_985 = %scan3A_485 to %scan3A_487 step %scan3A_488  : i32 {
      %mul3A_986 = arith.constant 16 : i32
      %mul3A_987 = arith.muli %scan3A_985, %mul3A_986 : i32
      %multiple_of3A = tpu.assume_multiple %mul3A_987, 16 : i32
      %broadcast_in_dim3A_988 = arith.constant 0.000000e+00 : f32
      %broadcast_in_dim3A_989 = vector.broadcast %broadcast_in_dim3A_988 : f32 to vector<16xf32>
      %get3A_990 = arith.constant 0 : i32
      %get3A_991 = arith.index_cast %get3A_990 : i32 to index
      %get3A_992 = arith.index_cast %multiple_of3A : i32 to index
      %get3A_993 = tpu.vector_load %arg8[%get3A_991, %get3A_992] {strides = array<i32>} : memref<20x512xi32, #tpu.memory_space<vmem>>, vector<16xi32>,
      %ne3A = arith.constant 0 : i32
      %ne3A_994 = vector.broadcast %ne3A : i32 to vector<16xi32>
      %ne3A_995 = arith.cmpi ne, %get3A_993, %ne3A_994 : vector<16xi32>
      %select_n3A = arith.select %ne3A_995, %broadcast_in_dim3A_482, %broadcast_in_dim3A_484 : vector<16xi1>, vector<16xf32>
      %add3A_996 = arith.addf %broadcast_in_dim3A_989, %select_n3A : vector<16xf32>
      %get3A_997 = arith.constant 1 : i32
      %get3A_998 = arith.index_cast %get3A_997 : i32 to index
      %get3A_999 = arith.index_cast %multiple_of3A : i32 to index
      %get3A_1000 = tpu.vector_load %arg8[%get3A_998, %get3A_999] {strides = array<i32>} : memref<20x512xi32, #tpu.memory_space<vmem>>, vector<16xi32>,
      %ne3A_1001 = arith.constant 0 : i32
      %ne3A_1002 = vector.broadcast %ne3A_1001 : i32 to vector<16xi32>
      %ne3A_1003 = arith.cmpi ne, %get3A_1000, %ne3A_1002 : vector<16xi32>
      %select_n3A_1004 = arith.select %ne3A_1003, %broadcast_in_dim3A_482, %broadcast_in_dim3A_484 : vector<16xi1>, vector<16xf32>
      %add3A_1005 = arith.addf %add3A_996, %select_n3A_1004 : vector<16xf32>
      %get3A_1006 = arith.constant 2 : i32
      %get3A_1007 = arith.index_cast %get3A_1006 : i32 to index
      %get3A_1008 = arith.index_cast %multiple_of3A : i32 to index
      %get3A_1009 = tpu.vector_load %arg8[%get3A_1007, %get3A_1008] {strides = array<i32>} : memref<20x512xi32, #tpu.memory_space<vmem>>, vector<16xi32>,
      %ne3A_1010 = arith.constant 0 : i32
      %ne3A_1011 = vector.broadcast %ne3A_1010 : i32 to vector<16xi32>
      %ne3A_1012 = arith.cmpi ne, %get3A_1009, %ne3A_1011 : vector<16xi32>
      %select_n3A_1013 = arith.select %ne3A_1012, %broadcast_in_dim3A_482, %broadcast_in_dim3A_484 : vector<16xi1>, vector<16xf32>
      %add3A_1014 = arith.addf %add3A_1005, %select_n3A_1013 : vector<16xf32>
      %get3A_1015 = arith.constant 3 : i32
      %get3A_1016 = arith.index_cast %get3A_1015 : i32 to index
      %get3A_1017 = arith.index_cast %multiple_of3A : i32 to index
      %get3A_1018 = tpu.vector_load %arg8[%get3A_1016, %get3A_1017] {strides = array<i32>} : memref<20x512xi32, #tpu.memory_space<vmem>>, vector<16xi32>,
      %ne3A_1019 = arith.constant 0 : i32
      %ne3A_1020 = vector.broadcast %ne3A_1019 : i32 to vector<16xi32>
      %ne3A_1021 = arith.cmpi ne, %get3A_1018, %ne3A_1020 : vector<16xi32>
      %select_n3A_1022 = arith.select %ne3A_1021, %broadcast_in_dim3A_482, %broadcast_in_dim3A_484 : vector<16xi1>, vector<16xf32>
      %add3A_1023 = arith.addf %add3A_1014, %select_n3A_1022 : vector<16xf32>
      %get3A_1024 = arith.constant 4 : i32
      %get3A_1025 = arith.index_cast %get3A_1024 : i32 to index
      %get3A_1026 = arith.index_cast %multiple_of3A : i32 to index
      %get3A_1027 = tpu.vector_load %arg8[%get3A_1025, %get3A_1026] {strides = array<i32>} : memref<20x512xi32, #tpu.memory_space<vmem>>, vector<16xi32>,
      %ne3A_1028 = arith.constant 0 : i32
      %ne3A_1029 = vector.broadcast %ne3A_1028 : i32 to vector<16xi32>
      %ne3A_1030 = arith.cmpi ne, %get3A_1027, %ne3A_1029 : vector<16xi32>
      %select_n3A_1031 = arith.select %ne3A_1030, %broadcast_in_dim3A_482, %broadcast_in_dim3A_484 : vector<16xi1>, vector<16xf32>
      %add3A_1032 = arith.addf %add3A_1023, %select_n3A_1031 : vector<16xf32>
      %get3A_1033 = arith.constant 5 : i32
      %get3A_1034 = arith.index_cast %get3A_1033 : i32 to index
      %get3A_1035 = arith.index_cast %multiple_of3A : i32 to index
      %get3A_1036 = tpu.vector_load %arg8[%get3A_1034, %get3A_1035] {strides = array<i32>} : memref<20x512xi32, #tpu.memory_space<vmem>>, vector<16xi32>,
      %ne3A_1037 = arith.constant 0 : i32
      %ne3A_1038 = vector.broadcast %ne3A_1037 : i32 to vector<16xi32>
      %ne3A_1039 = arith.cmpi ne, %get3A_1036, %ne3A_1038 : vector<16xi32>
      %select_n3A_1040 = arith.select %ne3A_1039, %broadcast_in_dim3A_482, %broadcast_in_dim3A_484 : vector<16xi1>, vector<16xf32>
      %add3A_1041 = arith.addf %add3A_1032, %select_n3A_1040 : vector<16xf32>
      %get3A_1042 = arith.constant 6 : i32
      %get3A_1043 = arith.index_cast %get3A_1042 : i32 to index
      %get3A_1044 = arith.index_cast %multiple_of3A : i32 to index
      %get3A_1045 = tpu.vector_load %arg8[%get3A_1043, %get3A_1044] {strides = array<i32>} : memref<20x512xi32, #tpu.memory_space<vmem>>, vector<16xi32>,
      %ne3A_1046 = arith.constant 0 : i32
      %ne3A_1047 = vector.broadcast %ne3A_1046 : i32 to vector<16xi32>
      %ne3A_1048 = arith.cmpi ne, %get3A_1045, %ne3A_1047 : vector<16xi32>
      %select_n3A_1049 = arith.select %ne3A_1048, %broadcast_in_dim3A_482, %broadcast_in_dim3A_484 : vector<16xi1>, vector<16xf32>
      %add3A_1050 = arith.addf %add3A_1041, %select_n3A_1049 : vector<16xf32>
      %get3A_1051 = arith.constant 7 : i32
      %get3A_1052 = arith.index_cast %get3A_1051 : i32 to index
      %get3A_1053 = arith.index_cast %multiple_of3A : i32 to index
      %get3A_1054 = tpu.vector_load %arg8[%get3A_1052, %get3A_1053] {strides = array<i32>} : memref<20x512xi32, #tpu.memory_space<vmem>>, vector<16xi32>,
      %ne3A_1055 = arith.constant 0 : i32
      %ne3A_1056 = vector.broadcast %ne3A_1055 : i32 to vector<16xi32>
      %ne3A_1057 = arith.cmpi ne, %get3A_1054, %ne3A_1056 : vector<16xi32>
      %select_n3A_1058 = arith.select %ne3A_1057, %broadcast_in_dim3A_482, %broadcast_in_dim3A_484 : vector<16xi1>, vector<16xf32>
      %add3A_1059 = arith.addf %add3A_1050, %select_n3A_1058 : vector<16xf32>
      %get3A_1060 = arith.constant 8 : i32
      %get3A_1061 = arith.index_cast %get3A_1060 : i32 to index
      %get3A_1062 = arith.index_cast %multiple_of3A : i32 to index
      %get3A_1063 = tpu.vector_load %arg8[%get3A_1061, %get3A_1062] {strides = array<i32>} : memref<20x512xi32, #tpu.memory_space<vmem>>, vector<16xi32>,
      %ne3A_1064 = arith.constant 0 : i32
      %ne3A_1065 = vector.broadcast %ne3A_1064 : i32 to vector<16xi32>
      %ne3A_1066 = arith.cmpi ne, %get3A_1063, %ne3A_1065 : vector<16xi32>
      %select_n3A_1067 = arith.select %ne3A_1066, %broadcast_in_dim3A_482, %broadcast_in_dim3A_484 : vector<16xi1>, vector<16xf32>
      %add3A_1068 = arith.addf %add3A_1059, %select_n3A_1067 : vector<16xf32>
      %get3A_1069 = arith.constant 9 : i32
      %get3A_1070 = arith.index_cast %get3A_1069 : i32 to index
      %get3A_1071 = arith.index_cast %multiple_of3A : i32 to index
      %get3A_1072 = tpu.vector_load %arg8[%get3A_1070, %get3A_1071] {strides = array<i32>} : memref<20x512xi32, #tpu.memory_space<vmem>>, vector<16xi32>,
      %ne3A_1073 = arith.constant 0 : i32
      %ne3A_1074 = vector.broadcast %ne3A_1073 : i32 to vector<16xi32>
      %ne3A_1075 = arith.cmpi ne, %get3A_1072, %ne3A_1074 : vector<16xi32>
      %select_n3A_1076 = arith.select %ne3A_1075, %broadcast_in_dim3A_482, %broadcast_in_dim3A_484 : vector<16xi1>, vector<16xf32>
      %add3A_1077 = arith.addf %add3A_1068, %select_n3A_1076 : vector<16xf32>
      %get3A_1078 = arith.constant 10 : i32
      %get3A_1079 = arith.index_cast %get3A_1078 : i32 to index
      %get3A_1080 = arith.index_cast %multiple_of3A : i32 to index
      %get3A_1081 = tpu.vector_load %arg8[%get3A_1079, %get3A_1080] {strides = array<i32>} : memref<20x512xi32, #tpu.memory_space<vmem>>, vector<16xi32>,
      %ne3A_1082 = arith.constant 0 : i32
      %ne3A_1083 = vector.broadcast %ne3A_1082 : i32 to vector<16xi32>
      %ne3A_1084 = arith.cmpi ne, %get3A_1081, %ne3A_1083 : vector<16xi32>
      %select_n3A_1085 = arith.select %ne3A_1084, %broadcast_in_dim3A_482, %broadcast_in_dim3A_484 : vector<16xi1>, vector<16xf32>
      %add3A_1086 = arith.addf %add3A_1077, %select_n3A_1085 : vector<16xf32>
      %get3A_1087 = arith.constant 11 : i32
      %get3A_1088 = arith.index_cast %get3A_1087 : i32 to index
      %get3A_1089 = arith.index_cast %multiple_of3A : i32 to index
      %get3A_1090 = tpu.vector_load %arg8[%get3A_1088, %get3A_1089] {strides = array<i32>} : memref<20x512xi32, #tpu.memory_space<vmem>>, vector<16xi32>,
      %ne3A_1091 = arith.constant 0 : i32
      %ne3A_1092 = vector.broadcast %ne3A_1091 : i32 to vector<16xi32>
      %ne3A_1093 = arith.cmpi ne, %get3A_1090, %ne3A_1092 : vector<16xi32>
      %select_n3A_1094 = arith.select %ne3A_1093, %broadcast_in_dim3A_482, %broadcast_in_dim3A_484 : vector<16xi1>, vector<16xf32>
      %add3A_1095 = arith.addf %add3A_1086, %select_n3A_1094 : vector<16xf32>
      %get3A_1096 = arith.constant 12 : i32
      %get3A_1097 = arith.index_cast %get3A_1096 : i32 to index
      %get3A_1098 = arith.index_cast %multiple_of3A : i32 to index
      %get3A_1099 = tpu.vector_load %arg8[%get3A_1097, %get3A_1098] {strides = array<i32>} : memref<20x512xi32, #tpu.memory_space<vmem>>, vector<16xi32>,
      %ne3A_1100 = arith.constant 0 : i32
      %ne3A_1101 = vector.broadcast %ne3A_1100 : i32 to vector<16xi32>
      %ne3A_1102 = arith.cmpi ne, %get3A_1099, %ne3A_1101 : vector<16xi32>
      %select_n3A_1103 = arith.select %ne3A_1102, %broadcast_in_dim3A_482, %broadcast_in_dim3A_484 : vector<16xi1>, vector<16xf32>
      %add3A_1104 = arith.addf %add3A_1095, %select_n3A_1103 : vector<16xf32>
      %get3A_1105 = arith.constant 13 : i32
      %get3A_1106 = arith.index_cast %get3A_1105 : i32 to index
      %get3A_1107 = arith.index_cast %multiple_of3A : i32 to index
      %get3A_1108 = tpu.vector_load %arg8[%get3A_1106, %get3A_1107] {strides = array<i32>} : memref<20x512xi32, #tpu.memory_space<vmem>>, vector<16xi32>,
      %ne3A_1109 = arith.constant 0 : i32
      %ne3A_1110 = vector.broadcast %ne3A_1109 : i32 to vector<16xi32>
      %ne3A_1111 = arith.cmpi ne, %get3A_1108, %ne3A_1110 : vector<16xi32>
      %select_n3A_1112 = arith.select %ne3A_1111, %broadcast_in_dim3A_482, %broadcast_in_dim3A_484 : vector<16xi1>, vector<16xf32>
      %add3A_1113 = arith.addf %add3A_1104, %select_n3A_1112 : vector<16xf32>
      %get3A_1114 = arith.constant 14 : i32
      %get3A_1115 = arith.index_cast %get3A_1114 : i32 to index
      %get3A_1116 = arith.index_cast %multiple_of3A : i32 to index
      %get3A_1117 = tpu.vector_load %arg8[%get3A_1115, %get3A_1116] {strides = array<i32>} : memref<20x512xi32, #tpu.memory_space<vmem>>, vector<16xi32>,
      %ne3A_1118 = arith.constant 0 : i32
      %ne3A_1119 = vector.broadcast %ne3A_1118 : i32 to vector<16xi32>
      %ne3A_1120 = arith.cmpi ne, %get3A_1117, %ne3A_1119 : vector<16xi32>
      %select_n3A_1121 = arith.select %ne3A_1120, %broadcast_in_dim3A_482, %broadcast_in_dim3A_484 : vector<16xi1>, vector<16xf32>
      %add3A_1122 = arith.addf %add3A_1113, %select_n3A_1121 : vector<16xf32>
      %get3A_1123 = arith.constant 15 : i32
      %get3A_1124 = arith.index_cast %get3A_1123 : i32 to index
      %get3A_1125 = arith.index_cast %multiple_of3A : i32 to index
      %get3A_1126 = tpu.vector_load %arg8[%get3A_1124, %get3A_1125] {strides = array<i32>} : memref<20x512xi32, #tpu.memory_space<vmem>>, vector<16xi32>,
      %ne3A_1127 = arith.constant 0 : i32
      %ne3A_1128 = vector.broadcast %ne3A_1127 : i32 to vector<16xi32>
      %ne3A_1129 = arith.cmpi ne, %get3A_1126, %ne3A_1128 : vector<16xi32>
      %select_n3A_1130 = arith.select %ne3A_1129, %broadcast_in_dim3A_482, %broadcast_in_dim3A_484 : vector<16xi1>, vector<16xf32>
      %add3A_1131 = arith.addf %add3A_1122, %select_n3A_1130 : vector<16xf32>
      %get3A_1132 = arith.constant 16 : i32
      %get3A_1133 = arith.index_cast %get3A_1132 : i32 to index
      %get3A_1134 = arith.index_cast %multiple_of3A : i32 to index
      %get3A_1135 = tpu.vector_load %arg8[%get3A_1133, %get3A_1134] {strides = array<i32>} : memref<20x512xi32, #tpu.memory_space<vmem>>, vector<16xi32>,
      %ne3A_1136 = arith.constant 0 : i32
      %ne3A_1137 = vector.broadcast %ne3A_1136 : i32 to vector<16xi32>
      %ne3A_1138 = arith.cmpi ne, %get3A_1135, %ne3A_1137 : vector<16xi32>
      %select_n3A_1139 = arith.select %ne3A_1138, %broadcast_in_dim3A_482, %broadcast_in_dim3A_484 : vector<16xi1>, vector<16xf32>
      %add3A_1140 = arith.addf %add3A_1131, %select_n3A_1139 : vector<16xf32>
      %get3A_1141 = arith.constant 17 : i32
      %get3A_1142 = arith.index_cast %get3A_1141 : i32 to index
      %get3A_1143 = arith.index_cast %multiple_of3A : i32 to index
      %get3A_1144 = tpu.vector_load %arg8[%get3A_1142, %get3A_1143] {strides = array<i32>} : memref<20x512xi32, #tpu.memory_space<vmem>>, vector<16xi32>,
      %ne3A_1145 = arith.constant 0 : i32
      %ne3A_1146 = vector.broadcast %ne3A_1145 : i32 to vector<16xi32>
      %ne3A_1147 = arith.cmpi ne, %get3A_1144, %ne3A_1146 : vector<16xi32>
      %select_n3A_1148 = arith.select %ne3A_1147, %broadcast_in_dim3A_482, %broadcast_in_dim3A_484 : vector<16xi1>, vector<16xf32>
      %add3A_1149 = arith.addf %add3A_1140, %select_n3A_1148 : vector<16xf32>
      %get3A_1150 = arith.constant 18 : i32
      %get3A_1151 = arith.index_cast %get3A_1150 : i32 to index
      %get3A_1152 = arith.index_cast %multiple_of3A : i32 to index
      %get3A_1153 = tpu.vector_load %arg8[%get3A_1151, %get3A_1152] {strides = array<i32>} : memref<20x512xi32, #tpu.memory_space<vmem>>, vector<16xi32>,
      %ne3A_1154 = arith.constant 0 : i32
      %ne3A_1155 = vector.broadcast %ne3A_1154 : i32 to vector<16xi32>
      %ne3A_1156 = arith.cmpi ne, %get3A_1153, %ne3A_1155 : vector<16xi32>
      %select_n3A_1157 = arith.select %ne3A_1156, %broadcast_in_dim3A_482, %broadcast_in_dim3A_484 : vector<16xi1>, vector<16xf32>
      %add3A_1158 = arith.addf %add3A_1149, %select_n3A_1157 : vector<16xf32>
      %get3A_1159 = arith.constant 19 : i32
      %get3A_1160 = arith.index_cast %get3A_1159 : i32 to index
      %get3A_1161 = arith.index_cast %multiple_of3A : i32 to index
      %get3A_1162 = tpu.vector_load %arg8[%get3A_1160, %get3A_1161] {strides = array<i32>} : memref<20x512xi32, #tpu.memory_space<vmem>>, vector<16xi32>,
      %ne3A_1163 = arith.constant 0 : i32
      %ne3A_1164 = vector.broadcast %ne3A_1163 : i32 to vector<16xi32>
      %ne3A_1165 = arith.cmpi ne, %get3A_1162, %ne3A_1164 : vector<16xi32>
      %select_n3A_1166 = arith.select %ne3A_1165, %broadcast_in_dim3A_482, %broadcast_in_dim3A_484 : vector<16xi1>, vector<16xf32>
      %add3A_1167 = arith.addf %add3A_1158, %select_n3A_1166 : vector<16xf32>
      %max3A = arith.constant 1.000000e+00 : f32
      %max3A_1168 = vector.broadcast %max3A : f32 to vector<16xf32>
      %max3A_1169 = arith.maximumf %add3A_1167, %max3A_1168 : vector<16xf32>
      %div3A = arith.constant 1.000000e+00 : f32
      %div3A_1170 = vector.broadcast %div3A : f32 to vector<16xf32>
      %div3A_1171 = arith.divf %div3A_1170, %max3A_1169 : vector<16xf32>
      %swap3A = arith.index_cast %multiple_of3A : i32 to index
      %swap3A_1172 = tpu.vector_load %arg15[%swap3A] {strides = array<i32>} : memref<512xf32, #tpu.memory_space<vmem>>, vector<16xf32>,
      tpu.vector_store %arg15[%swap3A], %div3A_1171 {strides = array<i32>} : memref<512xf32, #tpu.memory_space<vmem>>, vector<16xf32>,
      %sub3A = arith.constant 2.000000e+01 : f32
      %sub3A_1173 = vector.broadcast %sub3A : f32 to vector<16xf32>
      %sub3A_1174 = arith.subf %sub3A_1173, %add3A_1167 : vector<16xf32>
      %div3A_1175 = arith.divf %sub3A_1174, %max3A_1169 : vector<16xf32>
      %swap3A_1176 = arith.index_cast %multiple_of3A : i32 to index
      %swap3A_1177 = tpu.vector_load %arg16[%swap3A_1176] {strides = array<i32>} : memref<512xf32, #tpu.memory_space<vmem>>, vector<16xf32>,
      tpu.vector_store %arg16[%swap3A_1176], %div3A_1175 {strides = array<i32>} : memref<512xf32, #tpu.memory_space<vmem>>, vector<16xf32>,
    }
    %scan3A_489 = arith.constant 32 : i32
    %dma_wait3A_490 = arith.constant 0 : i32
    %dma_wait3A_491 = arith.constant 0 : i32
    %dma_wait3A_492 = tpu.memref_slice %arg8[%dma_wait3A_490, %dma_wait3A_491] : memref<20x512xi32, #tpu.memory_space<vmem>> -> memref<1x512xi32, #tpu.memory_space<vmem>>
    %dma_wait3A_493 = tpu.memref_squeeze %dma_wait3A_492 : memref<1x512xi32, #tpu.memory_space<vmem>> -> memref<512xi32, #tpu.memory_space<vmem>>
    %dma_wait3A_494 = arith.constant 0 : i32
    %dma_wait3A_495 = arith.constant 0 : i32
    %dma_wait3A_496 = tpu.memref_slice %arg5[%dma_wait3A_494, %dma_wait3A_495] : memref<10000x32xbf16, #tpu.memory_space<hbm>> -> memref<10000x32xbf16, #tpu.memory_space<hbm>>
    tpu.wait_indirect_dma semaphore(%arg20 : memref<!tpu.dma_semaphore, #tpu.memory_space<semaphore_mem>>) src(%dma_wait3A_496 : memref<10000x32xbf16, #tpu.memory_space<hbm>>) dst(%arg12 : memref<512x32xbf16, #tpu.memory_space<vmem>>)
    %dma_wait3A_497 = arith.constant 1 : i32
    %dma_wait3A_498 = arith.constant 0 : i32
    %dma_wait3A_499 = tpu.memref_slice %arg8[%dma_wait3A_497, %dma_wait3A_498] : memref<20x512xi32, #tpu.memory_space<vmem>> -> memref<1x512xi32, #tpu.memory_space<vmem>>
    %dma_wait3A_500 = tpu.memref_squeeze %dma_wait3A_499 : memref<1x512xi32, #tpu.memory_space<vmem>> -> memref<512xi32, #tpu.memory_space<vmem>>
    %dma_wait3A_501 = arith.constant 0 : i32
    %dma_wait3A_502 = arith.constant 0 : i32
    %dma_wait3A_503 = tpu.memref_slice %arg5[%dma_wait3A_501, %dma_wait3A_502] : memref<10000x32xbf16, #tpu.memory_space<hbm>> -> memref<10000x32xbf16, #tpu.memory_space<hbm>>
    tpu.wait_indirect_dma semaphore(%arg20 : memref<!tpu.dma_semaphore, #tpu.memory_space<semaphore_mem>>) src(%dma_wait3A_503 : memref<10000x32xbf16, #tpu.memory_space<hbm>>) dst(%arg12 : memref<512x32xbf16, #tpu.memory_space<vmem>>)
    %dma_wait3A_504 = arith.constant 2 : i32
    %dma_wait3A_505 = arith.constant 0 : i32
    %dma_wait3A_506 = tpu.memref_slice %arg8[%dma_wait3A_504, %dma_wait3A_505] : memref<20x512xi32, #tpu.memory_space<vmem>> -> memref<1x512xi32, #tpu.memory_space<vmem>>
    %dma_wait3A_507 = tpu.memref_squeeze %dma_wait3A_506 : memref<1x512xi32, #tpu.memory_space<vmem>> -> memref<512xi32, #tpu.memory_space<vmem>>
    %dma_wait3A_508 = arith.constant 0 : i32
    %dma_wait3A_509 = arith.constant 0 : i32
    %dma_wait3A_510 = tpu.memref_slice %arg5[%dma_wait3A_508, %dma_wait3A_509] : memref<10000x32xbf16, #tpu.memory_space<hbm>> -> memref<10000x32xbf16, #tpu.memory_space<hbm>>
    tpu.wait_indirect_dma semaphore(%arg20 : memref<!tpu.dma_semaphore, #tpu.memory_space<semaphore_mem>>) src(%dma_wait3A_510 : memref<10000x32xbf16, #tpu.memory_space<hbm>>) dst(%arg12 : memref<512x32xbf16, #tpu.memory_space<vmem>>)
    %dma_wait3A_511 = arith.constant 3 : i32
    %dma_wait3A_512 = arith.constant 0 : i32
    %dma_wait3A_513 = tpu.memref_slice %arg8[%dma_wait3A_511, %dma_wait3A_512] : memref<20x512xi32, #tpu.memory_space<vmem>> -> memref<1x512xi32, #tpu.memory_space<vmem>>
    %dma_wait3A_514 = tpu.memref_squeeze %dma_wait3A_513 : memref<1x512xi32, #tpu.memory_space<vmem>> -> memref<512xi32, #tpu.memory_space<vmem>>
    %dma_wait3A_515 = arith.constant 0 : i32
    %dma_wait3A_516 = arith.constant 0 : i32
    %dma_wait3A_517 = tpu.memref_slice %arg5[%dma_wait3A_515, %dma_wait3A_516] : memref<10000x32xbf16, #tpu.memory_space<hbm>> -> memref<10000x32xbf16, #tpu.memory_space<hbm>>
    tpu.wait_indirect_dma semaphore(%arg20 : memref<!tpu.dma_semaphore, #tpu.memory_space<semaphore_mem>>) src(%dma_wait3A_517 : memref<10000x32xbf16, #tpu.memory_space<hbm>>) dst(%arg12 : memref<512x32xbf16, #tpu.memory_space<vmem>>)
    %dma_wait3A_518 = arith.constant 4 : i32
    %dma_wait3A_519 = arith.constant 0 : i32
    %dma_wait3A_520 = tpu.memref_slice %arg8[%dma_wait3A_518, %dma_wait3A_519] : memref<20x512xi32, #tpu.memory_space<vmem>> -> memref<1x512xi32, #tpu.memory_space<vmem>>
    %dma_wait3A_521 = tpu.memref_squeeze %dma_wait3A_520 : memref<1x512xi32, #tpu.memory_space<vmem>> -> memref<512xi32, #tpu.memory_space<vmem>>
    %dma_wait3A_522 = arith.constant 0 : i32
    %dma_wait3A_523 = arith.constant 0 : i32
    %dma_wait3A_524 = tpu.memref_slice %arg5[%dma_wait3A_522, %dma_wait3A_523] : memref<10000x32xbf16, #tpu.memory_space<hbm>> -> memref<10000x32xbf16, #tpu.memory_space<hbm>>
    tpu.wait_indirect_dma semaphore(%arg20 : memref<!tpu.dma_semaphore, #tpu.memory_space<semaphore_mem>>) src(%dma_wait3A_524 : memref<10000x32xbf16, #tpu.memory_space<hbm>>) dst(%arg12 : memref<512x32xbf16, #tpu.memory_space<vmem>>)
    %dma_wait3A_525 = arith.constant 5 : i32
    %dma_wait3A_526 = arith.constant 0 : i32
    %dma_wait3A_527 = tpu.memref_slice %arg8[%dma_wait3A_525, %dma_wait3A_526] : memref<20x512xi32, #tpu.memory_space<vmem>> -> memref<1x512xi32, #tpu.memory_space<vmem>>
    %dma_wait3A_528 = tpu.memref_squeeze %dma_wait3A_527 : memref<1x512xi32, #tpu.memory_space<vmem>> -> memref<512xi32, #tpu.memory_space<vmem>>
    %dma_wait3A_529 = arith.constant 0 : i32
    %dma_wait3A_530 = arith.constant 0 : i32
    %dma_wait3A_531 = tpu.memref_slice %arg5[%dma_wait3A_529, %dma_wait3A_530] : memref<10000x32xbf16, #tpu.memory_space<hbm>> -> memref<10000x32xbf16, #tpu.memory_space<hbm>>
    tpu.wait_indirect_dma semaphore(%arg20 : memref<!tpu.dma_semaphore, #tpu.memory_space<semaphore_mem>>) src(%dma_wait3A_531 : memref<10000x32xbf16, #tpu.memory_space<hbm>>) dst(%arg12 : memref<512x32xbf16, #tpu.memory_space<vmem>>)
    %dma_wait3A_532 = arith.constant 6 : i32
    %dma_wait3A_533 = arith.constant 0 : i32
    %dma_wait3A_534 = tpu.memref_slice %arg8[%dma_wait3A_532, %dma_wait3A_533] : memref<20x512xi32, #tpu.memory_space<vmem>> -> memref<1x512xi32, #tpu.memory_space<vmem>>
    %dma_wait3A_535 = tpu.memref_squeeze %dma_wait3A_534 : memref<1x512xi32, #tpu.memory_space<vmem>> -> memref<512xi32, #tpu.memory_space<vmem>>
    %dma_wait3A_536 = arith.constant 0 : i32
    %dma_wait3A_537 = arith.constant 0 : i32
    %dma_wait3A_538 = tpu.memref_slice %arg5[%dma_wait3A_536, %dma_wait3A_537] : memref<10000x32xbf16, #tpu.memory_space<hbm>> -> memref<10000x32xbf16, #tpu.memory_space<hbm>>
    tpu.wait_indirect_dma semaphore(%arg20 : memref<!tpu.dma_semaphore, #tpu.memory_space<semaphore_mem>>) src(%dma_wait3A_538 : memref<10000x32xbf16, #tpu.memory_space<hbm>>) dst(%arg12 : memref<512x32xbf16, #tpu.memory_space<vmem>>)
    %dma_wait3A_539 = arith.constant 7 : i32
    %dma_wait3A_540 = arith.constant 0 : i32
    %dma_wait3A_541 = tpu.memref_slice %arg8[%dma_wait3A_539, %dma_wait3A_540] : memref<20x512xi32, #tpu.memory_space<vmem>> -> memref<1x512xi32, #tpu.memory_space<vmem>>
    %dma_wait3A_542 = tpu.memref_squeeze %dma_wait3A_541 : memref<1x512xi32, #tpu.memory_space<vmem>> -> memref<512xi32, #tpu.memory_space<vmem>>
    %dma_wait3A_543 = arith.constant 0 : i32
    %dma_wait3A_544 = arith.constant 0 : i32
    %dma_wait3A_545 = tpu.memref_slice %arg5[%dma_wait3A_543, %dma_wait3A_544] : memref<10000x32xbf16, #tpu.memory_space<hbm>> -> memref<10000x32xbf16, #tpu.memory_space<hbm>>
    tpu.wait_indirect_dma semaphore(%arg20 : memref<!tpu.dma_semaphore, #tpu.memory_space<semaphore_mem>>) src(%dma_wait3A_545 : memref<10000x32xbf16, #tpu.memory_space<hbm>>) dst(%arg12 : memref<512x32xbf16, #tpu.memory_space<vmem>>)
    %dma_wait3A_546 = arith.constant 8 : i32
    %dma_wait3A_547 = arith.constant 0 : i32
    %dma_wait3A_548 = tpu.memref_slice %arg8[%dma_wait3A_546, %dma_wait3A_547] : memref<20x512xi32, #tpu.memory_space<vmem>> -> memref<1x512xi32, #tpu.memory_space<vmem>>
    %dma_wait3A_549 = tpu.memref_squeeze %dma_wait3A_548 : memref<1x512xi32, #tpu.memory_space<vmem>> -> memref<512xi32, #tpu.memory_space<vmem>>
    %dma_wait3A_550 = arith.constant 0 : i32
    %dma_wait3A_551 = arith.constant 0 : i32
    %dma_wait3A_552 = tpu.memref_slice %arg5[%dma_wait3A_550, %dma_wait3A_551] : memref<10000x32xbf16, #tpu.memory_space<hbm>> -> memref<10000x32xbf16, #tpu.memory_space<hbm>>
    tpu.wait_indirect_dma semaphore(%arg20 : memref<!tpu.dma_semaphore, #tpu.memory_space<semaphore_mem>>) src(%dma_wait3A_552 : memref<10000x32xbf16, #tpu.memory_space<hbm>>) dst(%arg12 : memref<512x32xbf16, #tpu.memory_space<vmem>>)
    %dma_wait3A_553 = arith.constant 9 : i32
    %dma_wait3A_554 = arith.constant 0 : i32
    %dma_wait3A_555 = tpu.memref_slice %arg8[%dma_wait3A_553, %dma_wait3A_554] : memref<20x512xi32, #tpu.memory_space<vmem>> -> memref<1x512xi32, #tpu.memory_space<vmem>>
    %dma_wait3A_556 = tpu.memref_squeeze %dma_wait3A_555 : memref<1x512xi32, #tpu.memory_space<vmem>> -> memref<512xi32, #tpu.memory_space<vmem>>
    %dma_wait3A_557 = arith.constant 0 : i32
    %dma_wait3A_558 = arith.constant 0 : i32
    %dma_wait3A_559 = tpu.memref_slice %arg5[%dma_wait3A_557, %dma_wait3A_558] : memref<10000x32xbf16, #tpu.memory_space<hbm>> -> memref<10000x32xbf16, #tpu.memory_space<hbm>>
    tpu.wait_indirect_dma semaphore(%arg20 : memref<!tpu.dma_semaphore, #tpu.memory_space<semaphore_mem>>) src(%dma_wait3A_559 : memref<10000x32xbf16, #tpu.memory_space<hbm>>) dst(%arg12 : memref<512x32xbf16, #tpu.memory_space<vmem>>)
    %dma_wait3A_560 = arith.constant 10 : i32
    %dma_wait3A_561 = arith.constant 0 : i32
    %dma_wait3A_562 = tpu.memref_slice %arg8[%dma_wait3A_560, %dma_wait3A_561] : memref<20x512xi32, #tpu.memory_space<vmem>> -> memref<1x512xi32, #tpu.memory_space<vmem>>
    %dma_wait3A_563 = tpu.memref_squeeze %dma_wait3A_562 : memref<1x512xi32, #tpu.memory_space<vmem>> -> memref<512xi32, #tpu.memory_space<vmem>>
    %dma_wait3A_564 = arith.constant 0 : i32
    %dma_wait3A_565 = arith.constant 0 : i32
    %dma_wait3A_566 = tpu.memref_slice %arg5[%dma_wait3A_564, %dma_wait3A_565] : memref<10000x32xbf16, #tpu.memory_space<hbm>> -> memref<10000x32xbf16, #tpu.memory_space<hbm>>
    tpu.wait_indirect_dma semaphore(%arg20 : memref<!tpu.dma_semaphore, #tpu.memory_space<semaphore_mem>>) src(%dma_wait3A_566 : memref<10000x32xbf16, #tpu.memory_space<hbm>>) dst(%arg12 : memref<512x32xbf16, #tpu.memory_space<vmem>>)
    %dma_wait3A_567 = arith.constant 11 : i32
    %dma_wait3A_568 = arith.constant 0 : i32
    %dma_wait3A_569 = tpu.memref_slice %arg8[%dma_wait3A_567, %dma_wait3A_568] : memref<20x512xi32, #tpu.memory_space<vmem>> -> memref<1x512xi32, #tpu.memory_space<vmem>>
    %dma_wait3A_570 = tpu.memref_squeeze %dma_wait3A_569 : memref<1x512xi32, #tpu.memory_space<vmem>> -> memref<512xi32, #tpu.memory_space<vmem>>
    %dma_wait3A_571 = arith.constant 0 : i32
    %dma_wait3A_572 = arith.constant 0 : i32
    %dma_wait3A_573 = tpu.memref_slice %arg5[%dma_wait3A_571, %dma_wait3A_572] : memref<10000x32xbf16, #tpu.memory_space<hbm>> -> memref<10000x32xbf16, #tpu.memory_space<hbm>>
    tpu.wait_indirect_dma semaphore(%arg20 : memref<!tpu.dma_semaphore, #tpu.memory_space<semaphore_mem>>) src(%dma_wait3A_573 : memref<10000x32xbf16, #tpu.memory_space<hbm>>) dst(%arg12 : memref<512x32xbf16, #tpu.memory_space<vmem>>)
    %dma_wait3A_574 = arith.constant 12 : i32
    %dma_wait3A_575 = arith.constant 0 : i32
    %dma_wait3A_576 = tpu.memref_slice %arg8[%dma_wait3A_574, %dma_wait3A_575] : memref<20x512xi32, #tpu.memory_space<vmem>> -> memref<1x512xi32, #tpu.memory_space<vmem>>
    %dma_wait3A_577 = tpu.memref_squeeze %dma_wait3A_576 : memref<1x512xi32, #tpu.memory_space<vmem>> -> memref<512xi32, #tpu.memory_space<vmem>>
    %dma_wait3A_578 = arith.constant 0 : i32
    %dma_wait3A_579 = arith.constant 0 : i32
    %dma_wait3A_580 = tpu.memref_slice %arg5[%dma_wait3A_578, %dma_wait3A_579] : memref<10000x32xbf16, #tpu.memory_space<hbm>> -> memref<10000x32xbf16, #tpu.memory_space<hbm>>
    tpu.wait_indirect_dma semaphore(%arg20 : memref<!tpu.dma_semaphore, #tpu.memory_space<semaphore_mem>>) src(%dma_wait3A_580 : memref<10000x32xbf16, #tpu.memory_space<hbm>>) dst(%arg12 : memref<512x32xbf16, #tpu.memory_space<vmem>>)
    %dma_wait3A_581 = arith.constant 13 : i32
    %dma_wait3A_582 = arith.constant 0 : i32
    %dma_wait3A_583 = tpu.memref_slice %arg8[%dma_wait3A_581, %dma_wait3A_582] : memref<20x512xi32, #tpu.memory_space<vmem>> -> memref<1x512xi32, #tpu.memory_space<vmem>>
    %dma_wait3A_584 = tpu.memref_squeeze %dma_wait3A_583 : memref<1x512xi32, #tpu.memory_space<vmem>> -> memref<512xi32, #tpu.memory_space<vmem>>
    %dma_wait3A_585 = arith.constant 0 : i32
    %dma_wait3A_586 = arith.constant 0 : i32
    %dma_wait3A_587 = tpu.memref_slice %arg5[%dma_wait3A_585, %dma_wait3A_586] : memref<10000x32xbf16, #tpu.memory_space<hbm>> -> memref<10000x32xbf16, #tpu.memory_space<hbm>>
    tpu.wait_indirect_dma semaphore(%arg20 : memref<!tpu.dma_semaphore, #tpu.memory_space<semaphore_mem>>) src(%dma_wait3A_587 : memref<10000x32xbf16, #tpu.memory_space<hbm>>) dst(%arg12 : memref<512x32xbf16, #tpu.memory_space<vmem>>)
    %dma_wait3A_588 = arith.constant 14 : i32
    %dma_wait3A_589 = arith.constant 0 : i32
    %dma_wait3A_590 = tpu.memref_slice %arg8[%dma_wait3A_588, %dma_wait3A_589] : memref<20x512xi32, #tpu.memory_space<vmem>> -> memref<1x512xi32, #tpu.memory_space<vmem>>
    %dma_wait3A_591 = tpu.memref_squeeze %dma_wait3A_590 : memref<1x512xi32, #tpu.memory_space<vmem>> -> memref<512xi32, #tpu.memory_space<vmem>>
    %dma_wait3A_592 = arith.constant 0 : i32
    %dma_wait3A_593 = arith.constant 0 : i32
    %dma_wait3A_594 = tpu.memref_slice %arg5[%dma_wait3A_592, %dma_wait3A_593] : memref<10000x32xbf16, #tpu.memory_space<hbm>> -> memref<10000x32xbf16, #tpu.memory_space<hbm>>
    tpu.wait_indirect_dma semaphore(%arg20 : memref<!tpu.dma_semaphore, #tpu.memory_space<semaphore_mem>>) src(%dma_wait3A_594 : memref<10000x32xbf16, #tpu.memory_space<hbm>>) dst(%arg12 : memref<512x32xbf16, #tpu.memory_space<vmem>>)
    %dma_wait3A_595 = arith.constant 15 : i32
    %dma_wait3A_596 = arith.constant 0 : i32
    %dma_wait3A_597 = tpu.memref_slice %arg8[%dma_wait3A_595, %dma_wait3A_596] : memref<20x512xi32, #tpu.memory_space<vmem>> -> memref<1x512xi32, #tpu.memory_space<vmem>>
    %dma_wait3A_598 = tpu.memref_squeeze %dma_wait3A_597 : memref<1x512xi32, #tpu.memory_space<vmem>> -> memref<512xi32, #tpu.memory_space<vmem>>
    %dma_wait3A_599 = arith.constant 0 : i32
    %dma_wait3A_600 = arith.constant 0 : i32
    %dma_wait3A_601 = tpu.memref_slice %arg5[%dma_wait3A_599, %dma_wait3A_600] : memref<10000x32xbf16, #tpu.memory_space<hbm>> -> memref<10000x32xbf16, #tpu.memory_space<hbm>>
    tpu.wait_indirect_dma semaphore(%arg20 : memref<!tpu.dma_semaphore, #tpu.memory_space<semaphore_mem>>) src(%dma_wait3A_601 : memref<10000x32xbf16, #tpu.memory_space<hbm>>) dst(%arg12 : memref<512x32xbf16, #tpu.memory_space<vmem>>)
    %dma_wait3A_602 = arith.constant 16 : i32
    %dma_wait3A_603 = arith.constant 0 : i32
    %dma_wait3A_604 = tpu.memref_slice %arg8[%dma_wait3A_602, %dma_wait3A_603] : memref<20x512xi32, #tpu.memory_space<vmem>> -> memref<1x512xi32, #tpu.memory_space<vmem>>
    %dma_wait3A_605 = tpu.memref_squeeze %dma_wait3A_604 : memref<1x512xi32, #tpu.memory_space<vmem>> -> memref<512xi32, #tpu.memory_space<vmem>>
    %dma_wait3A_606 = arith.constant 0 : i32
    %dma_wait3A_607 = arith.constant 0 : i32
    %dma_wait3A_608 = tpu.memref_slice %arg5[%dma_wait3A_606, %dma_wait3A_607] : memref<10000x32xbf16, #tpu.memory_space<hbm>> -> memref<10000x32xbf16, #tpu.memory_space<hbm>>
    tpu.wait_indirect_dma semaphore(%arg20 : memref<!tpu.dma_semaphore, #tpu.memory_space<semaphore_mem>>) src(%dma_wait3A_608 : memref<10000x32xbf16, #tpu.memory_space<hbm>>) dst(%arg12 : memref<512x32xbf16, #tpu.memory_space<vmem>>)
    %dma_wait3A_609 = arith.constant 17 : i32
    %dma_wait3A_610 = arith.constant 0 : i32
    %dma_wait3A_611 = tpu.memref_slice %arg8[%dma_wait3A_609, %dma_wait3A_610] : memref<20x512xi32, #tpu.memory_space<vmem>> -> memref<1x512xi32, #tpu.memory_space<vmem>>
    %dma_wait3A_612 = tpu.memref_squeeze %dma_wait3A_611 : memref<1x512xi32, #tpu.memory_space<vmem>> -> memref<512xi32, #tpu.memory_space<vmem>>
    %dma_wait3A_613 = arith.constant 0 : i32
    %dma_wait3A_614 = arith.constant 0 : i32
    %dma_wait3A_615 = tpu.memref_slice %arg5[%dma_wait3A_613, %dma_wait3A_614] : memref<10000x32xbf16, #tpu.memory_space<hbm>> -> memref<10000x32xbf16, #tpu.memory_space<hbm>>
    tpu.wait_indirect_dma semaphore(%arg20 : memref<!tpu.dma_semaphore, #tpu.memory_space<semaphore_mem>>) src(%dma_wait3A_615 : memref<10000x32xbf16, #tpu.memory_space<hbm>>) dst(%arg12 : memref<512x32xbf16, #tpu.memory_space<vmem>>)
    %dma_wait3A_616 = arith.constant 18 : i32
    %dma_wait3A_617 = arith.constant 0 : i32
    %dma_wait3A_618 = tpu.memref_slice %arg8[%dma_wait3A_616, %dma_wait3A_617] : memref<20x512xi32, #tpu.memory_space<vmem>> -> memref<1x512xi32, #tpu.memory_space<vmem>>
    %dma_wait3A_619 = tpu.memref_squeeze %dma_wait3A_618 : memref<1x512xi32, #tpu.memory_space<vmem>> -> memref<512xi32, #tpu.memory_space<vmem>>
    %dma_wait3A_620 = arith.constant 0 : i32
    %dma_wait3A_621 = arith.constant 0 : i32
    %dma_wait3A_622 = tpu.memref_slice %arg5[%dma_wait3A_620, %dma_wait3A_621] : memref<10000x32xbf16, #tpu.memory_space<hbm>> -> memref<10000x32xbf16, #tpu.memory_space<hbm>>
    tpu.wait_indirect_dma semaphore(%arg20 : memref<!tpu.dma_semaphore, #tpu.memory_space<semaphore_mem>>) src(%dma_wait3A_622 : memref<10000x32xbf16, #tpu.memory_space<hbm>>) dst(%arg12 : memref<512x32xbf16, #tpu.memory_space<vmem>>)
    %dma_wait3A_623 = arith.constant 19 : i32
    %dma_wait3A_624 = arith.constant 0 : i32
    %dma_wait3A_625 = tpu.memref_slice %arg8[%dma_wait3A_623, %dma_wait3A_624] : memref<20x512xi32, #tpu.memory_space<vmem>> -> memref<1x512xi32, #tpu.memory_space<vmem>>
    %dma_wait3A_626 = tpu.memref_squeeze %dma_wait3A_625 : memref<1x512xi32, #tpu.memory_space<vmem>> -> memref<512xi32, #tpu.memory_space<vmem>>
    %dma_wait3A_627 = arith.constant 0 : i32
    %dma_wait3A_628 = arith.constant 0 : i32
    %dma_wait3A_629 = tpu.memref_slice %arg5[%dma_wait3A_627, %dma_wait3A_628] : memref<10000x32xbf16, #tpu.memory_space<hbm>> -> memref<10000x32xbf16, #tpu.memory_space<hbm>>
    tpu.wait_indirect_dma semaphore(%arg20 : memref<!tpu.dma_semaphore, #tpu.memory_space<semaphore_mem>>) src(%dma_wait3A_629 : memref<10000x32xbf16, #tpu.memory_space<hbm>>) dst(%arg12 : memref<512x32xbf16, #tpu.memory_space<vmem>>)
    %broadcast_in_dim3A_630 = arith.constant -65536 : i32
    %broadcast_in_dim3A_631 = vector.broadcast %broadcast_in_dim3A_630 : i32 to vector<16xi32>
    %scan3A_632 = arith.constant 0 : i32
    %scan3A_633 = arith.constant 512 : i32
    %scan3A_634 = arith.addi %scan3A_632, %scan3A_633 : i32
    %scan3A_635 = arith.constant 1 : i32
    scf.for %scan3A_985 = %scan3A_632 to %scan3A_634 step %scan3A_635  : i32 {
      %get3A_986 = arith.index_cast %scan3A_985 : i32 to index
      %get3A_987 = arith.constant 0 : index
      %get3A_988 = tpu.vector_load %arg12[%get3A_986, %get3A_987] {strides = array<i32>} : memref<512x32xbf16, #tpu.memory_space<vmem>>, vector<32xbf16>,
      %bitcast3A = vector.bitcast %get3A_988 : vector<32xbf16> to vector<16xi32>
      %shift_left3A = arith.constant 16 : i32
      %shift_left3A_989 = vector.broadcast %shift_left3A : i32 to vector<16xi32>
      %shift_left3A_990 = arith.shli %bitcast3A, %shift_left3A_989 : vector<16xi32>
      %bitcast3A_991 = vector.bitcast %shift_left3A_990 : vector<16xi32> to vector<16xf32>
      %swap3A = arith.index_cast %scan3A_985 : i32 to index
      %swap3A_992 = arith.constant 0 : index
      %swap3A_993 = tpu.vector_load %arg13[%swap3A, %swap3A_992] {strides = array<i32>} : memref<512x32xf32, #tpu.memory_space<vmem>>, vector<16xf32>,
      tpu.vector_store %arg13[%swap3A, %swap3A_992], %bitcast3A_991 {strides = array<i32>} : memref<512x32xf32, #tpu.memory_space<vmem>>, vector<16xf32>,
      %and3A = arith.andi %bitcast3A, %broadcast_in_dim3A_631 : vector<16xi32>
      %bitcast3A_994 = vector.bitcast %and3A : vector<16xi32> to vector<16xf32>
      %swap3A_995 = arith.index_cast %scan3A_985 : i32 to index
      %swap3A_996 = arith.constant 16 : index
      %swap3A_997 = tpu.vector_load %arg13[%swap3A_995, %swap3A_996] {strides = array<i32>} : memref<512x32xf32, #tpu.memory_space<vmem>>, vector<16xf32>,
      tpu.vector_store %arg13[%swap3A_995, %swap3A_996], %bitcast3A_994 {strides = array<i32>} : memref<512x32xf32, #tpu.memory_space<vmem>>, vector<16xf32>,
    }
    %scan3A_636 = arith.constant 512 : i32
    %get3A = arith.constant 0 : i32
    %get3A_637 = arith.index_cast %get3A : i32 to index
    %get3A_638 = arith.constant 0 : index
    %get3A_639 = tpu.vector_load %arg17[%get3A_637, %get3A_638] {strides = array<i32>} : memref<1x32xf32, #tpu.memory_space<vmem>>, vector<16xf32>,
    %get3A_640 = arith.constant 0 : i32
    %get3A_641 = arith.index_cast %get3A_640 : i32 to index
    %get3A_642 = arith.constant 16 : index
    %get3A_643 = tpu.vector_load %arg17[%get3A_641, %get3A_642] {strides = array<i32>} : memref<1x32xf32, #tpu.memory_space<vmem>>, vector<16xf32>,
    %iota3A = tpu.iota {dimensions = array<i32: 0>} : vector<16xi32>
    %scan3A_644 = arith.constant 0 : i32
    %scan3A_645 = arith.constant 32 : i32
    %scan3A_646 = arith.addi %scan3A_644, %scan3A_645 : i32
    %scan3A_647 = arith.constant 1 : i32
    scf.for %scan3A_985 = %scan3A_644 to %scan3A_646 step %scan3A_647  : i32 {
      %mul3A_986 = arith.constant 16 : i32
      %mul3A_987 = arith.muli %scan3A_985, %mul3A_986 : i32
      %multiple_of3A = tpu.assume_multiple %mul3A_987, 16 : i32
      %add3A_988 = vector.broadcast %multiple_of3A : i32 to vector<16xi32>
      %add3A_989 = arith.addi %add3A_988, %iota3A : vector<16xi32>
      %get3A_990 = arith.index_cast %multiple_of3A : i32 to index
      %get3A_991 = tpu.vector_load %arg15[%get3A_990] {strides = array<i32>} : memref<512xf32, #tpu.memory_space<vmem>>, vector<16xf32>,
      %get3A_992 = arith.index_cast %multiple_of3A : i32 to index
      %get3A_993 = tpu.vector_load %arg16[%get3A_992] {strides = array<i32>} : memref<512xf32, #tpu.memory_space<vmem>>, vector<16xf32>,
      %broadcast_in_dim3A_994 = arith.constant 0 : i32
      %broadcast_in_dim3A_995 = vector.broadcast %broadcast_in_dim3A_994 : i32 to vector<16xi32>
      %gather3A = tpu.vector_load_idx %arg13[%add3A_989, %broadcast_in_dim3A_995] : memref<512x32xf32, #tpu.memory_space<vmem>>[vector<16xi32>, vector<16xi32>], vector<16xf32>,
      %slice3A = vector.extract_strided_slice %get3A_639 {offsets = [0], sizes = [1], strides = [1]} : vector<16xf32> to vector<1xf32>
      %squeeze3A = vector.extract %slice3A[0] : f32 from vector<1xf32>
      %mul3A_996 = arith.mulf %gather3A, %get3A_991 : vector<16xf32>
      %mul3A_997 = vector.broadcast %squeeze3A : f32 to vector<16xf32>
      %mul3A_998 = arith.mulf %mul3A_997, %get3A_993 : vector<16xf32>
      %sub3A = arith.subf %mul3A_996, %mul3A_998 : vector<16xf32>
      %swap3A = arith.constant 0 : i32
      %swap3A_999 = arith.index_cast %swap3A : i32 to index
      %swap3A_1000 = arith.index_cast %multiple_of3A : i32 to index
      %swap3A_1001 = tpu.vector_load %arg14[%swap3A_999, %swap3A_1000] {strides = array<i32>} : memref<32x512xf32, #tpu.memory_space<vmem>>, vector<16xf32>,
      tpu.vector_store %arg14[%swap3A_999, %swap3A_1000], %sub3A {strides = array<i32>} : memref<32x512xf32, #tpu.memory_space<vmem>>, vector<16xf32>,
      %broadcast_in_dim3A_1002 = arith.constant 16 : i32
      %broadcast_in_dim3A_1003 = vector.broadcast %broadcast_in_dim3A_1002 : i32 to vector<16xi32>
      %gather3A_1004 = tpu.vector_load_idx %arg13[%add3A_989, %broadcast_in_dim3A_1003] : memref<512x32xf32, #tpu.memory_space<vmem>>[vector<16xi32>, vector<16xi32>], vector<16xf32>,
      %slice3A_1005 = vector.extract_strided_slice %get3A_639 {offsets = [1], sizes = [1], strides = [1]} : vector<16xf32> to vector<1xf32>
      %squeeze3A_1006 = vector.extract %slice3A_1005[0] : f32 from vector<1xf32>
      %mul3A_1007 = arith.mulf %gather3A_1004, %get3A_991 : vector<16xf32>
      %mul3A_1008 = vector.broadcast %squeeze3A_1006 : f32 to vector<16xf32>
      %mul3A_1009 = arith.mulf %mul3A_1008, %get3A_993 : vector<16xf32>
      %sub3A_1010 = arith.subf %mul3A_1007, %mul3A_1009 : vector<16xf32>
      %swap3A_1011 = arith.constant 1 : i32
      %swap3A_1012 = arith.index_cast %swap3A_1011 : i32 to index
      %swap3A_1013 = arith.index_cast %multiple_of3A : i32 to index
      %swap3A_1014 = tpu.vector_load %arg14[%swap3A_1012, %swap3A_1013] {strides = array<i32>} : memref<32x512xf32, #tpu.memory_space<vmem>>, vector<16xf32>,
      tpu.vector_store %arg14[%swap3A_1012, %swap3A_1013], %sub3A_1010 {strides = array<i32>} : memref<32x512xf32, #tpu.memory_space<vmem>>, vector<16xf32>,
      %broadcast_in_dim3A_1015 = arith.constant 1 : i32
      %broadcast_in_dim3A_1016 = vector.broadcast %broadcast_in_dim3A_1015 : i32 to vector<16xi32>
      %gather3A_1017 = tpu.vector_load_idx %arg13[%add3A_989, %broadcast_in_dim3A_1016] : memref<512x32xf32, #tpu.memory_space<vmem>>[vector<16xi32>, vector<16xi32>], vector<16xf32>,
      %slice3A_1018 = vector.extract_strided_slice %get3A_639 {offsets = [2], sizes = [1], strides = [1]} : vector<16xf32> to vector<1xf32>
      %squeeze3A_1019 = vector.extract %slice3A_1018[0] : f32 from vector<1xf32>
      %mul3A_1020 = arith.mulf %gather3A_1017, %get3A_991 : vector<16xf32>
      %mul3A_1021 = vector.broadcast %squeeze3A_1019 : f32 to vector<16xf32>
      %mul3A_1022 = arith.mulf %mul3A_1021, %get3A_993 : vector<16xf32>
      %sub3A_1023 = arith.subf %mul3A_1020, %mul3A_1022 : vector<16xf32>
      %swap3A_1024 = arith.constant 2 : i32
      %swap3A_1025 = arith.index_cast %swap3A_1024 : i32 to index
      %swap3A_1026 = arith.index_cast %multiple_of3A : i32 to index
      %swap3A_1027 = tpu.vector_load %arg14[%swap3A_1025, %swap3A_1026] {strides = array<i32>} : memref<32x512xf32, #tpu.memory_space<vmem>>, vector<16xf32>,
      tpu.vector_store %arg14[%swap3A_1025, %swap3A_1026], %sub3A_1023 {strides = array<i32>} : memref<32x512xf32, #tpu.memory_space<vmem>>, vector<16xf32>,
      %broadcast_in_dim3A_1028 = arith.constant 17 : i32
      %broadcast_in_dim3A_1029 = vector.broadcast %broadcast_in_dim3A_1028 : i32 to vector<16xi32>
      %gather3A_1030 = tpu.vector_load_idx %arg13[%add3A_989, %broadcast_in_dim3A_1029] : memref<512x32xf32, #tpu.memory_space<vmem>>[vector<16xi32>, vector<16xi32>], vector<16xf32>,
      %slice3A_1031 = vector.extract_strided_slice %get3A_639 {offsets = [3], sizes = [1], strides = [1]} : vector<16xf32> to vector<1xf32>
      %squeeze3A_1032 = vector.extract %slice3A_1031[0] : f32 from vector<1xf32>
      %mul3A_1033 = arith.mulf %gather3A_1030, %get3A_991 : vector<16xf32>
      %mul3A_1034 = vector.broadcast %squeeze3A_1032 : f32 to vector<16xf32>
      %mul3A_1035 = arith.mulf %mul3A_1034, %get3A_993 : vector<16xf32>
      %sub3A_1036 = arith.subf %mul3A_1033, %mul3A_1035 : vector<16xf32>
      %swap3A_1037 = arith.constant 3 : i32
      %swap3A_1038 = arith.index_cast %swap3A_1037 : i32 to index
      %swap3A_1039 = arith.index_cast %multiple_of3A : i32 to index
      %swap3A_1040 = tpu.vector_load %arg14[%swap3A_1038, %swap3A_1039] {strides = array<i32>} : memref<32x512xf32, #tpu.memory_space<vmem>>, vector<16xf32>,
      tpu.vector_store %arg14[%swap3A_1038, %swap3A_1039], %sub3A_1036 {strides = array<i32>} : memref<32x512xf32, #tpu.memory_space<vmem>>, vector<16xf32>,
      %broadcast_in_dim3A_1041 = arith.constant 2 : i32
      %broadcast_in_dim3A_1042 = vector.broadcast %broadcast_in_dim3A_1041 : i32 to vector<16xi32>
      %gather3A_1043 = tpu.vector_load_idx %arg13[%add3A_989, %broadcast_in_dim3A_1042] : memref<512x32xf32, #tpu.memory_space<vmem>>[vector<16xi32>, vector<16xi32>], vector<16xf32>,
      %slice3A_1044 = vector.extract_strided_slice %get3A_639 {offsets = [4], sizes = [1], strides = [1]} : vector<16xf32> to vector<1xf32>
      %squeeze3A_1045 = vector.extract %slice3A_1044[0] : f32 from vector<1xf32>
      %mul3A_1046 = arith.mulf %gather3A_1043, %get3A_991 : vector<16xf32>
      %mul3A_1047 = vector.broadcast %squeeze3A_1045 : f32 to vector<16xf32>
      %mul3A_1048 = arith.mulf %mul3A_1047, %get3A_993 : vector<16xf32>
      %sub3A_1049 = arith.subf %mul3A_1046, %mul3A_1048 : vector<16xf32>
      %swap3A_1050 = arith.constant 4 : i32
      %swap3A_1051 = arith.index_cast %swap3A_1050 : i32 to index
      %swap3A_1052 = arith.index_cast %multiple_of3A : i32 to index
      %swap3A_1053 = tpu.vector_load %arg14[%swap3A_1051, %swap3A_1052] {strides = array<i32>} : memref<32x512xf32, #tpu.memory_space<vmem>>, vector<16xf32>,
      tpu.vector_store %arg14[%swap3A_1051, %swap3A_1052], %sub3A_1049 {strides = array<i32>} : memref<32x512xf32, #tpu.memory_space<vmem>>, vector<16xf32>,
      %broadcast_in_dim3A_1054 = arith.constant 18 : i32
      %broadcast_in_dim3A_1055 = vector.broadcast %broadcast_in_dim3A_1054 : i32 to vector<16xi32>
      %gather3A_1056 = tpu.vector_load_idx %arg13[%add3A_989, %broadcast_in_dim3A_1055] : memref<512x32xf32, #tpu.memory_space<vmem>>[vector<16xi32>, vector<16xi32>], vector<16xf32>,
      %slice3A_1057 = vector.extract_strided_slice %get3A_639 {offsets = [5], sizes = [1], strides = [1]} : vector<16xf32> to vector<1xf32>
      %squeeze3A_1058 = vector.extract %slice3A_1057[0] : f32 from vector<1xf32>
      %mul3A_1059 = arith.mulf %gather3A_1056, %get3A_991 : vector<16xf32>
      %mul3A_1060 = vector.broadcast %squeeze3A_1058 : f32 to vector<16xf32>
      %mul3A_1061 = arith.mulf %mul3A_1060, %get3A_993 : vector<16xf32>
      %sub3A_1062 = arith.subf %mul3A_1059, %mul3A_1061 : vector<16xf32>
      %swap3A_1063 = arith.constant 5 : i32
      %swap3A_1064 = arith.index_cast %swap3A_1063 : i32 to index
      %swap3A_1065 = arith.index_cast %multiple_of3A : i32 to index
      %swap3A_1066 = tpu.vector_load %arg14[%swap3A_1064, %swap3A_1065] {strides = array<i32>} : memref<32x512xf32, #tpu.memory_space<vmem>>, vector<16xf32>,
      tpu.vector_store %arg14[%swap3A_1064, %swap3A_1065], %sub3A_1062 {strides = array<i32>} : memref<32x512xf32, #tpu.memory_space<vmem>>, vector<16xf32>,
      %broadcast_in_dim3A_1067 = arith.constant 3 : i32
      %broadcast_in_dim3A_1068 = vector.broadcast %broadcast_in_dim3A_1067 : i32 to vector<16xi32>
      %gather3A_1069 = tpu.vector_load_idx %arg13[%add3A_989, %broadcast_in_dim3A_1068] : memref<512x32xf32, #tpu.memory_space<vmem>>[vector<16xi32>, vector<16xi32>], vector<16xf32>,
      %slice3A_1070 = vector.extract_strided_slice %get3A_639 {offsets = [6], sizes = [1], strides = [1]} : vector<16xf32> to vector<1xf32>
      %squeeze3A_1071 = vector.extract %slice3A_1070[0] : f32 from vector<1xf32>
      %mul3A_1072 = arith.mulf %gather3A_1069, %get3A_991 : vector<16xf32>
      %mul3A_1073 = vector.broadcast %squeeze3A_1071 : f32 to vector<16xf32>
      %mul3A_1074 = arith.mulf %mul3A_1073, %get3A_993 : vector<16xf32>
      %sub3A_1075 = arith.subf %mul3A_1072, %mul3A_1074 : vector<16xf32>
      %swap3A_1076 = arith.constant 6 : i32
      %swap3A_1077 = arith.index_cast %swap3A_1076 : i32 to index
      %swap3A_1078 = arith.index_cast %multiple_of3A : i32 to index
      %swap3A_1079 = tpu.vector_load %arg14[%swap3A_1077, %swap3A_1078] {strides = array<i32>} : memref<32x512xf32, #tpu.memory_space<vmem>>, vector<16xf32>,
      tpu.vector_store %arg14[%swap3A_1077, %swap3A_1078], %sub3A_1075 {strides = array<i32>} : memref<32x512xf32, #tpu.memory_space<vmem>>, vector<16xf32>,
      %broadcast_in_dim3A_1080 = arith.constant 19 : i32
      %broadcast_in_dim3A_1081 = vector.broadcast %broadcast_in_dim3A_1080 : i32 to vector<16xi32>
      %gather3A_1082 = tpu.vector_load_idx %arg13[%add3A_989, %broadcast_in_dim3A_1081] : memref<512x32xf32, #tpu.memory_space<vmem>>[vector<16xi32>, vector<16xi32>], vector<16xf32>,
      %slice3A_1083 = vector.extract_strided_slice %get3A_639 {offsets = [7], sizes = [1], strides = [1]} : vector<16xf32> to vector<1xf32>
      %squeeze3A_1084 = vector.extract %slice3A_1083[0] : f32 from vector<1xf32>
      %mul3A_1085 = arith.mulf %gather3A_1082, %get3A_991 : vector<16xf32>
      %mul3A_1086 = vector.broadcast %squeeze3A_1084 : f32 to vector<16xf32>
      %mul3A_1087 = arith.mulf %mul3A_1086, %get3A_993 : vector<16xf32>
      %sub3A_1088 = arith.subf %mul3A_1085, %mul3A_1087 : vector<16xf32>
      %swap3A_1089 = arith.constant 7 : i32
      %swap3A_1090 = arith.index_cast %swap3A_1089 : i32 to index
      %swap3A_1091 = arith.index_cast %multiple_of3A : i32 to index
      %swap3A_1092 = tpu.vector_load %arg14[%swap3A_1090, %swap3A_1091] {strides = array<i32>} : memref<32x512xf32, #tpu.memory_space<vmem>>, vector<16xf32>,
      tpu.vector_store %arg14[%swap3A_1090, %swap3A_1091], %sub3A_1088 {strides = array<i32>} : memref<32x512xf32, #tpu.memory_space<vmem>>, vector<16xf32>,
      %broadcast_in_dim3A_1093 = arith.constant 4 : i32
      %broadcast_in_dim3A_1094 = vector.broadcast %broadcast_in_dim3A_1093 : i32 to vector<16xi32>
      %gather3A_1095 = tpu.vector_load_idx %arg13[%add3A_989, %broadcast_in_dim3A_1094] : memref<512x32xf32, #tpu.memory_space<vmem>>[vector<16xi32>, vector<16xi32>], vector<16xf32>,
      %slice3A_1096 = vector.extract_strided_slice %get3A_639 {offsets = [8], sizes = [1], strides = [1]} : vector<16xf32> to vector<1xf32>
      %squeeze3A_1097 = vector.extract %slice3A_1096[0] : f32 from vector<1xf32>
      %mul3A_1098 = arith.mulf %gather3A_1095, %get3A_991 : vector<16xf32>
      %mul3A_1099 = vector.broadcast %squeeze3A_1097 : f32 to vector<16xf32>
      %mul3A_1100 = arith.mulf %mul3A_1099, %get3A_993 : vector<16xf32>
      %sub3A_1101 = arith.subf %mul3A_1098, %mul3A_1100 : vector<16xf32>
      %swap3A_1102 = arith.constant 8 : i32
      %swap3A_1103 = arith.index_cast %swap3A_1102 : i32 to index
      %swap3A_1104 = arith.index_cast %multiple_of3A : i32 to index
      %swap3A_1105 = tpu.vector_load %arg14[%swap3A_1103, %swap3A_1104] {strides = array<i32>} : memref<32x512xf32, #tpu.memory_space<vmem>>, vector<16xf32>,
      tpu.vector_store %arg14[%swap3A_1103, %swap3A_1104], %sub3A_1101 {strides = array<i32>} : memref<32x512xf32, #tpu.memory_space<vmem>>, vector<16xf32>,
      %broadcast_in_dim3A_1106 = arith.constant 20 : i32
      %broadcast_in_dim3A_1107 = vector.broadcast %broadcast_in_dim3A_1106 : i32 to vector<16xi32>
      %gather3A_1108 = tpu.vector_load_idx %arg13[%add3A_989, %broadcast_in_dim3A_1107] : memref<512x32xf32, #tpu.memory_space<vmem>>[vector<16xi32>, vector<16xi32>], vector<16xf32>,
      %slice3A_1109 = vector.extract_strided_slice %get3A_639 {offsets = [9], sizes = [1], strides = [1]} : vector<16xf32> to vector<1xf32>
      %squeeze3A_1110 = vector.extract %slice3A_1109[0] : f32 from vector<1xf32>
      %mul3A_1111 = arith.mulf %gather3A_1108, %get3A_991 : vector<16xf32>
      %mul3A_1112 = vector.broadcast %squeeze3A_1110 : f32 to vector<16xf32>
      %mul3A_1113 = arith.mulf %mul3A_1112, %get3A_993 : vector<16xf32>
      %sub3A_1114 = arith.subf %mul3A_1111, %mul3A_1113 : vector<16xf32>
      %swap3A_1115 = arith.constant 9 : i32
      %swap3A_1116 = arith.index_cast %swap3A_1115 : i32 to index
      %swap3A_1117 = arith.index_cast %multiple_of3A : i32 to index
      %swap3A_1118 = tpu.vector_load %arg14[%swap3A_1116, %swap3A_1117] {strides = array<i32>} : memref<32x512xf32, #tpu.memory_space<vmem>>, vector<16xf32>,
      tpu.vector_store %arg14[%swap3A_1116, %swap3A_1117], %sub3A_1114 {strides = array<i32>} : memref<32x512xf32, #tpu.memory_space<vmem>>, vector<16xf32>,
      %broadcast_in_dim3A_1119 = arith.constant 5 : i32
      %broadcast_in_dim3A_1120 = vector.broadcast %broadcast_in_dim3A_1119 : i32 to vector<16xi32>
      %gather3A_1121 = tpu.vector_load_idx %arg13[%add3A_989, %broadcast_in_dim3A_1120] : memref<512x32xf32, #tpu.memory_space<vmem>>[vector<16xi32>, vector<16xi32>], vector<16xf32>,
      %slice3A_1122 = vector.extract_strided_slice %get3A_639 {offsets = [10], sizes = [1], strides = [1]} : vector<16xf32> to vector<1xf32>
      %squeeze3A_1123 = vector.extract %slice3A_1122[0] : f32 from vector<1xf32>
      %mul3A_1124 = arith.mulf %gather3A_1121, %get3A_991 : vector<16xf32>
      %mul3A_1125 = vector.broadcast %squeeze3A_1123 : f32 to vector<16xf32>
      %mul3A_1126 = arith.mulf %mul3A_1125, %get3A_993 : vector<16xf32>
      %sub3A_1127 = arith.subf %mul3A_1124, %mul3A_1126 : vector<16xf32>
      %swap3A_1128 = arith.constant 10 : i32
      %swap3A_1129 = arith.index_cast %swap3A_1128 : i32 to index
      %swap3A_1130 = arith.index_cast %multiple_of3A : i32 to index
      %swap3A_1131 = tpu.vector_load %arg14[%swap3A_1129, %swap3A_1130] {strides = array<i32>} : memref<32x512xf32, #tpu.memory_space<vmem>>, vector<16xf32>,
      tpu.vector_store %arg14[%swap3A_1129, %swap3A_1130], %sub3A_1127 {strides = array<i32>} : memref<32x512xf32, #tpu.memory_space<vmem>>, vector<16xf32>,
      %broadcast_in_dim3A_1132 = arith.constant 21 : i32
      %broadcast_in_dim3A_1133 = vector.broadcast %broadcast_in_dim3A_1132 : i32 to vector<16xi32>
      %gather3A_1134 = tpu.vector_load_idx %arg13[%add3A_989, %broadcast_in_dim3A_1133] : memref<512x32xf32, #tpu.memory_space<vmem>>[vector<16xi32>, vector<16xi32>], vector<16xf32>,
      %slice3A_1135 = vector.extract_strided_slice %get3A_639 {offsets = [11], sizes = [1], strides = [1]} : vector<16xf32> to vector<1xf32>
      %squeeze3A_1136 = vector.extract %slice3A_1135[0] : f32 from vector<1xf32>
      %mul3A_1137 = arith.mulf %gather3A_1134, %get3A_991 : vector<16xf32>
      %mul3A_1138 = vector.broadcast %squeeze3A_1136 : f32 to vector<16xf32>
      %mul3A_1139 = arith.mulf %mul3A_1138, %get3A_993 : vector<16xf32>
      %sub3A_1140 = arith.subf %mul3A_1137, %mul3A_1139 : vector<16xf32>
      %swap3A_1141 = arith.constant 11 : i32
      %swap3A_1142 = arith.index_cast %swap3A_1141 : i32 to index
      %swap3A_1143 = arith.index_cast %multiple_of3A : i32 to index
      %swap3A_1144 = tpu.vector_load %arg14[%swap3A_1142, %swap3A_1143] {strides = array<i32>} : memref<32x512xf32, #tpu.memory_space<vmem>>, vector<16xf32>,
      tpu.vector_store %arg14[%swap3A_1142, %swap3A_1143], %sub3A_1140 {strides = array<i32>} : memref<32x512xf32, #tpu.memory_space<vmem>>, vector<16xf32>,
      %broadcast_in_dim3A_1145 = arith.constant 6 : i32
      %broadcast_in_dim3A_1146 = vector.broadcast %broadcast_in_dim3A_1145 : i32 to vector<16xi32>
      %gather3A_1147 = tpu.vector_load_idx %arg13[%add3A_989, %broadcast_in_dim3A_1146] : memref<512x32xf32, #tpu.memory_space<vmem>>[vector<16xi32>, vector<16xi32>], vector<16xf32>,
      %slice3A_1148 = vector.extract_strided_slice %get3A_639 {offsets = [12], sizes = [1], strides = [1]} : vector<16xf32> to vector<1xf32>
      %squeeze3A_1149 = vector.extract %slice3A_1148[0] : f32 from vector<1xf32>
      %mul3A_1150 = arith.mulf %gather3A_1147, %get3A_991 : vector<16xf32>
      %mul3A_1151 = vector.broadcast %squeeze3A_1149 : f32 to vector<16xf32>
      %mul3A_1152 = arith.mulf %mul3A_1151, %get3A_993 : vector<16xf32>
      %sub3A_1153 = arith.subf %mul3A_1150, %mul3A_1152 : vector<16xf32>
      %swap3A_1154 = arith.constant 12 : i32
      %swap3A_1155 = arith.index_cast %swap3A_1154 : i32 to index
      %swap3A_1156 = arith.index_cast %multiple_of3A : i32 to index
      %swap3A_1157 = tpu.vector_load %arg14[%swap3A_1155, %swap3A_1156] {strides = array<i32>} : memref<32x512xf32, #tpu.memory_space<vmem>>, vector<16xf32>,
      tpu.vector_store %arg14[%swap3A_1155, %swap3A_1156], %sub3A_1153 {strides = array<i32>} : memref<32x512xf32, #tpu.memory_space<vmem>>, vector<16xf32>,
      %broadcast_in_dim3A_1158 = arith.constant 22 : i32
      %broadcast_in_dim3A_1159 = vector.broadcast %broadcast_in_dim3A_1158 : i32 to vector<16xi32>
      %gather3A_1160 = tpu.vector_load_idx %arg13[%add3A_989, %broadcast_in_dim3A_1159] : memref<512x32xf32, #tpu.memory_space<vmem>>[vector<16xi32>, vector<16xi32>], vector<16xf32>,
      %slice3A_1161 = vector.extract_strided_slice %get3A_639 {offsets = [13], sizes = [1], strides = [1]} : vector<16xf32> to vector<1xf32>
      %squeeze3A_1162 = vector.extract %slice3A_1161[0] : f32 from vector<1xf32>
      %mul3A_1163 = arith.mulf %gather3A_1160, %get3A_991 : vector<16xf32>
      %mul3A_1164 = vector.broadcast %squeeze3A_1162 : f32 to vector<16xf32>
      %mul3A_1165 = arith.mulf %mul3A_1164, %get3A_993 : vector<16xf32>
      %sub3A_1166 = arith.subf %mul3A_1163, %mul3A_1165 : vector<16xf32>
      %swap3A_1167 = arith.constant 13 : i32
      %swap3A_1168 = arith.index_cast %swap3A_1167 : i32 to index
      %swap3A_1169 = arith.index_cast %multiple_of3A : i32 to index
      %swap3A_1170 = tpu.vector_load %arg14[%swap3A_1168, %swap3A_1169] {strides = array<i32>} : memref<32x512xf32, #tpu.memory_space<vmem>>, vector<16xf32>,
      tpu.vector_store %arg14[%swap3A_1168, %swap3A_1169], %sub3A_1166 {strides = array<i32>} : memref<32x512xf32, #tpu.memory_space<vmem>>, vector<16xf32>,
      %broadcast_in_dim3A_1171 = arith.constant 7 : i32
      %broadcast_in_dim3A_1172 = vector.broadcast %broadcast_in_dim3A_1171 : i32 to vector<16xi32>
      %gather3A_1173 = tpu.vector_load_idx %arg13[%add3A_989, %broadcast_in_dim3A_1172] : memref<512x32xf32, #tpu.memory_space<vmem>>[vector<16xi32>, vector<16xi32>], vector<16xf32>,
      %slice3A_1174 = vector.extract_strided_slice %get3A_639 {offsets = [14], sizes = [1], strides = [1]} : vector<16xf32> to vector<1xf32>
      %squeeze3A_1175 = vector.extract %slice3A_1174[0] : f32 from vector<1xf32>
      %mul3A_1176 = arith.mulf %gather3A_1173, %get3A_991 : vector<16xf32>
      %mul3A_1177 = vector.broadcast %squeeze3A_1175 : f32 to vector<16xf32>
      %mul3A_1178 = arith.mulf %mul3A_1177, %get3A_993 : vector<16xf32>
      %sub3A_1179 = arith.subf %mul3A_1176, %mul3A_1178 : vector<16xf32>
      %swap3A_1180 = arith.constant 14 : i32
      %swap3A_1181 = arith.index_cast %swap3A_1180 : i32 to index
      %swap3A_1182 = arith.index_cast %multiple_of3A : i32 to index
      %swap3A_1183 = tpu.vector_load %arg14[%swap3A_1181, %swap3A_1182] {strides = array<i32>} : memref<32x512xf32, #tpu.memory_space<vmem>>, vector<16xf32>,
      tpu.vector_store %arg14[%swap3A_1181, %swap3A_1182], %sub3A_1179 {strides = array<i32>} : memref<32x512xf32, #tpu.memory_space<vmem>>, vector<16xf32>,
      %broadcast_in_dim3A_1184 = arith.constant 23 : i32
      %broadcast_in_dim3A_1185 = vector.broadcast %broadcast_in_dim3A_1184 : i32 to vector<16xi32>
      %gather3A_1186 = tpu.vector_load_idx %arg13[%add3A_989, %broadcast_in_dim3A_1185] : memref<512x32xf32, #tpu.memory_space<vmem>>[vector<16xi32>, vector<16xi32>], vector<16xf32>,
      %slice3A_1187 = vector.extract_strided_slice %get3A_639 {offsets = [15], sizes = [1], strides = [1]} : vector<16xf32> to vector<1xf32>
      %squeeze3A_1188 = vector.extract %slice3A_1187[0] : f32 from vector<1xf32>
      %mul3A_1189 = arith.mulf %gather3A_1186, %get3A_991 : vector<16xf32>
      %mul3A_1190 = vector.broadcast %squeeze3A_1188 : f32 to vector<16xf32>
      %mul3A_1191 = arith.mulf %mul3A_1190, %get3A_993 : vector<16xf32>
      %sub3A_1192 = arith.subf %mul3A_1189, %mul3A_1191 : vector<16xf32>
      %swap3A_1193 = arith.constant 15 : i32
      %swap3A_1194 = arith.index_cast %swap3A_1193 : i32 to index
      %swap3A_1195 = arith.index_cast %multiple_of3A : i32 to index
      %swap3A_1196 = tpu.vector_load %arg14[%swap3A_1194, %swap3A_1195] {strides = array<i32>} : memref<32x512xf32, #tpu.memory_space<vmem>>, vector<16xf32>,
      tpu.vector_store %arg14[%swap3A_1194, %swap3A_1195], %sub3A_1192 {strides = array<i32>} : memref<32x512xf32, #tpu.memory_space<vmem>>, vector<16xf32>,
      %broadcast_in_dim3A_1197 = arith.constant 8 : i32
      %broadcast_in_dim3A_1198 = vector.broadcast %broadcast_in_dim3A_1197 : i32 to vector<16xi32>
      %gather3A_1199 = tpu.vector_load_idx %arg13[%add3A_989, %broadcast_in_dim3A_1198] : memref<512x32xf32, #tpu.memory_space<vmem>>[vector<16xi32>, vector<16xi32>], vector<16xf32>,
      %slice3A_1200 = vector.extract_strided_slice %get3A_643 {offsets = [0], sizes = [1], strides = [1]} : vector<16xf32> to vector<1xf32>
      %squeeze3A_1201 = vector.extract %slice3A_1200[0] : f32 from vector<1xf32>
      %mul3A_1202 = arith.mulf %gather3A_1199, %get3A_991 : vector<16xf32>
      %mul3A_1203 = vector.broadcast %squeeze3A_1201 : f32 to vector<16xf32>
      %mul3A_1204 = arith.mulf %mul3A_1203, %get3A_993 : vector<16xf32>
      %sub3A_1205 = arith.subf %mul3A_1202, %mul3A_1204 : vector<16xf32>
      %swap3A_1206 = arith.constant 16 : i32
      %swap3A_1207 = arith.index_cast %swap3A_1206 : i32 to index
      %swap3A_1208 = arith.index_cast %multiple_of3A : i32 to index
      %swap3A_1209 = tpu.vector_load %arg14[%swap3A_1207, %swap3A_1208] {strides = array<i32>} : memref<32x512xf32, #tpu.memory_space<vmem>>, vector<16xf32>,
      tpu.vector_store %arg14[%swap3A_1207, %swap3A_1208], %sub3A_1205 {strides = array<i32>} : memref<32x512xf32, #tpu.memory_space<vmem>>, vector<16xf32>,
      %broadcast_in_dim3A_1210 = arith.constant 24 : i32
      %broadcast_in_dim3A_1211 = vector.broadcast %broadcast_in_dim3A_1210 : i32 to vector<16xi32>
      %gather3A_1212 = tpu.vector_load_idx %arg13[%add3A_989, %broadcast_in_dim3A_1211] : memref<512x32xf32, #tpu.memory_space<vmem>>[vector<16xi32>, vector<16xi32>], vector<16xf32>,
      %slice3A_1213 = vector.extract_strided_slice %get3A_643 {offsets = [1], sizes = [1], strides = [1]} : vector<16xf32> to vector<1xf32>
      %squeeze3A_1214 = vector.extract %slice3A_1213[0] : f32 from vector<1xf32>
      %mul3A_1215 = arith.mulf %gather3A_1212, %get3A_991 : vector<16xf32>
      %mul3A_1216 = vector.broadcast %squeeze3A_1214 : f32 to vector<16xf32>
      %mul3A_1217 = arith.mulf %mul3A_1216, %get3A_993 : vector<16xf32>
      %sub3A_1218 = arith.subf %mul3A_1215, %mul3A_1217 : vector<16xf32>
      %swap3A_1219 = arith.constant 17 : i32
      %swap3A_1220 = arith.index_cast %swap3A_1219 : i32 to index
      %swap3A_1221 = arith.index_cast %multiple_of3A : i32 to index
      %swap3A_1222 = tpu.vector_load %arg14[%swap3A_1220, %swap3A_1221] {strides = array<i32>} : memref<32x512xf32, #tpu.memory_space<vmem>>, vector<16xf32>,
      tpu.vector_store %arg14[%swap3A_1220, %swap3A_1221], %sub3A_1218 {strides = array<i32>} : memref<32x512xf32, #tpu.memory_space<vmem>>, vector<16xf32>,
      %broadcast_in_dim3A_1223 = arith.constant 9 : i32
      %broadcast_in_dim3A_1224 = vector.broadcast %broadcast_in_dim3A_1223 : i32 to vector<16xi32>
      %gather3A_1225 = tpu.vector_load_idx %arg13[%add3A_989, %broadcast_in_dim3A_1224] : memref<512x32xf32, #tpu.memory_space<vmem>>[vector<16xi32>, vector<16xi32>], vector<16xf32>,
      %slice3A_1226 = vector.extract_strided_slice %get3A_643 {offsets = [2], sizes = [1], strides = [1]} : vector<16xf32> to vector<1xf32>
      %squeeze3A_1227 = vector.extract %slice3A_1226[0] : f32 from vector<1xf32>
      %mul3A_1228 = arith.mulf %gather3A_1225, %get3A_991 : vector<16xf32>
      %mul3A_1229 = vector.broadcast %squeeze3A_1227 : f32 to vector<16xf32>
      %mul3A_1230 = arith.mulf %mul3A_1229, %get3A_993 : vector<16xf32>
      %sub3A_1231 = arith.subf %mul3A_1228, %mul3A_1230 : vector<16xf32>
      %swap3A_1232 = arith.constant 18 : i32
      %swap3A_1233 = arith.index_cast %swap3A_1232 : i32 to index
      %swap3A_1234 = arith.index_cast %multiple_of3A : i32 to index
      %swap3A_1235 = tpu.vector_load %arg14[%swap3A_1233, %swap3A_1234] {strides = array<i32>} : memref<32x512xf32, #tpu.memory_space<vmem>>, vector<16xf32>,
      tpu.vector_store %arg14[%swap3A_1233, %swap3A_1234], %sub3A_1231 {strides = array<i32>} : memref<32x512xf32, #tpu.memory_space<vmem>>, vector<16xf32>,
      %broadcast_in_dim3A_1236 = arith.constant 25 : i32
      %broadcast_in_dim3A_1237 = vector.broadcast %broadcast_in_dim3A_1236 : i32 to vector<16xi32>
      %gather3A_1238 = tpu.vector_load_idx %arg13[%add3A_989, %broadcast_in_dim3A_1237] : memref<512x32xf32, #tpu.memory_space<vmem>>[vector<16xi32>, vector<16xi32>], vector<16xf32>,
      %slice3A_1239 = vector.extract_strided_slice %get3A_643 {offsets = [3], sizes = [1], strides = [1]} : vector<16xf32> to vector<1xf32>
      %squeeze3A_1240 = vector.extract %slice3A_1239[0] : f32 from vector<1xf32>
      %mul3A_1241 = arith.mulf %gather3A_1238, %get3A_991 : vector<16xf32>
      %mul3A_1242 = vector.broadcast %squeeze3A_1240 : f32 to vector<16xf32>
      %mul3A_1243 = arith.mulf %mul3A_1242, %get3A_993 : vector<16xf32>
      %sub3A_1244 = arith.subf %mul3A_1241, %mul3A_1243 : vector<16xf32>
      %swap3A_1245 = arith.constant 19 : i32
      %swap3A_1246 = arith.index_cast %swap3A_1245 : i32 to index
      %swap3A_1247 = arith.index_cast %multiple_of3A : i32 to index
      %swap3A_1248 = tpu.vector_load %arg14[%swap3A_1246, %swap3A_1247] {strides = array<i32>} : memref<32x512xf32, #tpu.memory_space<vmem>>, vector<16xf32>,
      tpu.vector_store %arg14[%swap3A_1246, %swap3A_1247], %sub3A_1244 {strides = array<i32>} : memref<32x512xf32, #tpu.memory_space<vmem>>, vector<16xf32>,
      %broadcast_in_dim3A_1249 = arith.constant 10 : i32
      %broadcast_in_dim3A_1250 = vector.broadcast %broadcast_in_dim3A_1249 : i32 to vector<16xi32>
      %gather3A_1251 = tpu.vector_load_idx %arg13[%add3A_989, %broadcast_in_dim3A_1250] : memref<512x32xf32, #tpu.memory_space<vmem>>[vector<16xi32>, vector<16xi32>], vector<16xf32>,
      %slice3A_1252 = vector.extract_strided_slice %get3A_643 {offsets = [4], sizes = [1], strides = [1]} : vector<16xf32> to vector<1xf32>
      %squeeze3A_1253 = vector.extract %slice3A_1252[0] : f32 from vector<1xf32>
      %mul3A_1254 = arith.mulf %gather3A_1251, %get3A_991 : vector<16xf32>
      %mul3A_1255 = vector.broadcast %squeeze3A_1253 : f32 to vector<16xf32>
      %mul3A_1256 = arith.mulf %mul3A_1255, %get3A_993 : vector<16xf32>
      %sub3A_1257 = arith.subf %mul3A_1254, %mul3A_1256 : vector<16xf32>
      %swap3A_1258 = arith.constant 20 : i32
      %swap3A_1259 = arith.index_cast %swap3A_1258 : i32 to index
      %swap3A_1260 = arith.index_cast %multiple_of3A : i32 to index
      %swap3A_1261 = tpu.vector_load %arg14[%swap3A_1259, %swap3A_1260] {strides = array<i32>} : memref<32x512xf32, #tpu.memory_space<vmem>>, vector<16xf32>,
      tpu.vector_store %arg14[%swap3A_1259, %swap3A_1260], %sub3A_1257 {strides = array<i32>} : memref<32x512xf32, #tpu.memory_space<vmem>>, vector<16xf32>,
      %broadcast_in_dim3A_1262 = arith.constant 26 : i32
      %broadcast_in_dim3A_1263 = vector.broadcast %broadcast_in_dim3A_1262 : i32 to vector<16xi32>
      %gather3A_1264 = tpu.vector_load_idx %arg13[%add3A_989, %broadcast_in_dim3A_1263] : memref<512x32xf32, #tpu.memory_space<vmem>>[vector<16xi32>, vector<16xi32>], vector<16xf32>,
      %slice3A_1265 = vector.extract_strided_slice %get3A_643 {offsets = [5], sizes = [1], strides = [1]} : vector<16xf32> to vector<1xf32>
      %squeeze3A_1266 = vector.extract %slice3A_1265[0] : f32 from vector<1xf32>
      %mul3A_1267 = arith.mulf %gather3A_1264, %get3A_991 : vector<16xf32>
      %mul3A_1268 = vector.broadcast %squeeze3A_1266 : f32 to vector<16xf32>
      %mul3A_1269 = arith.mulf %mul3A_1268, %get3A_993 : vector<16xf32>
      %sub3A_1270 = arith.subf %mul3A_1267, %mul3A_1269 : vector<16xf32>
      %swap3A_1271 = arith.constant 21 : i32
      %swap3A_1272 = arith.index_cast %swap3A_1271 : i32 to index
      %swap3A_1273 = arith.index_cast %multiple_of3A : i32 to index
      %swap3A_1274 = tpu.vector_load %arg14[%swap3A_1272, %swap3A_1273] {strides = array<i32>} : memref<32x512xf32, #tpu.memory_space<vmem>>, vector<16xf32>,
      tpu.vector_store %arg14[%swap3A_1272, %swap3A_1273], %sub3A_1270 {strides = array<i32>} : memref<32x512xf32, #tpu.memory_space<vmem>>, vector<16xf32>,
      %broadcast_in_dim3A_1275 = arith.constant 11 : i32
      %broadcast_in_dim3A_1276 = vector.broadcast %broadcast_in_dim3A_1275 : i32 to vector<16xi32>
      %gather3A_1277 = tpu.vector_load_idx %arg13[%add3A_989, %broadcast_in_dim3A_1276] : memref<512x32xf32, #tpu.memory_space<vmem>>[vector<16xi32>, vector<16xi32>], vector<16xf32>,
      %slice3A_1278 = vector.extract_strided_slice %get3A_643 {offsets = [6], sizes = [1], strides = [1]} : vector<16xf32> to vector<1xf32>
      %squeeze3A_1279 = vector.extract %slice3A_1278[0] : f32 from vector<1xf32>
      %mul3A_1280 = arith.mulf %gather3A_1277, %get3A_991 : vector<16xf32>
      %mul3A_1281 = vector.broadcast %squeeze3A_1279 : f32 to vector<16xf32>
      %mul3A_1282 = arith.mulf %mul3A_1281, %get3A_993 : vector<16xf32>
      %sub3A_1283 = arith.subf %mul3A_1280, %mul3A_1282 : vector<16xf32>
      %swap3A_1284 = arith.constant 22 : i32
      %swap3A_1285 = arith.index_cast %swap3A_1284 : i32 to index
      %swap3A_1286 = arith.index_cast %multiple_of3A : i32 to index
      %swap3A_1287 = tpu.vector_load %arg14[%swap3A_1285, %swap3A_1286] {strides = array<i32>} : memref<32x512xf32, #tpu.memory_space<vmem>>, vector<16xf32>,
      tpu.vector_store %arg14[%swap3A_1285, %swap3A_1286], %sub3A_1283 {strides = array<i32>} : memref<32x512xf32, #tpu.memory_space<vmem>>, vector<16xf32>,
      %broadcast_in_dim3A_1288 = arith.constant 27 : i32
      %broadcast_in_dim3A_1289 = vector.broadcast %broadcast_in_dim3A_1288 : i32 to vector<16xi32>
      %gather3A_1290 = tpu.vector_load_idx %arg13[%add3A_989, %broadcast_in_dim3A_1289] : memref<512x32xf32, #tpu.memory_space<vmem>>[vector<16xi32>, vector<16xi32>], vector<16xf32>,
      %slice3A_1291 = vector.extract_strided_slice %get3A_643 {offsets = [7], sizes = [1], strides = [1]} : vector<16xf32> to vector<1xf32>
      %squeeze3A_1292 = vector.extract %slice3A_1291[0] : f32 from vector<1xf32>
      %mul3A_1293 = arith.mulf %gather3A_1290, %get3A_991 : vector<16xf32>
      %mul3A_1294 = vector.broadcast %squeeze3A_1292 : f32 to vector<16xf32>
      %mul3A_1295 = arith.mulf %mul3A_1294, %get3A_993 : vector<16xf32>
      %sub3A_1296 = arith.subf %mul3A_1293, %mul3A_1295 : vector<16xf32>
      %swap3A_1297 = arith.constant 23 : i32
      %swap3A_1298 = arith.index_cast %swap3A_1297 : i32 to index
      %swap3A_1299 = arith.index_cast %multiple_of3A : i32 to index
      %swap3A_1300 = tpu.vector_load %arg14[%swap3A_1298, %swap3A_1299] {strides = array<i32>} : memref<32x512xf32, #tpu.memory_space<vmem>>, vector<16xf32>,
      tpu.vector_store %arg14[%swap3A_1298, %swap3A_1299], %sub3A_1296 {strides = array<i32>} : memref<32x512xf32, #tpu.memory_space<vmem>>, vector<16xf32>,
      %broadcast_in_dim3A_1301 = arith.constant 12 : i32
      %broadcast_in_dim3A_1302 = vector.broadcast %broadcast_in_dim3A_1301 : i32 to vector<16xi32>
      %gather3A_1303 = tpu.vector_load_idx %arg13[%add3A_989, %broadcast_in_dim3A_1302] : memref<512x32xf32, #tpu.memory_space<vmem>>[vector<16xi32>, vector<16xi32>], vector<16xf32>,
      %slice3A_1304 = vector.extract_strided_slice %get3A_643 {offsets = [8], sizes = [1], strides = [1]} : vector<16xf32> to vector<1xf32>
      %squeeze3A_1305 = vector.extract %slice3A_1304[0] : f32 from vector<1xf32>
      %mul3A_1306 = arith.mulf %gather3A_1303, %get3A_991 : vector<16xf32>
      %mul3A_1307 = vector.broadcast %squeeze3A_1305 : f32 to vector<16xf32>
      %mul3A_1308 = arith.mulf %mul3A_1307, %get3A_993 : vector<16xf32>
      %sub3A_1309 = arith.subf %mul3A_1306, %mul3A_1308 : vector<16xf32>
      %swap3A_1310 = arith.constant 24 : i32
      %swap3A_1311 = arith.index_cast %swap3A_1310 : i32 to index
      %swap3A_1312 = arith.index_cast %multiple_of3A : i32 to index
      %swap3A_1313 = tpu.vector_load %arg14[%swap3A_1311, %swap3A_1312] {strides = array<i32>} : memref<32x512xf32, #tpu.memory_space<vmem>>, vector<16xf32>,
      tpu.vector_store %arg14[%swap3A_1311, %swap3A_1312], %sub3A_1309 {strides = array<i32>} : memref<32x512xf32, #tpu.memory_space<vmem>>, vector<16xf32>,
      %broadcast_in_dim3A_1314 = arith.constant 28 : i32
      %broadcast_in_dim3A_1315 = vector.broadcast %broadcast_in_dim3A_1314 : i32 to vector<16xi32>
      %gather3A_1316 = tpu.vector_load_idx %arg13[%add3A_989, %broadcast_in_dim3A_1315] : memref<512x32xf32, #tpu.memory_space<vmem>>[vector<16xi32>, vector<16xi32>], vector<16xf32>,
      %slice3A_1317 = vector.extract_strided_slice %get3A_643 {offsets = [9], sizes = [1], strides = [1]} : vector<16xf32> to vector<1xf32>
      %squeeze3A_1318 = vector.extract %slice3A_1317[0] : f32 from vector<1xf32>
      %mul3A_1319 = arith.mulf %gather3A_1316, %get3A_991 : vector<16xf32>
      %mul3A_1320 = vector.broadcast %squeeze3A_1318 : f32 to vector<16xf32>
      %mul3A_1321 = arith.mulf %mul3A_1320, %get3A_993 : vector<16xf32>
      %sub3A_1322 = arith.subf %mul3A_1319, %mul3A_1321 : vector<16xf32>
      %swap3A_1323 = arith.constant 25 : i32
      %swap3A_1324 = arith.index_cast %swap3A_1323 : i32 to index
      %swap3A_1325 = arith.index_cast %multiple_of3A : i32 to index
      %swap3A_1326 = tpu.vector_load %arg14[%swap3A_1324, %swap3A_1325] {strides = array<i32>} : memref<32x512xf32, #tpu.memory_space<vmem>>, vector<16xf32>,
      tpu.vector_store %arg14[%swap3A_1324, %swap3A_1325], %sub3A_1322 {strides = array<i32>} : memref<32x512xf32, #tpu.memory_space<vmem>>, vector<16xf32>,
      %broadcast_in_dim3A_1327 = arith.constant 13 : i32
      %broadcast_in_dim3A_1328 = vector.broadcast %broadcast_in_dim3A_1327 : i32 to vector<16xi32>
      %gather3A_1329 = tpu.vector_load_idx %arg13[%add3A_989, %broadcast_in_dim3A_1328] : memref<512x32xf32, #tpu.memory_space<vmem>>[vector<16xi32>, vector<16xi32>], vector<16xf32>,
      %slice3A_1330 = vector.extract_strided_slice %get3A_643 {offsets = [10], sizes = [1], strides = [1]} : vector<16xf32> to vector<1xf32>
      %squeeze3A_1331 = vector.extract %slice3A_1330[0] : f32 from vector<1xf32>
      %mul3A_1332 = arith.mulf %gather3A_1329, %get3A_991 : vector<16xf32>
      %mul3A_1333 = vector.broadcast %squeeze3A_1331 : f32 to vector<16xf32>
      %mul3A_1334 = arith.mulf %mul3A_1333, %get3A_993 : vector<16xf32>
      %sub3A_1335 = arith.subf %mul3A_1332, %mul3A_1334 : vector<16xf32>
      %swap3A_1336 = arith.constant 26 : i32
      %swap3A_1337 = arith.index_cast %swap3A_1336 : i32 to index
      %swap3A_1338 = arith.index_cast %multiple_of3A : i32 to index
      %swap3A_1339 = tpu.vector_load %arg14[%swap3A_1337, %swap3A_1338] {strides = array<i32>} : memref<32x512xf32, #tpu.memory_space<vmem>>, vector<16xf32>,
      tpu.vector_store %arg14[%swap3A_1337, %swap3A_1338], %sub3A_1335 {strides = array<i32>} : memref<32x512xf32, #tpu.memory_space<vmem>>, vector<16xf32>,
      %broadcast_in_dim3A_1340 = arith.constant 29 : i32
      %broadcast_in_dim3A_1341 = vector.broadcast %broadcast_in_dim3A_1340 : i32 to vector<16xi32>
      %gather3A_1342 = tpu.vector_load_idx %arg13[%add3A_989, %broadcast_in_dim3A_1341] : memref<512x32xf32, #tpu.memory_space<vmem>>[vector<16xi32>, vector<16xi32>], vector<16xf32>,
      %slice3A_1343 = vector.extract_strided_slice %get3A_643 {offsets = [11], sizes = [1], strides = [1]} : vector<16xf32> to vector<1xf32>
      %squeeze3A_1344 = vector.extract %slice3A_1343[0] : f32 from vector<1xf32>
      %mul3A_1345 = arith.mulf %gather3A_1342, %get3A_991 : vector<16xf32>
      %mul3A_1346 = vector.broadcast %squeeze3A_1344 : f32 to vector<16xf32>
      %mul3A_1347 = arith.mulf %mul3A_1346, %get3A_993 : vector<16xf32>
      %sub3A_1348 = arith.subf %mul3A_1345, %mul3A_1347 : vector<16xf32>
      %swap3A_1349 = arith.constant 27 : i32
      %swap3A_1350 = arith.index_cast %swap3A_1349 : i32 to index
      %swap3A_1351 = arith.index_cast %multiple_of3A : i32 to index
      %swap3A_1352 = tpu.vector_load %arg14[%swap3A_1350, %swap3A_1351] {strides = array<i32>} : memref<32x512xf32, #tpu.memory_space<vmem>>, vector<16xf32>,
      tpu.vector_store %arg14[%swap3A_1350, %swap3A_1351], %sub3A_1348 {strides = array<i32>} : memref<32x512xf32, #tpu.memory_space<vmem>>, vector<16xf32>,
      %broadcast_in_dim3A_1353 = arith.constant 14 : i32
      %broadcast_in_dim3A_1354 = vector.broadcast %broadcast_in_dim3A_1353 : i32 to vector<16xi32>
      %gather3A_1355 = tpu.vector_load_idx %arg13[%add3A_989, %broadcast_in_dim3A_1354] : memref<512x32xf32, #tpu.memory_space<vmem>>[vector<16xi32>, vector<16xi32>], vector<16xf32>,
      %slice3A_1356 = vector.extract_strided_slice %get3A_643 {offsets = [12], sizes = [1], strides = [1]} : vector<16xf32> to vector<1xf32>
      %squeeze3A_1357 = vector.extract %slice3A_1356[0] : f32 from vector<1xf32>
      %mul3A_1358 = arith.mulf %gather3A_1355, %get3A_991 : vector<16xf32>
      %mul3A_1359 = vector.broadcast %squeeze3A_1357 : f32 to vector<16xf32>
      %mul3A_1360 = arith.mulf %mul3A_1359, %get3A_993 : vector<16xf32>
      %sub3A_1361 = arith.subf %mul3A_1358, %mul3A_1360 : vector<16xf32>
      %swap3A_1362 = arith.constant 28 : i32
      %swap3A_1363 = arith.index_cast %swap3A_1362 : i32 to index
      %swap3A_1364 = arith.index_cast %multiple_of3A : i32 to index
      %swap3A_1365 = tpu.vector_load %arg14[%swap3A_1363, %swap3A_1364] {strides = array<i32>} : memref<32x512xf32, #tpu.memory_space<vmem>>, vector<16xf32>,
      tpu.vector_store %arg14[%swap3A_1363, %swap3A_1364], %sub3A_1361 {strides = array<i32>} : memref<32x512xf32, #tpu.memory_space<vmem>>, vector<16xf32>,
      %broadcast_in_dim3A_1366 = arith.constant 30 : i32
      %broadcast_in_dim3A_1367 = vector.broadcast %broadcast_in_dim3A_1366 : i32 to vector<16xi32>
      %gather3A_1368 = tpu.vector_load_idx %arg13[%add3A_989, %broadcast_in_dim3A_1367] : memref<512x32xf32, #tpu.memory_space<vmem>>[vector<16xi32>, vector<16xi32>], vector<16xf32>,
      %slice3A_1369 = vector.extract_strided_slice %get3A_643 {offsets = [13], sizes = [1], strides = [1]} : vector<16xf32> to vector<1xf32>
      %squeeze3A_1370 = vector.extract %slice3A_1369[0] : f32 from vector<1xf32>
      %mul3A_1371 = arith.mulf %gather3A_1368, %get3A_991 : vector<16xf32>
      %mul3A_1372 = vector.broadcast %squeeze3A_1370 : f32 to vector<16xf32>
      %mul3A_1373 = arith.mulf %mul3A_1372, %get3A_993 : vector<16xf32>
      %sub3A_1374 = arith.subf %mul3A_1371, %mul3A_1373 : vector<16xf32>
      %swap3A_1375 = arith.constant 29 : i32
      %swap3A_1376 = arith.index_cast %swap3A_1375 : i32 to index
      %swap3A_1377 = arith.index_cast %multiple_of3A : i32 to index
      %swap3A_1378 = tpu.vector_load %arg14[%swap3A_1376, %swap3A_1377] {strides = array<i32>} : memref<32x512xf32, #tpu.memory_space<vmem>>, vector<16xf32>,
      tpu.vector_store %arg14[%swap3A_1376, %swap3A_1377], %sub3A_1374 {strides = array<i32>} : memref<32x512xf32, #tpu.memory_space<vmem>>, vector<16xf32>,
      %broadcast_in_dim3A_1379 = arith.constant 15 : i32
      %broadcast_in_dim3A_1380 = vector.broadcast %broadcast_in_dim3A_1379 : i32 to vector<16xi32>
      %gather3A_1381 = tpu.vector_load_idx %arg13[%add3A_989, %broadcast_in_dim3A_1380] : memref<512x32xf32, #tpu.memory_space<vmem>>[vector<16xi32>, vector<16xi32>], vector<16xf32>,
      %slice3A_1382 = vector.extract_strided_slice %get3A_643 {offsets = [14], sizes = [1], strides = [1]} : vector<16xf32> to vector<1xf32>
      %squeeze3A_1383 = vector.extract %slice3A_1382[0] : f32 from vector<1xf32>
      %mul3A_1384 = arith.mulf %gather3A_1381, %get3A_991 : vector<16xf32>
      %mul3A_1385 = vector.broadcast %squeeze3A_1383 : f32 to vector<16xf32>
      %mul3A_1386 = arith.mulf %mul3A_1385, %get3A_993 : vector<16xf32>
      %sub3A_1387 = arith.subf %mul3A_1384, %mul3A_1386 : vector<16xf32>
      %swap3A_1388 = arith.constant 30 : i32
      %swap3A_1389 = arith.index_cast %swap3A_1388 : i32 to index
      %swap3A_1390 = arith.index_cast %multiple_of3A : i32 to index
      %swap3A_1391 = tpu.vector_load %arg14[%swap3A_1389, %swap3A_1390] {strides = array<i32>} : memref<32x512xf32, #tpu.memory_space<vmem>>, vector<16xf32>,
      tpu.vector_store %arg14[%swap3A_1389, %swap3A_1390], %sub3A_1387 {strides = array<i32>} : memref<32x512xf32, #tpu.memory_space<vmem>>, vector<16xf32>,
      %broadcast_in_dim3A_1392 = arith.constant 31 : i32
      %broadcast_in_dim3A_1393 = vector.broadcast %broadcast_in_dim3A_1392 : i32 to vector<16xi32>
      %gather3A_1394 = tpu.vector_load_idx %arg13[%add3A_989, %broadcast_in_dim3A_1393] : memref<512x32xf32, #tpu.memory_space<vmem>>[vector<16xi32>, vector<16xi32>], vector<16xf32>,
      %slice3A_1395 = vector.extract_strided_slice %get3A_643 {offsets = [15], sizes = [1], strides = [1]} : vector<16xf32> to vector<1xf32>
      %squeeze3A_1396 = vector.extract %slice3A_1395[0] : f32 from vector<1xf32>
      %mul3A_1397 = arith.mulf %gather3A_1394, %get3A_991 : vector<16xf32>
      %mul3A_1398 = vector.broadcast %squeeze3A_1396 : f32 to vector<16xf32>
      %mul3A_1399 = arith.mulf %mul3A_1398, %get3A_993 : vector<16xf32>
      %sub3A_1400 = arith.subf %mul3A_1397, %mul3A_1399 : vector<16xf32>
      %swap3A_1401 = arith.constant 31 : i32
      %swap3A_1402 = arith.index_cast %swap3A_1401 : i32 to index
      %swap3A_1403 = arith.index_cast %multiple_of3A : i32 to index
      %swap3A_1404 = tpu.vector_load %arg14[%swap3A_1402, %swap3A_1403] {strides = array<i32>} : memref<32x512xf32, #tpu.memory_space<vmem>>, vector<16xf32>,
      tpu.vector_store %arg14[%swap3A_1402, %swap3A_1403], %sub3A_1400 {strides = array<i32>} : memref<32x512xf32, #tpu.memory_space<vmem>>, vector<16xf32>,
    }
    %scan3A_648 = arith.constant 32 : i32
    %dma_start3A_649 = arith.constant 32 : i32
    %dma_start3A_650 = tpu.memref_slice %arg7[%dma_start3A_649, %mul3A_2] : memref<64x16384xf32, #tpu.memory_space<hbm>> -> memref<32x512xf32, #tpu.memory_space<hbm>>
    %dma_start3A_651 = arith.constant 32 : i32
    %dma_start3A_652 = tpu.memref_slice %arg7[%dma_start3A_651, %mul3A_2] : memref<64x16384xf32, #tpu.memory_space<hbm>> -> memref<32x512xf32, #tpu.memory_space<hbm>>
    tpu.enqueue_dma source(%arg14 : memref<32x512xf32, #tpu.memory_space<vmem>>) target(%dma_start3A_652 : memref<32x512xf32, #tpu.memory_space<hbm>>) target_semaphore(%arg18 : memref<!tpu.dma_semaphore, #tpu.memory_space<semaphore_mem>>)
    %dma_wait3A_653 = arith.constant 0 : i32
    %dma_wait3A_654 = arith.constant 0 : i32
    %dma_wait3A_655 = arith.constant 0 : i32
    %dma_wait3A_656 = tpu.memref_slice %arg11[%dma_wait3A_654, %dma_wait3A_655] : memref<32x512xf32, #tpu.memory_space<vmem>> -> memref<1x512xf32, #tpu.memory_space<vmem>>
    %dma_wait3A_657 = tpu.memref_squeeze %dma_wait3A_656 : memref<1x512xf32, #tpu.memory_space<vmem>> -> memref<512xf32, #tpu.memory_space<vmem>>
    %dma_wait3A_658 = arith.constant 0 : i32
    %dma_wait3A_659 = tpu.memref_slice %arg10[%dma_wait3A_653, %dma_wait3A_658] : memref<32x512xi32, #tpu.memory_space<vmem>> -> memref<1x512xi32, #tpu.memory_space<vmem>>
    %dma_wait3A_660 = tpu.memref_squeeze %dma_wait3A_659 : memref<1x512xi32, #tpu.memory_space<vmem>> -> memref<512xi32, #tpu.memory_space<vmem>>
    %dma_wait3A_661 = arith.constant 0 : i32
    %dma_wait3A_662 = tpu.memref_slice %arg4[%dma_wait3A_661] : memref<3200032xf32, #tpu.memory_space<hbm>> -> memref<3200032xf32, #tpu.memory_space<hbm>>
    tpu.wait_indirect_dma semaphore(%arg19 : memref<!tpu.dma_semaphore, #tpu.memory_space<semaphore_mem>>) src(%dma_wait3A_662 : memref<3200032xf32, #tpu.memory_space<hbm>>) dst(%dma_wait3A_657 : memref<512xf32, #tpu.memory_space<vmem>>)
    %dma_wait3A_663 = arith.constant 1 : i32
    %dma_wait3A_664 = arith.constant 1 : i32
    %dma_wait3A_665 = arith.constant 0 : i32
    %dma_wait3A_666 = tpu.memref_slice %arg11[%dma_wait3A_664, %dma_wait3A_665] : memref<32x512xf32, #tpu.memory_space<vmem>> -> memref<1x512xf32, #tpu.memory_space<vmem>>
    %dma_wait3A_667 = tpu.memref_squeeze %dma_wait3A_666 : memref<1x512xf32, #tpu.memory_space<vmem>> -> memref<512xf32, #tpu.memory_space<vmem>>
    %dma_wait3A_668 = arith.constant 0 : i32
    %dma_wait3A_669 = tpu.memref_slice %arg10[%dma_wait3A_663, %dma_wait3A_668] : memref<32x512xi32, #tpu.memory_space<vmem>> -> memref<1x512xi32, #tpu.memory_space<vmem>>
    %dma_wait3A_670 = tpu.memref_squeeze %dma_wait3A_669 : memref<1x512xi32, #tpu.memory_space<vmem>> -> memref<512xi32, #tpu.memory_space<vmem>>
    %dma_wait3A_671 = arith.constant 0 : i32
    %dma_wait3A_672 = tpu.memref_slice %arg4[%dma_wait3A_671] : memref<3200032xf32, #tpu.memory_space<hbm>> -> memref<3200032xf32, #tpu.memory_space<hbm>>
    tpu.wait_indirect_dma semaphore(%arg19 : memref<!tpu.dma_semaphore, #tpu.memory_space<semaphore_mem>>) src(%dma_wait3A_672 : memref<3200032xf32, #tpu.memory_space<hbm>>) dst(%dma_wait3A_667 : memref<512xf32, #tpu.memory_space<vmem>>)
    %dma_wait3A_673 = arith.constant 2 : i32
    %dma_wait3A_674 = arith.constant 2 : i32
    %dma_wait3A_675 = arith.constant 0 : i32
    %dma_wait3A_676 = tpu.memref_slice %arg11[%dma_wait3A_674, %dma_wait3A_675] : memref<32x512xf32, #tpu.memory_space<vmem>> -> memref<1x512xf32, #tpu.memory_space<vmem>>
    %dma_wait3A_677 = tpu.memref_squeeze %dma_wait3A_676 : memref<1x512xf32, #tpu.memory_space<vmem>> -> memref<512xf32, #tpu.memory_space<vmem>>
    %dma_wait3A_678 = arith.constant 0 : i32
    %dma_wait3A_679 = tpu.memref_slice %arg10[%dma_wait3A_673, %dma_wait3A_678] : memref<32x512xi32, #tpu.memory_space<vmem>> -> memref<1x512xi32, #tpu.memory_space<vmem>>
    %dma_wait3A_680 = tpu.memref_squeeze %dma_wait3A_679 : memref<1x512xi32, #tpu.memory_space<vmem>> -> memref<512xi32, #tpu.memory_space<vmem>>
    %dma_wait3A_681 = arith.constant 0 : i32
    %dma_wait3A_682 = tpu.memref_slice %arg4[%dma_wait3A_681] : memref<3200032xf32, #tpu.memory_space<hbm>> -> memref<3200032xf32, #tpu.memory_space<hbm>>
    tpu.wait_indirect_dma semaphore(%arg19 : memref<!tpu.dma_semaphore, #tpu.memory_space<semaphore_mem>>) src(%dma_wait3A_682 : memref<3200032xf32, #tpu.memory_space<hbm>>) dst(%dma_wait3A_677 : memref<512xf32, #tpu.memory_space<vmem>>)
    %dma_wait3A_683 = arith.constant 3 : i32
    %dma_wait3A_684 = arith.constant 3 : i32
    %dma_wait3A_685 = arith.constant 0 : i32
    %dma_wait3A_686 = tpu.memref_slice %arg11[%dma_wait3A_684, %dma_wait3A_685] : memref<32x512xf32, #tpu.memory_space<vmem>> -> memref<1x512xf32, #tpu.memory_space<vmem>>
    %dma_wait3A_687 = tpu.memref_squeeze %dma_wait3A_686 : memref<1x512xf32, #tpu.memory_space<vmem>> -> memref<512xf32, #tpu.memory_space<vmem>>
    %dma_wait3A_688 = arith.constant 0 : i32
    %dma_wait3A_689 = tpu.memref_slice %arg10[%dma_wait3A_683, %dma_wait3A_688] : memref<32x512xi32, #tpu.memory_space<vmem>> -> memref<1x512xi32, #tpu.memory_space<vmem>>
    %dma_wait3A_690 = tpu.memref_squeeze %dma_wait3A_689 : memref<1x512xi32, #tpu.memory_space<vmem>> -> memref<512xi32, #tpu.memory_space<vmem>>
    %dma_wait3A_691 = arith.constant 0 : i32
    %dma_wait3A_692 = tpu.memref_slice %arg4[%dma_wait3A_691] : memref<3200032xf32, #tpu.memory_space<hbm>> -> memref<3200032xf32, #tpu.memory_space<hbm>>
    tpu.wait_indirect_dma semaphore(%arg19 : memref<!tpu.dma_semaphore, #tpu.memory_space<semaphore_mem>>) src(%dma_wait3A_692 : memref<3200032xf32, #tpu.memory_space<hbm>>) dst(%dma_wait3A_687 : memref<512xf32, #tpu.memory_space<vmem>>)
    %dma_wait3A_693 = arith.constant 4 : i32
    %dma_wait3A_694 = arith.constant 4 : i32
    %dma_wait3A_695 = arith.constant 0 : i32
    %dma_wait3A_696 = tpu.memref_slice %arg11[%dma_wait3A_694, %dma_wait3A_695] : memref<32x512xf32, #tpu.memory_space<vmem>> -> memref<1x512xf32, #tpu.memory_space<vmem>>
    %dma_wait3A_697 = tpu.memref_squeeze %dma_wait3A_696 : memref<1x512xf32, #tpu.memory_space<vmem>> -> memref<512xf32, #tpu.memory_space<vmem>>
    %dma_wait3A_698 = arith.constant 0 : i32
    %dma_wait3A_699 = tpu.memref_slice %arg10[%dma_wait3A_693, %dma_wait3A_698] : memref<32x512xi32, #tpu.memory_space<vmem>> -> memref<1x512xi32, #tpu.memory_space<vmem>>
    %dma_wait3A_700 = tpu.memref_squeeze %dma_wait3A_699 : memref<1x512xi32, #tpu.memory_space<vmem>> -> memref<512xi32, #tpu.memory_space<vmem>>
    %dma_wait3A_701 = arith.constant 0 : i32
    %dma_wait3A_702 = tpu.memref_slice %arg4[%dma_wait3A_701] : memref<3200032xf32, #tpu.memory_space<hbm>> -> memref<3200032xf32, #tpu.memory_space<hbm>>
    tpu.wait_indirect_dma semaphore(%arg19 : memref<!tpu.dma_semaphore, #tpu.memory_space<semaphore_mem>>) src(%dma_wait3A_702 : memref<3200032xf32, #tpu.memory_space<hbm>>) dst(%dma_wait3A_697 : memref<512xf32, #tpu.memory_space<vmem>>)
    %dma_wait3A_703 = arith.constant 5 : i32
    %dma_wait3A_704 = arith.constant 5 : i32
    %dma_wait3A_705 = arith.constant 0 : i32
    %dma_wait3A_706 = tpu.memref_slice %arg11[%dma_wait3A_704, %dma_wait3A_705] : memref<32x512xf32, #tpu.memory_space<vmem>> -> memref<1x512xf32, #tpu.memory_space<vmem>>
    %dma_wait3A_707 = tpu.memref_squeeze %dma_wait3A_706 : memref<1x512xf32, #tpu.memory_space<vmem>> -> memref<512xf32, #tpu.memory_space<vmem>>
    %dma_wait3A_708 = arith.constant 0 : i32
    %dma_wait3A_709 = tpu.memref_slice %arg10[%dma_wait3A_703, %dma_wait3A_708] : memref<32x512xi32, #tpu.memory_space<vmem>> -> memref<1x512xi32, #tpu.memory_space<vmem>>
    %dma_wait3A_710 = tpu.memref_squeeze %dma_wait3A_709 : memref<1x512xi32, #tpu.memory_space<vmem>> -> memref<512xi32, #tpu.memory_space<vmem>>
    %dma_wait3A_711 = arith.constant 0 : i32
    %dma_wait3A_712 = tpu.memref_slice %arg4[%dma_wait3A_711] : memref<3200032xf32, #tpu.memory_space<hbm>> -> memref<3200032xf32, #tpu.memory_space<hbm>>
    tpu.wait_indirect_dma semaphore(%arg19 : memref<!tpu.dma_semaphore, #tpu.memory_space<semaphore_mem>>) src(%dma_wait3A_712 : memref<3200032xf32, #tpu.memory_space<hbm>>) dst(%dma_wait3A_707 : memref<512xf32, #tpu.memory_space<vmem>>)
    %dma_wait3A_713 = arith.constant 6 : i32
    %dma_wait3A_714 = arith.constant 6 : i32
    %dma_wait3A_715 = arith.constant 0 : i32
    %dma_wait3A_716 = tpu.memref_slice %arg11[%dma_wait3A_714, %dma_wait3A_715] : memref<32x512xf32, #tpu.memory_space<vmem>> -> memref<1x512xf32, #tpu.memory_space<vmem>>
    %dma_wait3A_717 = tpu.memref_squeeze %dma_wait3A_716 : memref<1x512xf32, #tpu.memory_space<vmem>> -> memref<512xf32, #tpu.memory_space<vmem>>
    %dma_wait3A_718 = arith.constant 0 : i32
    %dma_wait3A_719 = tpu.memref_slice %arg10[%dma_wait3A_713, %dma_wait3A_718] : memref<32x512xi32, #tpu.memory_space<vmem>> -> memref<1x512xi32, #tpu.memory_space<vmem>>
    %dma_wait3A_720 = tpu.memref_squeeze %dma_wait3A_719 : memref<1x512xi32, #tpu.memory_space<vmem>> -> memref<512xi32, #tpu.memory_space<vmem>>
    %dma_wait3A_721 = arith.constant 0 : i32
    %dma_wait3A_722 = tpu.memref_slice %arg4[%dma_wait3A_721] : memref<3200032xf32, #tpu.memory_space<hbm>> -> memref<3200032xf32, #tpu.memory_space<hbm>>
    tpu.wait_indirect_dma semaphore(%arg19 : memref<!tpu.dma_semaphore, #tpu.memory_space<semaphore_mem>>) src(%dma_wait3A_722 : memref<3200032xf32, #tpu.memory_space<hbm>>) dst(%dma_wait3A_717 : memref<512xf32, #tpu.memory_space<vmem>>)
    %dma_wait3A_723 = arith.constant 7 : i32
    %dma_wait3A_724 = arith.constant 7 : i32
    %dma_wait3A_725 = arith.constant 0 : i32
    %dma_wait3A_726 = tpu.memref_slice %arg11[%dma_wait3A_724, %dma_wait3A_725] : memref<32x512xf32, #tpu.memory_space<vmem>> -> memref<1x512xf32, #tpu.memory_space<vmem>>
    %dma_wait3A_727 = tpu.memref_squeeze %dma_wait3A_726 : memref<1x512xf32, #tpu.memory_space<vmem>> -> memref<512xf32, #tpu.memory_space<vmem>>
    %dma_wait3A_728 = arith.constant 0 : i32
    %dma_wait3A_729 = tpu.memref_slice %arg10[%dma_wait3A_723, %dma_wait3A_728] : memref<32x512xi32, #tpu.memory_space<vmem>> -> memref<1x512xi32, #tpu.memory_space<vmem>>
    %dma_wait3A_730 = tpu.memref_squeeze %dma_wait3A_729 : memref<1x512xi32, #tpu.memory_space<vmem>> -> memref<512xi32, #tpu.memory_space<vmem>>
    %dma_wait3A_731 = arith.constant 0 : i32
    %dma_wait3A_732 = tpu.memref_slice %arg4[%dma_wait3A_731] : memref<3200032xf32, #tpu.memory_space<hbm>> -> memref<3200032xf32, #tpu.memory_space<hbm>>
    tpu.wait_indirect_dma semaphore(%arg19 : memref<!tpu.dma_semaphore, #tpu.memory_space<semaphore_mem>>) src(%dma_wait3A_732 : memref<3200032xf32, #tpu.memory_space<hbm>>) dst(%dma_wait3A_727 : memref<512xf32, #tpu.memory_space<vmem>>)
    %dma_wait3A_733 = arith.constant 8 : i32
    %dma_wait3A_734 = arith.constant 8 : i32
    %dma_wait3A_735 = arith.constant 0 : i32
    %dma_wait3A_736 = tpu.memref_slice %arg11[%dma_wait3A_734, %dma_wait3A_735] : memref<32x512xf32, #tpu.memory_space<vmem>> -> memref<1x512xf32, #tpu.memory_space<vmem>>
    %dma_wait3A_737 = tpu.memref_squeeze %dma_wait3A_736 : memref<1x512xf32, #tpu.memory_space<vmem>> -> memref<512xf32, #tpu.memory_space<vmem>>
    %dma_wait3A_738 = arith.constant 0 : i32
    %dma_wait3A_739 = tpu.memref_slice %arg10[%dma_wait3A_733, %dma_wait3A_738] : memref<32x512xi32, #tpu.memory_space<vmem>> -> memref<1x512xi32, #tpu.memory_space<vmem>>
    %dma_wait3A_740 = tpu.memref_squeeze %dma_wait3A_739 : memref<1x512xi32, #tpu.memory_space<vmem>> -> memref<512xi32, #tpu.memory_space<vmem>>
    %dma_wait3A_741 = arith.constant 0 : i32
    %dma_wait3A_742 = tpu.memref_slice %arg4[%dma_wait3A_741] : memref<3200032xf32, #tpu.memory_space<hbm>> -> memref<3200032xf32, #tpu.memory_space<hbm>>
    tpu.wait_indirect_dma semaphore(%arg19 : memref<!tpu.dma_semaphore, #tpu.memory_space<semaphore_mem>>) src(%dma_wait3A_742 : memref<3200032xf32, #tpu.memory_space<hbm>>) dst(%dma_wait3A_737 : memref<512xf32, #tpu.memory_space<vmem>>)
    %dma_wait3A_743 = arith.constant 9 : i32
    %dma_wait3A_744 = arith.constant 9 : i32
    %dma_wait3A_745 = arith.constant 0 : i32
    %dma_wait3A_746 = tpu.memref_slice %arg11[%dma_wait3A_744, %dma_wait3A_745] : memref<32x512xf32, #tpu.memory_space<vmem>> -> memref<1x512xf32, #tpu.memory_space<vmem>>
    %dma_wait3A_747 = tpu.memref_squeeze %dma_wait3A_746 : memref<1x512xf32, #tpu.memory_space<vmem>> -> memref<512xf32, #tpu.memory_space<vmem>>
    %dma_wait3A_748 = arith.constant 0 : i32
    %dma_wait3A_749 = tpu.memref_slice %arg10[%dma_wait3A_743, %dma_wait3A_748] : memref<32x512xi32, #tpu.memory_space<vmem>> -> memref<1x512xi32, #tpu.memory_space<vmem>>
    %dma_wait3A_750 = tpu.memref_squeeze %dma_wait3A_749 : memref<1x512xi32, #tpu.memory_space<vmem>> -> memref<512xi32, #tpu.memory_space<vmem>>
    %dma_wait3A_751 = arith.constant 0 : i32
    %dma_wait3A_752 = tpu.memref_slice %arg4[%dma_wait3A_751] : memref<3200032xf32, #tpu.memory_space<hbm>> -> memref<3200032xf32, #tpu.memory_space<hbm>>
    tpu.wait_indirect_dma semaphore(%arg19 : memref<!tpu.dma_semaphore, #tpu.memory_space<semaphore_mem>>) src(%dma_wait3A_752 : memref<3200032xf32, #tpu.memory_space<hbm>>) dst(%dma_wait3A_747 : memref<512xf32, #tpu.memory_space<vmem>>)
    %dma_wait3A_753 = arith.constant 10 : i32
    %dma_wait3A_754 = arith.constant 10 : i32
    %dma_wait3A_755 = arith.constant 0 : i32
    %dma_wait3A_756 = tpu.memref_slice %arg11[%dma_wait3A_754, %dma_wait3A_755] : memref<32x512xf32, #tpu.memory_space<vmem>> -> memref<1x512xf32, #tpu.memory_space<vmem>>
    %dma_wait3A_757 = tpu.memref_squeeze %dma_wait3A_756 : memref<1x512xf32, #tpu.memory_space<vmem>> -> memref<512xf32, #tpu.memory_space<vmem>>
    %dma_wait3A_758 = arith.constant 0 : i32
    %dma_wait3A_759 = tpu.memref_slice %arg10[%dma_wait3A_753, %dma_wait3A_758] : memref<32x512xi32, #tpu.memory_space<vmem>> -> memref<1x512xi32, #tpu.memory_space<vmem>>
    %dma_wait3A_760 = tpu.memref_squeeze %dma_wait3A_759 : memref<1x512xi32, #tpu.memory_space<vmem>> -> memref<512xi32, #tpu.memory_space<vmem>>
    %dma_wait3A_761 = arith.constant 0 : i32
    %dma_wait3A_762 = tpu.memref_slice %arg4[%dma_wait3A_761] : memref<3200032xf32, #tpu.memory_space<hbm>> -> memref<3200032xf32, #tpu.memory_space<hbm>>
    tpu.wait_indirect_dma semaphore(%arg19 : memref<!tpu.dma_semaphore, #tpu.memory_space<semaphore_mem>>) src(%dma_wait3A_762 : memref<3200032xf32, #tpu.memory_space<hbm>>) dst(%dma_wait3A_757 : memref<512xf32, #tpu.memory_space<vmem>>)
    %dma_wait3A_763 = arith.constant 11 : i32
    %dma_wait3A_764 = arith.constant 11 : i32
    %dma_wait3A_765 = arith.constant 0 : i32
    %dma_wait3A_766 = tpu.memref_slice %arg11[%dma_wait3A_764, %dma_wait3A_765] : memref<32x512xf32, #tpu.memory_space<vmem>> -> memref<1x512xf32, #tpu.memory_space<vmem>>
    %dma_wait3A_767 = tpu.memref_squeeze %dma_wait3A_766 : memref<1x512xf32, #tpu.memory_space<vmem>> -> memref<512xf32, #tpu.memory_space<vmem>>
    %dma_wait3A_768 = arith.constant 0 : i32
    %dma_wait3A_769 = tpu.memref_slice %arg10[%dma_wait3A_763, %dma_wait3A_768] : memref<32x512xi32, #tpu.memory_space<vmem>> -> memref<1x512xi32, #tpu.memory_space<vmem>>
    %dma_wait3A_770 = tpu.memref_squeeze %dma_wait3A_769 : memref<1x512xi32, #tpu.memory_space<vmem>> -> memref<512xi32, #tpu.memory_space<vmem>>
    %dma_wait3A_771 = arith.constant 0 : i32
    %dma_wait3A_772 = tpu.memref_slice %arg4[%dma_wait3A_771] : memref<3200032xf32, #tpu.memory_space<hbm>> -> memref<3200032xf32, #tpu.memory_space<hbm>>
    tpu.wait_indirect_dma semaphore(%arg19 : memref<!tpu.dma_semaphore, #tpu.memory_space<semaphore_mem>>) src(%dma_wait3A_772 : memref<3200032xf32, #tpu.memory_space<hbm>>) dst(%dma_wait3A_767 : memref<512xf32, #tpu.memory_space<vmem>>)
    %dma_wait3A_773 = arith.constant 12 : i32
    %dma_wait3A_774 = arith.constant 12 : i32
    %dma_wait3A_775 = arith.constant 0 : i32
    %dma_wait3A_776 = tpu.memref_slice %arg11[%dma_wait3A_774, %dma_wait3A_775] : memref<32x512xf32, #tpu.memory_space<vmem>> -> memref<1x512xf32, #tpu.memory_space<vmem>>
    %dma_wait3A_777 = tpu.memref_squeeze %dma_wait3A_776 : memref<1x512xf32, #tpu.memory_space<vmem>> -> memref<512xf32, #tpu.memory_space<vmem>>
    %dma_wait3A_778 = arith.constant 0 : i32
    %dma_wait3A_779 = tpu.memref_slice %arg10[%dma_wait3A_773, %dma_wait3A_778] : memref<32x512xi32, #tpu.memory_space<vmem>> -> memref<1x512xi32, #tpu.memory_space<vmem>>
    %dma_wait3A_780 = tpu.memref_squeeze %dma_wait3A_779 : memref<1x512xi32, #tpu.memory_space<vmem>> -> memref<512xi32, #tpu.memory_space<vmem>>
    %dma_wait3A_781 = arith.constant 0 : i32
    %dma_wait3A_782 = tpu.memref_slice %arg4[%dma_wait3A_781] : memref<3200032xf32, #tpu.memory_space<hbm>> -> memref<3200032xf32, #tpu.memory_space<hbm>>
    tpu.wait_indirect_dma semaphore(%arg19 : memref<!tpu.dma_semaphore, #tpu.memory_space<semaphore_mem>>) src(%dma_wait3A_782 : memref<3200032xf32, #tpu.memory_space<hbm>>) dst(%dma_wait3A_777 : memref<512xf32, #tpu.memory_space<vmem>>)
    %dma_wait3A_783 = arith.constant 13 : i32
    %dma_wait3A_784 = arith.constant 13 : i32
    %dma_wait3A_785 = arith.constant 0 : i32
    %dma_wait3A_786 = tpu.memref_slice %arg11[%dma_wait3A_784, %dma_wait3A_785] : memref<32x512xf32, #tpu.memory_space<vmem>> -> memref<1x512xf32, #tpu.memory_space<vmem>>
    %dma_wait3A_787 = tpu.memref_squeeze %dma_wait3A_786 : memref<1x512xf32, #tpu.memory_space<vmem>> -> memref<512xf32, #tpu.memory_space<vmem>>
    %dma_wait3A_788 = arith.constant 0 : i32
    %dma_wait3A_789 = tpu.memref_slice %arg10[%dma_wait3A_783, %dma_wait3A_788] : memref<32x512xi32, #tpu.memory_space<vmem>> -> memref<1x512xi32, #tpu.memory_space<vmem>>
    %dma_wait3A_790 = tpu.memref_squeeze %dma_wait3A_789 : memref<1x512xi32, #tpu.memory_space<vmem>> -> memref<512xi32, #tpu.memory_space<vmem>>
    %dma_wait3A_791 = arith.constant 0 : i32
    %dma_wait3A_792 = tpu.memref_slice %arg4[%dma_wait3A_791] : memref<3200032xf32, #tpu.memory_space<hbm>> -> memref<3200032xf32, #tpu.memory_space<hbm>>
    tpu.wait_indirect_dma semaphore(%arg19 : memref<!tpu.dma_semaphore, #tpu.memory_space<semaphore_mem>>) src(%dma_wait3A_792 : memref<3200032xf32, #tpu.memory_space<hbm>>) dst(%dma_wait3A_787 : memref<512xf32, #tpu.memory_space<vmem>>)
    %dma_wait3A_793 = arith.constant 14 : i32
    %dma_wait3A_794 = arith.constant 14 : i32
    %dma_wait3A_795 = arith.constant 0 : i32
    %dma_wait3A_796 = tpu.memref_slice %arg11[%dma_wait3A_794, %dma_wait3A_795] : memref<32x512xf32, #tpu.memory_space<vmem>> -> memref<1x512xf32, #tpu.memory_space<vmem>>
    %dma_wait3A_797 = tpu.memref_squeeze %dma_wait3A_796 : memref<1x512xf32, #tpu.memory_space<vmem>> -> memref<512xf32, #tpu.memory_space<vmem>>
    %dma_wait3A_798 = arith.constant 0 : i32
    %dma_wait3A_799 = tpu.memref_slice %arg10[%dma_wait3A_793, %dma_wait3A_798] : memref<32x512xi32, #tpu.memory_space<vmem>> -> memref<1x512xi32, #tpu.memory_space<vmem>>
    %dma_wait3A_800 = tpu.memref_squeeze %dma_wait3A_799 : memref<1x512xi32, #tpu.memory_space<vmem>> -> memref<512xi32, #tpu.memory_space<vmem>>
    %dma_wait3A_801 = arith.constant 0 : i32
    %dma_wait3A_802 = tpu.memref_slice %arg4[%dma_wait3A_801] : memref<3200032xf32, #tpu.memory_space<hbm>> -> memref<3200032xf32, #tpu.memory_space<hbm>>
    tpu.wait_indirect_dma semaphore(%arg19 : memref<!tpu.dma_semaphore, #tpu.memory_space<semaphore_mem>>) src(%dma_wait3A_802 : memref<3200032xf32, #tpu.memory_space<hbm>>) dst(%dma_wait3A_797 : memref<512xf32, #tpu.memory_space<vmem>>)
    %dma_wait3A_803 = arith.constant 15 : i32
    %dma_wait3A_804 = arith.constant 15 : i32
    %dma_wait3A_805 = arith.constant 0 : i32
    %dma_wait3A_806 = tpu.memref_slice %arg11[%dma_wait3A_804, %dma_wait3A_805] : memref<32x512xf32, #tpu.memory_space<vmem>> -> memref<1x512xf32, #tpu.memory_space<vmem>>
    %dma_wait3A_807 = tpu.memref_squeeze %dma_wait3A_806 : memref<1x512xf32, #tpu.memory_space<vmem>> -> memref<512xf32, #tpu.memory_space<vmem>>
    %dma_wait3A_808 = arith.constant 0 : i32
    %dma_wait3A_809 = tpu.memref_slice %arg10[%dma_wait3A_803, %dma_wait3A_808] : memref<32x512xi32, #tpu.memory_space<vmem>> -> memref<1x512xi32, #tpu.memory_space<vmem>>
    %dma_wait3A_810 = tpu.memref_squeeze %dma_wait3A_809 : memref<1x512xi32, #tpu.memory_space<vmem>> -> memref<512xi32, #tpu.memory_space<vmem>>
    %dma_wait3A_811 = arith.constant 0 : i32
    %dma_wait3A_812 = tpu.memref_slice %arg4[%dma_wait3A_811] : memref<3200032xf32, #tpu.memory_space<hbm>> -> memref<3200032xf32, #tpu.memory_space<hbm>>
    tpu.wait_indirect_dma semaphore(%arg19 : memref<!tpu.dma_semaphore, #tpu.memory_space<semaphore_mem>>) src(%dma_wait3A_812 : memref<3200032xf32, #tpu.memory_space<hbm>>) dst(%dma_wait3A_807 : memref<512xf32, #tpu.memory_space<vmem>>)
    %dma_wait3A_813 = arith.constant 16 : i32
    %dma_wait3A_814 = arith.constant 16 : i32
    %dma_wait3A_815 = arith.constant 0 : i32
    %dma_wait3A_816 = tpu.memref_slice %arg11[%dma_wait3A_814, %dma_wait3A_815] : memref<32x512xf32, #tpu.memory_space<vmem>> -> memref<1x512xf32, #tpu.memory_space<vmem>>
    %dma_wait3A_817 = tpu.memref_squeeze %dma_wait3A_816 : memref<1x512xf32, #tpu.memory_space<vmem>> -> memref<512xf32, #tpu.memory_space<vmem>>
    %dma_wait3A_818 = arith.constant 0 : i32
    %dma_wait3A_819 = tpu.memref_slice %arg10[%dma_wait3A_813, %dma_wait3A_818] : memref<32x512xi32, #tpu.memory_space<vmem>> -> memref<1x512xi32, #tpu.memory_space<vmem>>
    %dma_wait3A_820 = tpu.memref_squeeze %dma_wait3A_819 : memref<1x512xi32, #tpu.memory_space<vmem>> -> memref<512xi32, #tpu.memory_space<vmem>>
    %dma_wait3A_821 = arith.constant 0 : i32
    %dma_wait3A_822 = tpu.memref_slice %arg4[%dma_wait3A_821] : memref<3200032xf32, #tpu.memory_space<hbm>> -> memref<3200032xf32, #tpu.memory_space<hbm>>
    tpu.wait_indirect_dma semaphore(%arg19 : memref<!tpu.dma_semaphore, #tpu.memory_space<semaphore_mem>>) src(%dma_wait3A_822 : memref<3200032xf32, #tpu.memory_space<hbm>>) dst(%dma_wait3A_817 : memref<512xf32, #tpu.memory_space<vmem>>)
    %dma_wait3A_823 = arith.constant 17 : i32
    %dma_wait3A_824 = arith.constant 17 : i32
    %dma_wait3A_825 = arith.constant 0 : i32
    %dma_wait3A_826 = tpu.memref_slice %arg11[%dma_wait3A_824, %dma_wait3A_825] : memref<32x512xf32, #tpu.memory_space<vmem>> -> memref<1x512xf32, #tpu.memory_space<vmem>>
    %dma_wait3A_827 = tpu.memref_squeeze %dma_wait3A_826 : memref<1x512xf32, #tpu.memory_space<vmem>> -> memref<512xf32, #tpu.memory_space<vmem>>
    %dma_wait3A_828 = arith.constant 0 : i32
    %dma_wait3A_829 = tpu.memref_slice %arg10[%dma_wait3A_823, %dma_wait3A_828] : memref<32x512xi32, #tpu.memory_space<vmem>> -> memref<1x512xi32, #tpu.memory_space<vmem>>
    %dma_wait3A_830 = tpu.memref_squeeze %dma_wait3A_829 : memref<1x512xi32, #tpu.memory_space<vmem>> -> memref<512xi32, #tpu.memory_space<vmem>>
    %dma_wait3A_831 = arith.constant 0 : i32
    %dma_wait3A_832 = tpu.memref_slice %arg4[%dma_wait3A_831] : memref<3200032xf32, #tpu.memory_space<hbm>> -> memref<3200032xf32, #tpu.memory_space<hbm>>
    tpu.wait_indirect_dma semaphore(%arg19 : memref<!tpu.dma_semaphore, #tpu.memory_space<semaphore_mem>>) src(%dma_wait3A_832 : memref<3200032xf32, #tpu.memory_space<hbm>>) dst(%dma_wait3A_827 : memref<512xf32, #tpu.memory_space<vmem>>)
    %dma_wait3A_833 = arith.constant 18 : i32
    %dma_wait3A_834 = arith.constant 18 : i32
    %dma_wait3A_835 = arith.constant 0 : i32
    %dma_wait3A_836 = tpu.memref_slice %arg11[%dma_wait3A_834, %dma_wait3A_835] : memref<32x512xf32, #tpu.memory_space<vmem>> -> memref<1x512xf32, #tpu.memory_space<vmem>>
    %dma_wait3A_837 = tpu.memref_squeeze %dma_wait3A_836 : memref<1x512xf32, #tpu.memory_space<vmem>> -> memref<512xf32, #tpu.memory_space<vmem>>
    %dma_wait3A_838 = arith.constant 0 : i32
    %dma_wait3A_839 = tpu.memref_slice %arg10[%dma_wait3A_833, %dma_wait3A_838] : memref<32x512xi32, #tpu.memory_space<vmem>> -> memref<1x512xi32, #tpu.memory_space<vmem>>
    %dma_wait3A_840 = tpu.memref_squeeze %dma_wait3A_839 : memref<1x512xi32, #tpu.memory_space<vmem>> -> memref<512xi32, #tpu.memory_space<vmem>>
    %dma_wait3A_841 = arith.constant 0 : i32
    %dma_wait3A_842 = tpu.memref_slice %arg4[%dma_wait3A_841] : memref<3200032xf32, #tpu.memory_space<hbm>> -> memref<3200032xf32, #tpu.memory_space<hbm>>
    tpu.wait_indirect_dma semaphore(%arg19 : memref<!tpu.dma_semaphore, #tpu.memory_space<semaphore_mem>>) src(%dma_wait3A_842 : memref<3200032xf32, #tpu.memory_space<hbm>>) dst(%dma_wait3A_837 : memref<512xf32, #tpu.memory_space<vmem>>)
    %dma_wait3A_843 = arith.constant 19 : i32
    %dma_wait3A_844 = arith.constant 19 : i32
    %dma_wait3A_845 = arith.constant 0 : i32
    %dma_wait3A_846 = tpu.memref_slice %arg11[%dma_wait3A_844, %dma_wait3A_845] : memref<32x512xf32, #tpu.memory_space<vmem>> -> memref<1x512xf32, #tpu.memory_space<vmem>>
    %dma_wait3A_847 = tpu.memref_squeeze %dma_wait3A_846 : memref<1x512xf32, #tpu.memory_space<vmem>> -> memref<512xf32, #tpu.memory_space<vmem>>
    %dma_wait3A_848 = arith.constant 0 : i32
    %dma_wait3A_849 = tpu.memref_slice %arg10[%dma_wait3A_843, %dma_wait3A_848] : memref<32x512xi32, #tpu.memory_space<vmem>> -> memref<1x512xi32, #tpu.memory_space<vmem>>
    %dma_wait3A_850 = tpu.memref_squeeze %dma_wait3A_849 : memref<1x512xi32, #tpu.memory_space<vmem>> -> memref<512xi32, #tpu.memory_space<vmem>>
    %dma_wait3A_851 = arith.constant 0 : i32
    %dma_wait3A_852 = tpu.memref_slice %arg4[%dma_wait3A_851] : memref<3200032xf32, #tpu.memory_space<hbm>> -> memref<3200032xf32, #tpu.memory_space<hbm>>
    tpu.wait_indirect_dma semaphore(%arg19 : memref<!tpu.dma_semaphore, #tpu.memory_space<semaphore_mem>>) src(%dma_wait3A_852 : memref<3200032xf32, #tpu.memory_space<hbm>>) dst(%dma_wait3A_847 : memref<512xf32, #tpu.memory_space<vmem>>)
    %dma_wait3A_853 = arith.constant 20 : i32
    %dma_wait3A_854 = arith.constant 20 : i32
    %dma_wait3A_855 = arith.constant 0 : i32
    %dma_wait3A_856 = tpu.memref_slice %arg11[%dma_wait3A_854, %dma_wait3A_855] : memref<32x512xf32, #tpu.memory_space<vmem>> -> memref<1x512xf32, #tpu.memory_space<vmem>>
    %dma_wait3A_857 = tpu.memref_squeeze %dma_wait3A_856 : memref<1x512xf32, #tpu.memory_space<vmem>> -> memref<512xf32, #tpu.memory_space<vmem>>
    %dma_wait3A_858 = arith.constant 0 : i32
    %dma_wait3A_859 = tpu.memref_slice %arg10[%dma_wait3A_853, %dma_wait3A_858] : memref<32x512xi32, #tpu.memory_space<vmem>> -> memref<1x512xi32, #tpu.memory_space<vmem>>
    %dma_wait3A_860 = tpu.memref_squeeze %dma_wait3A_859 : memref<1x512xi32, #tpu.memory_space<vmem>> -> memref<512xi32, #tpu.memory_space<vmem>>
    %dma_wait3A_861 = arith.constant 0 : i32
    %dma_wait3A_862 = tpu.memref_slice %arg4[%dma_wait3A_861] : memref<3200032xf32, #tpu.memory_space<hbm>> -> memref<3200032xf32, #tpu.memory_space<hbm>>
    tpu.wait_indirect_dma semaphore(%arg19 : memref<!tpu.dma_semaphore, #tpu.memory_space<semaphore_mem>>) src(%dma_wait3A_862 : memref<3200032xf32, #tpu.memory_space<hbm>>) dst(%dma_wait3A_857 : memref<512xf32, #tpu.memory_space<vmem>>)
    %dma_wait3A_863 = arith.constant 21 : i32
    %dma_wait3A_864 = arith.constant 21 : i32
    %dma_wait3A_865 = arith.constant 0 : i32
    %dma_wait3A_866 = tpu.memref_slice %arg11[%dma_wait3A_864, %dma_wait3A_865] : memref<32x512xf32, #tpu.memory_space<vmem>> -> memref<1x512xf32, #tpu.memory_space<vmem>>
    %dma_wait3A_867 = tpu.memref_squeeze %dma_wait3A_866 : memref<1x512xf32, #tpu.memory_space<vmem>> -> memref<512xf32, #tpu.memory_space<vmem>>
    %dma_wait3A_868 = arith.constant 0 : i32
    %dma_wait3A_869 = tpu.memref_slice %arg10[%dma_wait3A_863, %dma_wait3A_868] : memref<32x512xi32, #tpu.memory_space<vmem>> -> memref<1x512xi32, #tpu.memory_space<vmem>>
    %dma_wait3A_870 = tpu.memref_squeeze %dma_wait3A_869 : memref<1x512xi32, #tpu.memory_space<vmem>> -> memref<512xi32, #tpu.memory_space<vmem>>
    %dma_wait3A_871 = arith.constant 0 : i32
    %dma_wait3A_872 = tpu.memref_slice %arg4[%dma_wait3A_871] : memref<3200032xf32, #tpu.memory_space<hbm>> -> memref<3200032xf32, #tpu.memory_space<hbm>>
    tpu.wait_indirect_dma semaphore(%arg19 : memref<!tpu.dma_semaphore, #tpu.memory_space<semaphore_mem>>) src(%dma_wait3A_872 : memref<3200032xf32, #tpu.memory_space<hbm>>) dst(%dma_wait3A_867 : memref<512xf32, #tpu.memory_space<vmem>>)
    %dma_wait3A_873 = arith.constant 22 : i32
    %dma_wait3A_874 = arith.constant 22 : i32
    %dma_wait3A_875 = arith.constant 0 : i32
    %dma_wait3A_876 = tpu.memref_slice %arg11[%dma_wait3A_874, %dma_wait3A_875] : memref<32x512xf32, #tpu.memory_space<vmem>> -> memref<1x512xf32, #tpu.memory_space<vmem>>
    %dma_wait3A_877 = tpu.memref_squeeze %dma_wait3A_876 : memref<1x512xf32, #tpu.memory_space<vmem>> -> memref<512xf32, #tpu.memory_space<vmem>>
    %dma_wait3A_878 = arith.constant 0 : i32
    %dma_wait3A_879 = tpu.memref_slice %arg10[%dma_wait3A_873, %dma_wait3A_878] : memref<32x512xi32, #tpu.memory_space<vmem>> -> memref<1x512xi32, #tpu.memory_space<vmem>>
    %dma_wait3A_880 = tpu.memref_squeeze %dma_wait3A_879 : memref<1x512xi32, #tpu.memory_space<vmem>> -> memref<512xi32, #tpu.memory_space<vmem>>
    %dma_wait3A_881 = arith.constant 0 : i32
    %dma_wait3A_882 = tpu.memref_slice %arg4[%dma_wait3A_881] : memref<3200032xf32, #tpu.memory_space<hbm>> -> memref<3200032xf32, #tpu.memory_space<hbm>>
    tpu.wait_indirect_dma semaphore(%arg19 : memref<!tpu.dma_semaphore, #tpu.memory_space<semaphore_mem>>) src(%dma_wait3A_882 : memref<3200032xf32, #tpu.memory_space<hbm>>) dst(%dma_wait3A_877 : memref<512xf32, #tpu.memory_space<vmem>>)
    %dma_wait3A_883 = arith.constant 23 : i32
    %dma_wait3A_884 = arith.constant 23 : i32
    %dma_wait3A_885 = arith.constant 0 : i32
    %dma_wait3A_886 = tpu.memref_slice %arg11[%dma_wait3A_884, %dma_wait3A_885] : memref<32x512xf32, #tpu.memory_space<vmem>> -> memref<1x512xf32, #tpu.memory_space<vmem>>
    %dma_wait3A_887 = tpu.memref_squeeze %dma_wait3A_886 : memref<1x512xf32, #tpu.memory_space<vmem>> -> memref<512xf32, #tpu.memory_space<vmem>>
    %dma_wait3A_888 = arith.constant 0 : i32
    %dma_wait3A_889 = tpu.memref_slice %arg10[%dma_wait3A_883, %dma_wait3A_888] : memref<32x512xi32, #tpu.memory_space<vmem>> -> memref<1x512xi32, #tpu.memory_space<vmem>>
    %dma_wait3A_890 = tpu.memref_squeeze %dma_wait3A_889 : memref<1x512xi32, #tpu.memory_space<vmem>> -> memref<512xi32, #tpu.memory_space<vmem>>
    %dma_wait3A_891 = arith.constant 0 : i32
    %dma_wait3A_892 = tpu.memref_slice %arg4[%dma_wait3A_891] : memref<3200032xf32, #tpu.memory_space<hbm>> -> memref<3200032xf32, #tpu.memory_space<hbm>>
    tpu.wait_indirect_dma semaphore(%arg19 : memref<!tpu.dma_semaphore, #tpu.memory_space<semaphore_mem>>) src(%dma_wait3A_892 : memref<3200032xf32, #tpu.memory_space<hbm>>) dst(%dma_wait3A_887 : memref<512xf32, #tpu.memory_space<vmem>>)
    %dma_wait3A_893 = arith.constant 24 : i32
    %dma_wait3A_894 = arith.constant 24 : i32
    %dma_wait3A_895 = arith.constant 0 : i32
    %dma_wait3A_896 = tpu.memref_slice %arg11[%dma_wait3A_894, %dma_wait3A_895] : memref<32x512xf32, #tpu.memory_space<vmem>> -> memref<1x512xf32, #tpu.memory_space<vmem>>
    %dma_wait3A_897 = tpu.memref_squeeze %dma_wait3A_896 : memref<1x512xf32, #tpu.memory_space<vmem>> -> memref<512xf32, #tpu.memory_space<vmem>>
    %dma_wait3A_898 = arith.constant 0 : i32
    %dma_wait3A_899 = tpu.memref_slice %arg10[%dma_wait3A_893, %dma_wait3A_898] : memref<32x512xi32, #tpu.memory_space<vmem>> -> memref<1x512xi32, #tpu.memory_space<vmem>>
    %dma_wait3A_900 = tpu.memref_squeeze %dma_wait3A_899 : memref<1x512xi32, #tpu.memory_space<vmem>> -> memref<512xi32, #tpu.memory_space<vmem>>
    %dma_wait3A_901 = arith.constant 0 : i32
    %dma_wait3A_902 = tpu.memref_slice %arg4[%dma_wait3A_901] : memref<3200032xf32, #tpu.memory_space<hbm>> -> memref<3200032xf32, #tpu.memory_space<hbm>>
    tpu.wait_indirect_dma semaphore(%arg19 : memref<!tpu.dma_semaphore, #tpu.memory_space<semaphore_mem>>) src(%dma_wait3A_902 : memref<3200032xf32, #tpu.memory_space<hbm>>) dst(%dma_wait3A_897 : memref<512xf32, #tpu.memory_space<vmem>>)
    %dma_wait3A_903 = arith.constant 25 : i32
    %dma_wait3A_904 = arith.constant 25 : i32
    %dma_wait3A_905 = arith.constant 0 : i32
    %dma_wait3A_906 = tpu.memref_slice %arg11[%dma_wait3A_904, %dma_wait3A_905] : memref<32x512xf32, #tpu.memory_space<vmem>> -> memref<1x512xf32, #tpu.memory_space<vmem>>
    %dma_wait3A_907 = tpu.memref_squeeze %dma_wait3A_906 : memref<1x512xf32, #tpu.memory_space<vmem>> -> memref<512xf32, #tpu.memory_space<vmem>>
    %dma_wait3A_908 = arith.constant 0 : i32
    %dma_wait3A_909 = tpu.memref_slice %arg10[%dma_wait3A_903, %dma_wait3A_908] : memref<32x512xi32, #tpu.memory_space<vmem>> -> memref<1x512xi32, #tpu.memory_space<vmem>>
    %dma_wait3A_910 = tpu.memref_squeeze %dma_wait3A_909 : memref<1x512xi32, #tpu.memory_space<vmem>> -> memref<512xi32, #tpu.memory_space<vmem>>
    %dma_wait3A_911 = arith.constant 0 : i32
    %dma_wait3A_912 = tpu.memref_slice %arg4[%dma_wait3A_911] : memref<3200032xf32, #tpu.memory_space<hbm>> -> memref<3200032xf32, #tpu.memory_space<hbm>>
    tpu.wait_indirect_dma semaphore(%arg19 : memref<!tpu.dma_semaphore, #tpu.memory_space<semaphore_mem>>) src(%dma_wait3A_912 : memref<3200032xf32, #tpu.memory_space<hbm>>) dst(%dma_wait3A_907 : memref<512xf32, #tpu.memory_space<vmem>>)
    %dma_wait3A_913 = arith.constant 26 : i32
    %dma_wait3A_914 = arith.constant 26 : i32
    %dma_wait3A_915 = arith.constant 0 : i32
    %dma_wait3A_916 = tpu.memref_slice %arg11[%dma_wait3A_914, %dma_wait3A_915] : memref<32x512xf32, #tpu.memory_space<vmem>> -> memref<1x512xf32, #tpu.memory_space<vmem>>
    %dma_wait3A_917 = tpu.memref_squeeze %dma_wait3A_916 : memref<1x512xf32, #tpu.memory_space<vmem>> -> memref<512xf32, #tpu.memory_space<vmem>>
    %dma_wait3A_918 = arith.constant 0 : i32
    %dma_wait3A_919 = tpu.memref_slice %arg10[%dma_wait3A_913, %dma_wait3A_918] : memref<32x512xi32, #tpu.memory_space<vmem>> -> memref<1x512xi32, #tpu.memory_space<vmem>>
    %dma_wait3A_920 = tpu.memref_squeeze %dma_wait3A_919 : memref<1x512xi32, #tpu.memory_space<vmem>> -> memref<512xi32, #tpu.memory_space<vmem>>
    %dma_wait3A_921 = arith.constant 0 : i32
    %dma_wait3A_922 = tpu.memref_slice %arg4[%dma_wait3A_921] : memref<3200032xf32, #tpu.memory_space<hbm>> -> memref<3200032xf32, #tpu.memory_space<hbm>>
    tpu.wait_indirect_dma semaphore(%arg19 : memref<!tpu.dma_semaphore, #tpu.memory_space<semaphore_mem>>) src(%dma_wait3A_922 : memref<3200032xf32, #tpu.memory_space<hbm>>) dst(%dma_wait3A_917 : memref<512xf32, #tpu.memory_space<vmem>>)
    %dma_wait3A_923 = arith.constant 27 : i32
    %dma_wait3A_924 = arith.constant 27 : i32
    %dma_wait3A_925 = arith.constant 0 : i32
    %dma_wait3A_926 = tpu.memref_slice %arg11[%dma_wait3A_924, %dma_wait3A_925] : memref<32x512xf32, #tpu.memory_space<vmem>> -> memref<1x512xf32, #tpu.memory_space<vmem>>
    %dma_wait3A_927 = tpu.memref_squeeze %dma_wait3A_926 : memref<1x512xf32, #tpu.memory_space<vmem>> -> memref<512xf32, #tpu.memory_space<vmem>>
    %dma_wait3A_928 = arith.constant 0 : i32
    %dma_wait3A_929 = tpu.memref_slice %arg10[%dma_wait3A_923, %dma_wait3A_928] : memref<32x512xi32, #tpu.memory_space<vmem>> -> memref<1x512xi32, #tpu.memory_space<vmem>>
    %dma_wait3A_930 = tpu.memref_squeeze %dma_wait3A_929 : memref<1x512xi32, #tpu.memory_space<vmem>> -> memref<512xi32, #tpu.memory_space<vmem>>
    %dma_wait3A_931 = arith.constant 0 : i32
    %dma_wait3A_932 = tpu.memref_slice %arg4[%dma_wait3A_931] : memref<3200032xf32, #tpu.memory_space<hbm>> -> memref<3200032xf32, #tpu.memory_space<hbm>>
    tpu.wait_indirect_dma semaphore(%arg19 : memref<!tpu.dma_semaphore, #tpu.memory_space<semaphore_mem>>) src(%dma_wait3A_932 : memref<3200032xf32, #tpu.memory_space<hbm>>) dst(%dma_wait3A_927 : memref<512xf32, #tpu.memory_space<vmem>>)
    %dma_wait3A_933 = arith.constant 28 : i32
    %dma_wait3A_934 = arith.constant 28 : i32
    %dma_wait3A_935 = arith.constant 0 : i32
    %dma_wait3A_936 = tpu.memref_slice %arg11[%dma_wait3A_934, %dma_wait3A_935] : memref<32x512xf32, #tpu.memory_space<vmem>> -> memref<1x512xf32, #tpu.memory_space<vmem>>
    %dma_wait3A_937 = tpu.memref_squeeze %dma_wait3A_936 : memref<1x512xf32, #tpu.memory_space<vmem>> -> memref<512xf32, #tpu.memory_space<vmem>>
    %dma_wait3A_938 = arith.constant 0 : i32
    %dma_wait3A_939 = tpu.memref_slice %arg10[%dma_wait3A_933, %dma_wait3A_938] : memref<32x512xi32, #tpu.memory_space<vmem>> -> memref<1x512xi32, #tpu.memory_space<vmem>>
    %dma_wait3A_940 = tpu.memref_squeeze %dma_wait3A_939 : memref<1x512xi32, #tpu.memory_space<vmem>> -> memref<512xi32, #tpu.memory_space<vmem>>
    %dma_wait3A_941 = arith.constant 0 : i32
    %dma_wait3A_942 = tpu.memref_slice %arg4[%dma_wait3A_941] : memref<3200032xf32, #tpu.memory_space<hbm>> -> memref<3200032xf32, #tpu.memory_space<hbm>>
    tpu.wait_indirect_dma semaphore(%arg19 : memref<!tpu.dma_semaphore, #tpu.memory_space<semaphore_mem>>) src(%dma_wait3A_942 : memref<3200032xf32, #tpu.memory_space<hbm>>) dst(%dma_wait3A_937 : memref<512xf32, #tpu.memory_space<vmem>>)
    %dma_wait3A_943 = arith.constant 29 : i32
    %dma_wait3A_944 = arith.constant 29 : i32
    %dma_wait3A_945 = arith.constant 0 : i32
    %dma_wait3A_946 = tpu.memref_slice %arg11[%dma_wait3A_944, %dma_wait3A_945] : memref<32x512xf32, #tpu.memory_space<vmem>> -> memref<1x512xf32, #tpu.memory_space<vmem>>
    %dma_wait3A_947 = tpu.memref_squeeze %dma_wait3A_946 : memref<1x512xf32, #tpu.memory_space<vmem>> -> memref<512xf32, #tpu.memory_space<vmem>>
    %dma_wait3A_948 = arith.constant 0 : i32
    %dma_wait3A_949 = tpu.memref_slice %arg10[%dma_wait3A_943, %dma_wait3A_948] : memref<32x512xi32, #tpu.memory_space<vmem>> -> memref<1x512xi32, #tpu.memory_space<vmem>>
    %dma_wait3A_950 = tpu.memref_squeeze %dma_wait3A_949 : memref<1x512xi32, #tpu.memory_space<vmem>> -> memref<512xi32, #tpu.memory_space<vmem>>
    %dma_wait3A_951 = arith.constant 0 : i32
    %dma_wait3A_952 = tpu.memref_slice %arg4[%dma_wait3A_951] : memref<3200032xf32, #tpu.memory_space<hbm>> -> memref<3200032xf32, #tpu.memory_space<hbm>>
    tpu.wait_indirect_dma semaphore(%arg19 : memref<!tpu.dma_semaphore, #tpu.memory_space<semaphore_mem>>) src(%dma_wait3A_952 : memref<3200032xf32, #tpu.memory_space<hbm>>) dst(%dma_wait3A_947 : memref<512xf32, #tpu.memory_space<vmem>>)
    %dma_wait3A_953 = arith.constant 30 : i32
    %dma_wait3A_954 = arith.constant 30 : i32
    %dma_wait3A_955 = arith.constant 0 : i32
    %dma_wait3A_956 = tpu.memref_slice %arg11[%dma_wait3A_954, %dma_wait3A_955] : memref<32x512xf32, #tpu.memory_space<vmem>> -> memref<1x512xf32, #tpu.memory_space<vmem>>
    %dma_wait3A_957 = tpu.memref_squeeze %dma_wait3A_956 : memref<1x512xf32, #tpu.memory_space<vmem>> -> memref<512xf32, #tpu.memory_space<vmem>>
    %dma_wait3A_958 = arith.constant 0 : i32
    %dma_wait3A_959 = tpu.memref_slice %arg10[%dma_wait3A_953, %dma_wait3A_958] : memref<32x512xi32, #tpu.memory_space<vmem>> -> memref<1x512xi32, #tpu.memory_space<vmem>>
    %dma_wait3A_960 = tpu.memref_squeeze %dma_wait3A_959 : memref<1x512xi32, #tpu.memory_space<vmem>> -> memref<512xi32, #tpu.memory_space<vmem>>
    %dma_wait3A_961 = arith.constant 0 : i32
    %dma_wait3A_962 = tpu.memref_slice %arg4[%dma_wait3A_961] : memref<3200032xf32, #tpu.memory_space<hbm>> -> memref<3200032xf32, #tpu.memory_space<hbm>>
    tpu.wait_indirect_dma semaphore(%arg19 : memref<!tpu.dma_semaphore, #tpu.memory_space<semaphore_mem>>) src(%dma_wait3A_962 : memref<3200032xf32, #tpu.memory_space<hbm>>) dst(%dma_wait3A_957 : memref<512xf32, #tpu.memory_space<vmem>>)
    %dma_wait3A_963 = arith.constant 31 : i32
    %dma_wait3A_964 = arith.constant 31 : i32
    %dma_wait3A_965 = arith.constant 0 : i32
    %dma_wait3A_966 = tpu.memref_slice %arg11[%dma_wait3A_964, %dma_wait3A_965] : memref<32x512xf32, #tpu.memory_space<vmem>> -> memref<1x512xf32, #tpu.memory_space<vmem>>
    %dma_wait3A_967 = tpu.memref_squeeze %dma_wait3A_966 : memref<1x512xf32, #tpu.memory_space<vmem>> -> memref<512xf32, #tpu.memory_space<vmem>>
    %dma_wait3A_968 = arith.constant 0 : i32
    %dma_wait3A_969 = tpu.memref_slice %arg10[%dma_wait3A_963, %dma_wait3A_968] : memref<32x512xi32, #tpu.memory_space<vmem>> -> memref<1x512xi32, #tpu.memory_space<vmem>>
    %dma_wait3A_970 = tpu.memref_squeeze %dma_wait3A_969 : memref<1x512xi32, #tpu.memory_space<vmem>> -> memref<512xi32, #tpu.memory_space<vmem>>
    %dma_wait3A_971 = arith.constant 0 : i32
    %dma_wait3A_972 = tpu.memref_slice %arg4[%dma_wait3A_971] : memref<3200032xf32, #tpu.memory_space<hbm>> -> memref<3200032xf32, #tpu.memory_space<hbm>>
    tpu.wait_indirect_dma semaphore(%arg19 : memref<!tpu.dma_semaphore, #tpu.memory_space<semaphore_mem>>) src(%dma_wait3A_972 : memref<3200032xf32, #tpu.memory_space<hbm>>) dst(%dma_wait3A_967 : memref<512xf32, #tpu.memory_space<vmem>>)
    %dma_start3A_973 = arith.constant 0 : i32
    %dma_start3A_974 = tpu.memref_slice %arg7[%dma_start3A_973, %mul3A_2] : memref<64x16384xf32, #tpu.memory_space<hbm>> -> memref<32x512xf32, #tpu.memory_space<hbm>>
    %dma_start3A_975 = arith.constant 0 : i32
    %dma_start3A_976 = tpu.memref_slice %arg7[%dma_start3A_975, %mul3A_2] : memref<64x16384xf32, #tpu.memory_space<hbm>> -> memref<32x512xf32, #tpu.memory_space<hbm>>
    tpu.enqueue_dma source(%arg11 : memref<32x512xf32, #tpu.memory_space<vmem>>) target(%dma_start3A_976 : memref<32x512xf32, #tpu.memory_space<hbm>>) target_semaphore(%arg18 : memref<!tpu.dma_semaphore, #tpu.memory_space<semaphore_mem>>)
    %dma_wait3A_977 = arith.constant 32 : i32
    %dma_wait3A_978 = tpu.memref_slice %arg7[%dma_wait3A_977, %mul3A_2] : memref<64x16384xf32, #tpu.memory_space<hbm>> -> memref<32x512xf32, #tpu.memory_space<hbm>>
    %dma_wait3A_979 = arith.constant 32 : i32
    %dma_wait3A_980 = tpu.memref_slice %arg7[%dma_wait3A_979, %mul3A_2] : memref<64x16384xf32, #tpu.memory_space<hbm>> -> memref<32x512xf32, #tpu.memory_space<hbm>>
    tpu.wait_dma2 semaphore(%arg18 : memref<!tpu.dma_semaphore, #tpu.memory_space<semaphore_mem>>) src(%arg14 : memref<32x512xf32, #tpu.memory_space<vmem>>) dst(%dma_wait3A_980 : memref<32x512xf32, #tpu.memory_space<hbm>>)
    %dma_wait3A_981 = arith.constant 0 : i32
    %dma_wait3A_982 = tpu.memref_slice %arg7[%dma_wait3A_981, %mul3A_2] : memref<64x16384xf32, #tpu.memory_space<hbm>> -> memref<32x512xf32, #tpu.memory_space<hbm>>
    %dma_wait3A_983 = arith.constant 0 : i32
    %dma_wait3A_984 = tpu.memref_slice %arg7[%dma_wait3A_983, %mul3A_2] : memref<64x16384xf32, #tpu.memory_space<hbm>> -> memref<32x512xf32, #tpu.memory_space<hbm>>
    tpu.wait_dma2 semaphore(%arg18 : memref<!tpu.dma_semaphore, #tpu.memory_space<semaphore_mem>>) src(%arg11 : memref<32x512xf32, #tpu.memory_space<vmem>>) dst(%dma_wait3A_984 : memref<32x512xf32, #tpu.memory_space<hbm>>)
    return
  }
}

</mosaic_0001>

<sc_bundles>
// kernel: _run.3.cloned.1.call-start
scs
__scs_entry_jumppad:
0x0: {  	(pc) =	sbr.rel $0x88, $3  }
0x1: {  	(tag) =	ssettag $0x0;
	lr =	simm.s32 $0x1  }
0x2: {  	[smem:$0x3F9C] =	sst lr;
	_ =	strace $0xD0000000  }
0x3: {  	_ = 	snop  }
0x4: {  	_ = 	snop  }
0x5: {  	_ = 	snop  }
0x6: {  	_ = 	snop  }
0x7: {  	_ = 	snop  }
__scs_overlays_trampoline_lowered:
0x8: {  	[smem:$0x3FAB] =	sst s0  }
0x9: {  	[smem:$0x3FAC] =	sst s1  }
0xa: {  	[smem:$0x3FAD] =	sst s2  }
0xb: {  	[smem:$0x3FAE] =	sst s3  }
0xc: {  	[smem:$0x3FAF] =	sst s4  }
0xd: {  	[smem:$0x3FB0] =	sst s5  }
0xe: {  	[smem:$0x3FB1] =	sst s6  }
0xf: {  	[smem:$0x3FB2] =	sst s7  }
0x10: {  	[smem:$0x3FB3] =	sst s8  }
0x11: {  	[smem:$0x3FB4] =	sst s9;
	s0 =	simm.s32 @!p0 $0x0  }
0x12: {  	s1 =	sld [smem:$0x3F9A];
	s0 =	simm.s32 @p0 $0x1  }
0x13: {  	[smem:$0x3FB5] =	sst s0;
	s0 =	simm.s32 @!p1 $0x0  }
0x14: {  	s2 =	sld [smem:$0x3F99];
	s0 =	simm.s32 @p1 $0x1  }
0x15: {  	[smem:$0x3FB6] =	sst s0;
	s0 =	simm.s32 @!p2 $0x0  }
0x16: {  	s3 =	sld [smem:$0x3FDB];
	s0 =	simm.s32 @p2 $0x1  }
0x17: {  	s4 =	simm.s32 $0x1BF5;
	[smem:$0x3FB8] =	sst s0  }
0x18: {  	s0 =	sld [smem:$0x3F9B];
	_ =	swait.ge [sflag:s4], $0x0  }
0x19: {  	s7 =	sld [smem:$0x3F9C]  }
0x1a: {  	s8 =	sadd.s32 $0xFFFFE003, lr  }
0x1b: {  	s9 =	sadd.s32 $0xFFFFFEF7, lr;
	s5 =	simm.s32 $0xFFFFFFFF;
	p2 =	slt.u32 s8, $0xFFFFF086  }
0x1c: {  	p1 =	slt.u32 s9, $0xF7A;
	s5 =	simm.s32 @!p2 $0x0  }
0x1d: {  	s5 =	simm.s32 @p1 $0x1;
	p0 =	seq.s32 s7, s2  }
0x1e: {  	s7 =	smul.u32 @!p0 $0xF7A, s2;
	p2 =	seq.s32 @!p0 s5, $0x0  }
0x1f: {  	s9 =	smul.u32 $0xF7A, s1;
	s8 =	simm.s32 @!p0 $0x1BF5;
	p2 =	por !p2, p0  }
0x20: {  	[sflag:s8] =	ssyncset.s32 @!p0 $0xFFFFF086;
	s6 =	sadd.s32 @!p0 s3, s7;
	s7 =	simm.s32 @!p0 $0x108  }
0x21: {  	s3 =	sadd.s32 s3, s9;
	s6 =	sadd.s32 @!p0 $0x88, s6;
	s7 =	simm.s32 @p2 $0x1082  }
0x22: {  	[simem:s7], [sflag:s8] =	dma.local @!p0 [hbm:s6], $0xF7A  }
0x23: {  	s9 =	sor.u32 $0xD0000000, s2;
	s6 =	simm.s32 $0x108;
	_ =	swait.ge @!p0 [sflag:s8], $0x0  }
0x24: {  	s3 =	sadd.s32 $0x88, s3;
	s6 =	simm.s32 @!p1 $0x1082;
	[sflag:s4] =	ssyncset.s32 $0xFFFFF086  }
0x25: {  	[simem:s6], [sflag:s4] =	dma.local [hbm:s3], $0xF7A  }
0x26: {  	[smem:$0x3F9C] =	sst s1;
	(tag) =	ssettag s2;
	_ =	strace s9  }
0x27: {  	s1 =	sld [smem:$0x3FAC]  }
0x28: {  	s2 =	sld [smem:$0x3FAD]  }
0x29: {  	s4 =	sld [smem:$0x3FAF]  }
0x2a: {  	p0 =	seq.s32 s5, $0x0;
	s5 =	sld [smem:$0x3FB0]  }
0x2b: {  	s6 =	sld [smem:$0x3FB1]  }
0x2c: {  	s7 =	sld [smem:$0x3FB2]  }
0x2d: {  	s3 =	simm.s32 $0x108;
	s8 =	sld [smem:$0x3FB3]  }
0x2e: {  	s3 =	simm.s32 @!p0 $0x1082;
	s9 =	sld [smem:$0x3FB4]  }
0x2f: {  	lr =	sadd.s32 s0, s3;
	s0 =	sld [smem:$0x3FAB]  }
0x30: {  	s3 =	sld [smem:$0x3FAE]  }
0x31: {  	[smem:$0x3FB7] =	sst s10  }
0x32: {  	s10 =	sld [smem:$0x3FB5];
	_ =	sdelay $0x3  }
0x33: {  	p0 =	seq.s32 s10, $0x1;
	s10 =	sld [smem:$0x3FB7];
	_ =	sdelay $0x3  }
0x34: {  	[smem:$0x3FB7] =	sst s10  }
0x35: {  	s10 =	sld [smem:$0x3FB6];
	_ =	sdelay $0x3  }
0x36: {  	p1 =	seq.s32 s10, $0x1;
	s10 =	sld [smem:$0x3FB7];
	_ =	sdelay $0x3  }
0x37: {  	[smem:$0x3FB7] =	sst s10  }
0x38: {  	s10 =	sld [smem:$0x3FB8]  }
0x39: {  	_ = 	snop;
	(pc) =	sbr.ind lr, $3  }
0x3a: {  	_ = 	snop  }
0x3b: {  	_ = 	snop  }
0x3c: {  	p2 =	seq.s32 s10, $0x1;
	s10 =	sld [smem:$0x3FB7]  }
0x3d: {  	_ =	shalt  }
0x3e: {  	_ =	shalt  }
0x3f: {  	_ =	shalt  }
0x40: {  	_ =	shalt  }
0x41: {  	_ =	shalt  }
0x42: {  	_ =	shalt  }
0x43: {  	_ =	shalt  }
0x44: {  	_ =	shalt  }
0x45: {  	_ =	shalt  }
0x46: {  	_ =	shalt  }
0x47: {  	_ =	shalt  }
0x48: {  	_ =	shalt  }
0x49: {  	_ =	shalt  }
0x4a: {  	_ =	shalt  }
0x4b: {  	_ =	shalt  }
0x4c: {  	_ =	shalt  }
0x4d: {  	_ =	shalt  }
0x4e: {  	_ =	shalt  }
0x4f: {  	_ =	shalt  }
0x50: {  	_ =	shalt  }
0x51: {  	_ =	shalt  }
0x52: {  	_ =	shalt  }
0x53: {  	_ =	shalt  }
0x54: {  	_ =	shalt  }
0x55: {  	_ =	shalt  }
0x56: {  	_ =	shalt  }
0x57: {  	_ =	shalt  }
0x58: {  	_ =	shalt  }
0x59: {  	_ =	shalt  }
0x5a: {  	_ =	shalt  }
0x5b: {  	_ =	shalt  }
0x5c: {  	_ =	shalt  }
0x5d: {  	_ =	shalt  }
0x5e: {  	_ =	shalt  }
0x5f: {  	_ =	shalt  }
0x60: {  	_ =	shalt  }
0x61: {  	_ =	shalt  }
0x62: {  	_ =	shalt  }
0x63: {  	_ =	shalt  }
0x64: {  	_ =	shalt  }
0x65: {  	_ =	shalt  }
0x66: {  	_ =	shalt  }
0x67: {  	_ =	shalt  }
0x68: {  	_ =	shalt  }
0x69: {  	_ =	shalt  }
0x6a: {  	_ =	shalt  }
0x6b: {  	_ =	shalt  }
0x6c: {  	_ =	shalt  }
0x6d: {  	_ =	shalt  }
0x6e: {  	_ =	shalt  }
0x6f: {  	_ =	shalt  }
0x70: {  	_ =	shalt  }
0x71: {  	_ =	shalt  }
0x72: {  	_ =	shalt  }
0x73: {  	_ =	shalt  }
0x74: {  	_ =	shalt  }
0x75: {  	_ =	shalt  }
0x76: {  	_ =	shalt  }
0x77: {  	_ =	shalt  }
0x78: {  	_ =	shalt  }
0x79: {  	_ =	shalt  }
0x7a: {  	_ =	shalt  }
0x7b: {  	_ =	shalt  }
0x7c: {  	_ =	shalt  }
0x7d: {  	_ =	shalt  }
0x7e: {  	_ =	shalt  }
0x7f: {  	_ =	shalt  }
0x80: {  	_ =	shalt  }
0x81: {  	_ =	shalt  }
0x82: {  	_ =	shalt  }
0x83: {  	_ =	shalt  }
0x84: {  	_ =	shalt  }
0x85: {  	_ =	shalt  }
0x86: {  	_ =	shalt  }
0x87: {  	_ =	shalt  }
.Lfunc_end0:
.L_simem_size_0:
called_computation_lowered:
.L_overlay_start_0:
0x88: {  	s2 =	sld [smem:$0x3FD9]  }
0x89: {  	s3 =	sld [smem:$0x3FFE];
	_ =	sdelay $0x1  }
0x8a: {  	s1 =	srdreg.scid  }
0x8b: {  	s0 =	sand.u32 $0x1, s1  }
0x8c: {  	s17 =	sshll.u32 s0, $0xA;
	s2 =	sadd.s32 s3, s2  }
0x8d: {  	s2 =	sadd.s32 s2, s17  }
0x8e: {  	[smem:$0x3FC3] =	sst s2  }
0x8f: {  	_ = 	snop  }
0x90: {  	s2 =	sld [smem:$0x3FC9]  }
0x91: {  	s18 =	sld [smem:$0x3FC7]  }
0x92: {  	s4 =	sld [smem:$0x3FC5]  }
0x93: {  	s5 =	sld [smem:$0x3FD0];
	(tm) =	ssettm $0x1  }
0x94: {  	s6 =	sld [smem:$0x3FFB];
	_ =	sdelay $0x3  }
0x95: {  	_ =	strace s6  }
0x96: {  	s6 =	sld [smem:$0x3FFC];
	_ =	sdelay $0x3  }
0x97: {  	_ =	strace s6  }
0x98: {  	s6 =	sld [smem:$0x3FFD];
	_ =	sdelay $0x3  }
0x99: {  	_ =	strace s6  }
0x9a: {  	_ =	strace $0x8FFFFFFF  }
0x9b: {  	s19 =	sld [smem:$0x3FDB];
	_ =	sdelay $0x1  }
0x9c: {  	s7 =	simm.s32 $_scs_section_size  }
0x9d: {  	s8 =	simm.s32 $_size__tile_overlayer_lowered;
	s9 =	simm.s32 $_tile_overlayer_lowered  }
0x9e: {  	s22 =	simm.s32 $0x1BFF;
	s21 =	sshll.u32 s9, $0x1;
	s6 =	sadd.s32 s7, s19  }
0x9f: {  	s10 =	simm.s32 $0x0;
	s20 =	sshll.u32 s8, $0x1;
	s8 =	sadd.s32 s21, s6  }
0xa0: {  	[timem:s10], [sflag:s22] =	dma.local [hbm:s8], s20  }
0xa1: {  	_ =	swait.ge [sflag:s22], s20  }
0xa2: {  	s7 =	ssub.s32 $0x0, s20;
	[sflag:s22] =	ssyncset.done $0x0  }
0xa3: {  	[sflag:s22] =	ssyncadd.s32 s7;
	_ =	sdelay $0x1  }
0xa4: {  	s23 =	simm.s32 $0x1B8B  }
0xa5: {  	_ =	swait.ge [sflag:s23], $0x1  }
0xa6: {  	[sflag:s23] =	ssyncset.done $0x0  }
0xa7: {  	s25 =	simm.s32 $0x1B8E;
	s24 =	sld [smem:$0x3FFE];
	[sflag:s23] =	ssyncadd.s32 $0xFFFFFFFF  }
0xa8: {  	s26 =	simm.s32 $execute0_lowered;
	[smem:$0x3FD2] =	sst s25  }
0xa9: {  	s8 =	sshll.u32 s26, $0x1;
	_ =	strace $0x80000046;
	[dreg:$0x1] =	wrdreg $0xFFFFFFFF  }
0xaa: {  	s28 =	simm.s32 $_size_execute0_lowered;
	s6 =	sadd.s32 s6, s8;
	[dreg:$0x0] =	wrdreg $0x0  }
0xab: {  	s8 =	sshll.u32 s28, $0x1;
	[dreg:$0x2] =	wrdreg s6  }
0xac: {  	[dreg:$0x3] =	wrdreg s8  }
0xad: {  	[dreg:$0x4] =	wrdreg $0xC0  }
0xae: {  	_ =	task [dreg:s10], $0x5FFFF  }
0xaf: {  	[dreg:$0x1] =	wrdreg $0xFFFFFFFF  }
0xb0: {  	[dreg:$0x0] =	wrdreg $0x60  }
0xb1: {  	[dreg:$0x2] =	wrdreg s2  }
0xb2: {  	[dreg:$0x3] =	wrdreg s5  }
0xb3: {  	[dreg:$0x4] =	wrdreg s18  }
0xb4: {  	[dreg:$0x5] =	wrdreg s24  }
0xb5: {  	[dreg:$0x6] =	wrdreg s4  }
0xb6: {  	[dreg:$0x7] =	wrdreg $0x9  }
0xb7: {  	_ =	task.clear_ibuf [dreg:s10], $0x8FFFF;
	_ =	strace $0x90000046  }
0xb8: {  	s29 =	simm.s32 $0x9;
	_ =	strace $0x80000048  }
0xb9: {  	_ =	swait.ge [sflag:s29], $0x1  }
0xba: {  	[sflag:s29] =	ssyncadd.s32 $0xFFFFFFFF  }
0xbb: {  	_ =	strace $0x90000048  }
0xbc: {  	_ =	sfence  }
0xbd: {  	s30 =	sld [smem:$0x0];
	_ =	sdelay $0x2  }
0xbe: {  	s31 =	sshll.u32 s1, $0xD;
	s1 =	sshrl.u32 s1, $0x2  }
0xbf: {  	s3 =	sand.u32 $0x4000, s31;
	s1 =	sadd.s32 s1, s30  }
0xc0: {  	s0 =	sor.u32 s3, s0;
	s1 =	sshll.u32 s1, $0x11  }
0xc1: {  	s0 =	sor.u32 s1, s0  }
0xc2: {  	s0 =	sadd.s32 $0x8F2B, s0  }
0xc3: {  	[sflag:s0] =	ssyncadd.remote.s32 $0x1  }
0xc4: {  	_ =	sfence.sel $0xFFFF  }
0xc5: {  	[dreg:$0x0] =	wrdreg $0xFFFFFFFF;
	(pc) =	sbr.abs _section_cstart, $3  }
0xc6: {  	[dreg:$0x1] =	wrdreg $0xFFFFFFFF  }
0xc7: {  	_ =	task.clear_ibuf [dreg:s10], $0x2FFFF;
	_ =	strace $0x9FFFFFFF  }
0xc8: {  	(tm) =	ssettm $0x7FFFFFFF  }
0xc9: {  	_ =	shalt  }
tec
execute0_lowered:
.L_overlay_start_1:
0x0: {  	(tag) =	ssettag $0x1  }
0x1: {  	s0 =	rddreg [dreg:$0x0]  }
0x2: {  	s2 =	rddreg [dreg:$0x1]  }
0x3: {  	s1 =	rddreg [dreg:$0x2]  }
0x4: {  	s3 =	rddreg [dreg:$0x3];
	s4 =	simm.s32 $0x0;
	s5 =	srdreg.scid  }
0x5: {  	s6 =	stileid.u32;
	s11 =	simm.s32 $0x200;
	s12 =	simm.s32 $0x4000  }
0x6: {  	s15 =	simm.s32 $0x1;
	s16 =	simm.s32 $0xAA00;
	s17 =	simm.s32 $0x6A00  }
0x7: {  	s13 =	simm.s32 $0xA000;
	s14 =	simm.s32 $0x6200;
	s18 =	simm.s32 $0xA200  }
0x8: {  	s19 =	simm.s32 $0x6400;
	s20 =	simm.s32 $0xA400;
	s21 =	simm.s32 $0x6600  }
0x9: {  	s22 =	simm.s32 $0xA600;
	s23 =	simm.s32 $0x6800;
	s24 =	simm.s32 $0xA800  }
0xa: {  	s25 =	simm.s32 $0x3;
	s26 =	simm.s32 $0xCA00;
	s28 =	simm.s32 $0x10A00  }
0xb: {  	s29 =	simm.s32 $0x2;
	s30 =	simm.s32 $0x0;
	s5 =	sand.u32 $0x1, s5  }
0xc: {  	[smem:$0x7FF] =	sst s4;
	s6 =	sshll.u32 s6, $0x7;
	s7 =	sshll.u32 s5, $0x6  }
0xd: {  	_ =	strace $0x80000047;
	s8 =	ssub.s32 $0x2, s5;
	s7 =	sor.u32 s7, s6  }
0xe: {  	v2 =	vlaneseq.u32;
	s5 =	sadd.s32 $0x400, s3;
	s31 =	sshrl.u32 s8, $0x1;
	s3 =	sadd.s32 s7, s3  }
0xf: {  	v2 =	vmul.u32 $0x20, v2;
	s10 =	ssub.s32 s8, s31;
	s6 =	sadd.s32 s2, s7;
	s7 =	sadd.s32 s0, s7  }
0x10: {  	v0 =	vimm.bf16 $0.0e+00;
	v1 =	vimm.f32 $1.000000000e+00;
	s8 =	sadd.s32 $0x15400, s3;
	s9 =	sadd.s32 $0x5400, s3;
	s10 =	smax.u32 s10, $0x1  }
.LBB2_1:
0x11: {  	[tilespmem:s4], [sflag:$0x1] =	stream.strided.gather [hbm4b:s6+s11], $0x2800, s12, s11, $0x38;
	[tilespmem:$0x14E20] =	vst v63  }
0x12: {  	s0 =	simm.s32 $0x2800  }
0x13: {  	[tilespmem:s0], [sflag:$0x1] =	stream.linear.gather [hbm4b:s7+s4], $0x200, $0x38;
	[tilespmem:$0x14E20] =	vst v63  }
0x14: {  	s31 =	rddreg [dreg:$0x4];
	s2 =	simm.s32 $0x14E00  }
0x15: {  	[tilespmem:s2], [sflag:$0x1] =	stream.linear.gather [hbm4b:s31+s4], $0x20, $0x38;
	[tilespmem:$0x14E20] =	vst v63  }
0x16: {  	s0 =	simm.s32 $0x40;
	s2 =	simm.s32 $0x0  }
.LBB2_2:
0x17: {  	p0 =	sne.s32 s0, $0x7FC0;
	[tilespmem:s2+$0xAA00] =	vst v0;
	s2 =	smov.u32 s0;
	s0 =	sadd.s32 $0x40, s0  }
.Ltmp0:
0x18: {  	(pc) =	sbr.rel @p0 .LBB2_2-.Ltmp0, $2  }
0x19: {  	_ =	sdelay $0x2  }
0x1a: {  	s2 =	sshra.s32 s2, $0x2  }
0x1b: {  	[tilespmem:s2+$0xAA00] =	vst v0  }
0x1c: {  	_ =	swait.ge [sflag:s15], $0x2800  }
0x1d: {  	[sflag:s15] =	ssyncset.done $0x0  }
0x1e: {  	[sflag:s15] =	ssyncadd.s32 $0xFFFFD800  }
0x1f: {  	_ =	swait.ge [sflag:s15], $0x200  }
0x20: {  	[sflag:s15] =	ssyncset.done $0x0  }
0x21: {  	[sflag:s15] =	ssyncadd.s32 $0xFFFFFE00  }
0x22: {  	_ =	swait.ge [sflag:s15], $0x20  }
0x23: {  	[sflag:s15] =	ssyncset.done $0x0  }
0x24: {  	s0 =	simm.s32 $0x0;
	[sflag:s15] =	ssyncadd.s32 $0xFFFFFFE0  }
0x25: {  	[tilespmem:s16], [sflag:$0x3] =	stream.indirect.gather.add.bf16 [hbm:s5], $0x10, s0, s11, $0xb8;
	[tilespmem:$0x14E20] =	vst v63  }
0x26: {  	_ = 	snop  }
0x27: {  	[tilespmem:s16], [sflag:$0x3] =	stream.indirect.gather.add.bf16 [hbm:s5], $0x10, s11, s11, $0xb8;
	[tilespmem:$0x14E20] =	vst v63  }
0x28: {  	s2 =	simm.s32 $0x400  }
0x29: {  	[tilespmem:s16], [sflag:$0x3] =	stream.indirect.gather.add.bf16 [hbm:s5], $0x10, s2, s11, $0xb8;
	[tilespmem:$0x14E20] =	vst v63  }
0x2a: {  	s3 =	simm.s32 $0x600  }
0x2b: {  	[tilespmem:s16], [sflag:$0x3] =	stream.indirect.gather.add.bf16 [hbm:s5], $0x10, s3, s11, $0xb8;
	[tilespmem:$0x14E20] =	vst v63  }
0x2c: {  	s31 =	simm.s32 $0x800  }
0x2d: {  	[tilespmem:s16], [sflag:$0x3] =	stream.indirect.gather.add.bf16 [hbm:s5], $0x10, s31, s11, $0xb8;
	[tilespmem:$0x14E20] =	vst v63  }
0x2e: {  	s2 =	simm.s32 $0xA00  }
0x2f: {  	[tilespmem:s16], [sflag:$0x3] =	stream.indirect.gather.add.bf16 [hbm:s5], $0x10, s2, s11, $0xb8;
	[tilespmem:$0x14E20] =	vst v63  }
0x30: {  	s3 =	simm.s32 $0xC00  }
0x31: {  	[tilespmem:s16], [sflag:$0x3] =	stream.indirect.gather.add.bf16 [hbm:s5], $0x10, s3, s11, $0xb8;
	[tilespmem:$0x14E20] =	vst v63  }
0x32: {  	s31 =	simm.s32 $0xE00  }
0x33: {  	[tilespmem:s16], [sflag:$0x3] =	stream.indirect.gather.add.bf16 [hbm:s5], $0x10, s31, s11, $0xb8;
	[tilespmem:$0x14E20] =	vst v63  }
0x34: {  	s2 =	simm.s32 $0x1000  }
0x35: {  	[tilespmem:s16], [sflag:$0x3] =	stream.indirect.gather.add.bf16 [hbm:s5], $0x10, s2, s11, $0xb8;
	[tilespmem:$0x14E20] =	vst v63  }
0x36: {  	s3 =	simm.s32 $0x1200  }
0x37: {  	[tilespmem:s16], [sflag:$0x3] =	stream.indirect.gather.add.bf16 [hbm:s5], $0x10, s3, s11, $0xb8;
	[tilespmem:$0x14E20] =	vst v63  }
0x38: {  	s31 =	simm.s32 $0x1400  }
0x39: {  	[tilespmem:s16], [sflag:$0x3] =	stream.indirect.gather.add.bf16 [hbm:s5], $0x10, s31, s11, $0xb8;
	[tilespmem:$0x14E20] =	vst v63  }
0x3a: {  	s2 =	simm.s32 $0x1600  }
0x3b: {  	[tilespmem:s16], [sflag:$0x3] =	stream.indirect.gather.add.bf16 [hbm:s5], $0x10, s2, s11, $0xb8;
	[tilespmem:$0x14E20] =	vst v63  }
0x3c: {  	s3 =	simm.s32 $0x1800  }
0x3d: {  	[tilespmem:s16], [sflag:$0x3] =	stream.indirect.gather.add.bf16 [hbm:s5], $0x10, s3, s11, $0xb8;
	[tilespmem:$0x14E20] =	vst v63  }
0x3e: {  	s31 =	simm.s32 $0x1A00  }
0x3f: {  	[tilespmem:s16], [sflag:$0x3] =	stream.indirect.gather.add.bf16 [hbm:s5], $0x10, s31, s11, $0xb8;
	[tilespmem:$0x14E20] =	vst v63  }
0x40: {  	s2 =	simm.s32 $0x1C00  }
0x41: {  	[tilespmem:s16], [sflag:$0x3] =	stream.indirect.gather.add.bf16 [hbm:s5], $0x10, s2, s11, $0xb8;
	[tilespmem:$0x14E20] =	vst v63  }
0x42: {  	s3 =	simm.s32 $0x1E00  }
0x43: {  	[tilespmem:s16], [sflag:$0x3] =	stream.indirect.gather.add.bf16 [hbm:s5], $0x10, s3, s11, $0xb8;
	[tilespmem:$0x14E20] =	vst v63  }
0x44: {  	s31 =	simm.s32 $0x2000  }
0x45: {  	[tilespmem:s16], [sflag:$0x3] =	stream.indirect.gather.add.bf16 [hbm:s5], $0x10, s31, s11, $0xb8;
	[tilespmem:$0x14E20] =	vst v63  }
0x46: {  	s2 =	simm.s32 $0x2200  }
0x47: {  	[tilespmem:s16], [sflag:$0x3] =	stream.indirect.gather.add.bf16 [hbm:s5], $0x10, s2, s11, $0xb8;
	[tilespmem:$0x14E20] =	vst v63  }
0x48: {  	s3 =	simm.s32 $0x2400  }
0x49: {  	[tilespmem:s16], [sflag:$0x3] =	stream.indirect.gather.add.bf16 [hbm:s5], $0x10, s3, s11, $0xb8;
	[tilespmem:$0x14E20] =	vst v63  }
0x4a: {  	s0 =	simm.s32 $0x0;
	s31 =	simm.s32 $0x2600  }
0x4b: {  	[tilespmem:s16], [sflag:$0x3] =	stream.indirect.gather.add.bf16 [hbm:s5], $0x10, s31, s11, $0xb8;
	[tilespmem:$0x14E20] =	vst v63  }
0x4c: {  	v8 =	vld [tilespmem:s0+$0x2800];
	_ =	sdelay $0x4  }
0x4d: {  	[tilespmem:s0+$0x2A00] =	vst v8;
	v3 =	vadd.s32 $0x2F4D7F, v8  }
0x4e: {  	v4 =	vadd.s32 $0x2DC6DE, v8;
	[tilespmem:s0+$0x6800] =	vst v3  }
0x4f: {  	v5 =	vadd.s32 $0x927C6, v8;
	[tilespmem:s0+$0x6600] =	vst v4  }
0x50: {  	v6 =	vadd.s32 $0xAAE67, v8;
	[tilespmem:s0+$0x3600] =	vst v5  }
0x51: {  	v9 =	vadd.s32 $0xC3508, v8;
	[tilespmem:s0+$0x3800] =	vst v6  }
0x52: {  	v3 =	vadd.s32 $0x2C403D, v8;
	[tilespmem:s0+$0x3A00] =	vst v9  }
0x53: {  	v4 =	vadd.s32 $0x2AB99C, v8;
	[tilespmem:s0+$0x6400] =	vst v3  }
0x54: {  	v3 =	vadd.s32 $0x27AC5A, v8;
	[tilespmem:s0+$0x6200] =	vst v4  }
0x55: {  	v4 =	vadd.s32 $0x2625B9, v8;
	[tilespmem:s0+$0x5E00] =	vst v3  }
0x56: {  	v3 =	vadd.s32 $0x249F18, v8;
	[tilespmem:s0+$0x5C00] =	vst v4  }
0x57: {  	v4 =	vadd.s32 $0x231877, v8;
	[tilespmem:s0+$0x5A00] =	vst v3  }
0x58: {  	v3 =	vadd.s32 $0x2191D6, v8;
	[tilespmem:s0+$0x5800] =	vst v4  }
0x59: {  	v4 =	vadd.s32 $0x200B35, v8;
	[tilespmem:s0+$0x5600] =	vst v3  }
0x5a: {  	v3 =	vadd.s32 $0x1E8494, v8;
	[tilespmem:s0+$0x5400] =	vst v4  }
0x5b: {  	v4 =	vadd.s32 $0x1CFDF3, v8;
	[tilespmem:s0+$0x5200] =	vst v3  }
0x5c: {  	v3 =	vadd.s32 $0x1B7752, v8;
	[tilespmem:s0+$0x5000] =	vst v4  }
0x5d: {  	v4 =	vadd.s32 $0x19F0B1, v8;
	[tilespmem:s0+$0x4E00] =	vst v3  }
0x5e: {  	v3 =	vadd.s32 $0x186A10, v8;
	[tilespmem:s0+$0x4C00] =	vst v4  }
0x5f: {  	v4 =	vadd.s32 $0x16E36F, v8;
	[tilespmem:s0+$0x4A00] =	vst v3  }
0x60: {  	v3 =	vadd.s32 $0x155CCE, v8;
	[tilespmem:s0+$0x4800] =	vst v4  }
0x61: {  	v4 =	vadd.s32 $0x186A1, v8;
	[tilespmem:s0+$0x4600] =	vst v3  }
0x62: {  	v3 =	vadd.s32 $0x30D42, v8;
	[tilespmem:s0+$0x2C00] =	vst v4  }
0x63: {  	v4 =	vadd.s32 $0x493E3, v8;
	[tilespmem:s0+$0x2E00] =	vst v3  }
0x64: {  	v7 =	vadd.s32 $0x124F8C, v8;
	v3 =	vadd.s32 $0x61A84, v8;
	[tilespmem:s0+$0x3000] =	vst v4  }
0x65: {  	v5 =	vadd.s32 $0x10C8EB, v8;
	v6 =	vadd.s32 $0xF424A, v8;
	v4 =	vadd.s32 $0x7A125, v8;
	[tilespmem:s0+$0x3200] =	vst v3  }
0x66: {  	s2 =	simm.s32 $0x40;
	[tilespmem:s0+$0x3400] =	vst v4;
	v3 =	vadd.s32 $0x2932FB, v8;
	v4 =	vadd.s32 $0xDBBA9, v8;
	v8 =	vadd.s32 $0x13D62D, v8  }
.LBB2_4:
0x67: {  	s3 =	sshra.s32 s2, $0x2;
	p0 =	sne.s32 s2, $0x7C0;
	s2 =	sadd.s32 $0x40, s2;
	[tilespmem:s0+$0x3C00] =	vst v4  }
0x68: {  	v9 =	vld [tilespmem:s3+$0x2800];
	[tilespmem:s0+$0x3E00] =	vst v6  }
0x69: {  	[tilespmem:s0+$0x4000] =	vst v5  }
0x6a: {  	[tilespmem:s0+$0x4200] =	vst v7  }
0x6b: {  	[tilespmem:s0+$0x4400] =	vst v8  }
0x6c: {  	[tilespmem:s0+$0x6000] =	vst v3;
	s0 =	smov.u32 s3  }
0x6d: {  	[tilespmem:s0+$0x2A00] =	vst v9;
	v10 =	vadd.s32 $0x186A1, v9;
	v3 =	vadd.s32 $0x2932FB, v9;
	v4 =	vadd.s32 $0x2F4D7F, v9  }
0x6e: {  	v11 =	vadd.s32 $0x30D42, v9;
	v12 =	vadd.s32 $0x155CCE, v9;
	v5 =	vadd.s32 $0x2DC6DE, v9;
	[tilespmem:s0+$0x6800] =	vst v4  }
0x6f: {  	v13 =	vadd.s32 $0x493E3, v9;
	v14 =	vadd.s32 $0x16E36F, v9;
	v4 =	vadd.s32 $0x2C403D, v9;
	[tilespmem:s0+$0x6600] =	vst v5  }
0x70: {  	v15 =	vadd.s32 $0x61A84, v9;
	v16 =	vadd.s32 $0x186A10, v9;
	v5 =	vadd.s32 $0x2AB99C, v9;
	[tilespmem:s0+$0x6400] =	vst v4  }
0x71: {  	v17 =	vadd.s32 $0x7A125, v9;
	v18 =	vadd.s32 $0x19F0B1, v9;
	v4 =	vadd.s32 $0x27AC5A, v9;
	[tilespmem:s0+$0x6200] =	vst v5  }
0x72: {  	v19 =	vadd.s32 $0x927C6, v9;
	v20 =	vadd.s32 $0x1B7752, v9;
	v5 =	vadd.s32 $0x2625B9, v9;
	[tilespmem:s0+$0x5E00] =	vst v4  }
0x73: {  	v21 =	vadd.s32 $0xAAE67, v9;
	v22 =	vadd.s32 $0x1CFDF3, v9;
	v4 =	vadd.s32 $0x249F18, v9;
	[tilespmem:s0+$0x5C00] =	vst v5  }
0x74: {  	v23 =	vadd.s32 $0xC3508, v9;
	v8 =	vadd.s32 $0x1E8494, v9;
	v5 =	vadd.s32 $0x231877, v9;
	[tilespmem:s0+$0x5A00] =	vst v4  }
0x75: {  	v7 =	vadd.s32 $0x200B35, v9;
	v24 =	vadd.s32 $0x2191D6, v9;
	v4 =	vadd.s32 $0xDBBA9, v9;
	[tilespmem:s0+$0x5800] =	vst v5  }
0x76: {  	v6 =	vadd.s32 $0xF424A, v9;
	[tilespmem:s0+$0x5600] =	vst v24  }
0x77: {  	v5 =	vadd.s32 $0x10C8EB, v9;
	[tilespmem:s0+$0x5400] =	vst v7  }
0x78: {  	v7 =	vadd.s32 $0x124F8C, v9;
	[tilespmem:s0+$0x5200] =	vst v8  }
0x79: {  	v8 =	vadd.s32 $0x13D62D, v9;
	[tilespmem:s0+$0x5000] =	vst v22  }
0x7a: {  	[tilespmem:s0+$0x4E00] =	vst v20  }
0x7b: {  	[tilespmem:s0+$0x4C00] =	vst v18  }
0x7c: {  	[tilespmem:s0+$0x4A00] =	vst v16  }
0x7d: {  	[tilespmem:s0+$0x4800] =	vst v14  }
0x7e: {  	[tilespmem:s0+$0x4600] =	vst v12  }
0x7f: {  	[tilespmem:s0+$0x2C00] =	vst v10  }
0x80: {  	[tilespmem:s0+$0x2E00] =	vst v11  }
0x81: {  	[tilespmem:s0+$0x3000] =	vst v13  }
.Ltmp1:
0x82: {  	[tilespmem:s0+$0x3200] =	vst v15;
	(pc) =	sbr.rel @p0 .LBB2_4-.Ltmp1, $4  }
0x83: {  	[tilespmem:s0+$0x3400] =	vst v17  }
0x84: {  	[tilespmem:s0+$0x3600] =	vst v19  }
0x85: {  	[tilespmem:s0+$0x3800] =	vst v21  }
0x86: {  	[tilespmem:s0+$0x3A00] =	vst v23  }
0x87: {  	[tilespmem:s0+$0x3C00] =	vst v4  }
0x88: {  	[tilespmem:s0+$0x3E00] =	vst v6  }
0x89: {  	[tilespmem:s0+$0x4000] =	vst v5  }
0x8a: {  	[tilespmem:s0+$0x4200] =	vst v7  }
0x8b: {  	[tilespmem:s0+$0x4400] =	vst v8  }
0x8c: {  	[tilespmem:s0+$0x6000] =	vst v3;
	s2 =	simm.s32 $0x2A00  }
0x8d: {  	[tilespmem:s17], [sflag:$0x2] =	stream.indirect.gather [hbm4b:s1+s11], $0x1, s2, s11, $0xb8;
	[tilespmem:$0x14E20] =	vst v63  }
0x8e: {  	s3 =	simm.s32 $0x2C00;
	s2 =	simm.s32 $0x6C00  }
0x8f: {  	[tilespmem:s2], [sflag:$0x2] =	stream.indirect.gather [hbm4b:s1+s11], $0x1, s3, s11, $0xb8;
	[tilespmem:$0x14E20] =	vst v63  }
0x90: {  	s2 =	simm.s32 $0x2E00;
	s3 =	simm.s32 $0x6E00  }
0x91: {  	[tilespmem:s3], [sflag:$0x2] =	stream.indirect.gather [hbm4b:s1+s11], $0x1, s2, s11, $0xb8;
	[tilespmem:$0x14E20] =	vst v63  }
0x92: {  	s2 =	simm.s32 $0x3000;
	s3 =	simm.s32 $0x7000  }
0x93: {  	[tilespmem:s3], [sflag:$0x2] =	stream.indirect.gather [hbm4b:s1+s11], $0x1, s2, s11, $0xb8;
	[tilespmem:$0x14E20] =	vst v63  }
0x94: {  	s2 =	simm.s32 $0x3200;
	s3 =	simm.s32 $0x7200  }
0x95: {  	[tilespmem:s3], [sflag:$0x2] =	stream.indirect.gather [hbm4b:s1+s11], $0x1, s2, s11, $0xb8;
	[tilespmem:$0x14E20] =	vst v63  }
0x96: {  	s2 =	simm.s32 $0x3400;
	s3 =	simm.s32 $0x7400  }
0x97: {  	[tilespmem:s3], [sflag:$0x2] =	stream.indirect.gather [hbm4b:s1+s11], $0x1, s2, s11, $0xb8;
	[tilespmem:$0x14E20] =	vst v63  }
0x98: {  	s2 =	simm.s32 $0x3600;
	s3 =	simm.s32 $0x7600  }
0x99: {  	[tilespmem:s3], [sflag:$0x2] =	stream.indirect.gather [hbm4b:s1+s11], $0x1, s2, s11, $0xb8;
	[tilespmem:$0x14E20] =	vst v63  }
0x9a: {  	s2 =	simm.s32 $0x3800;
	s3 =	simm.s32 $0x7800  }
0x9b: {  	[tilespmem:s3], [sflag:$0x2] =	stream.indirect.gather [hbm4b:s1+s11], $0x1, s2, s11, $0xb8;
	[tilespmem:$0x14E20] =	vst v63  }
0x9c: {  	s2 =	simm.s32 $0x3A00;
	s3 =	simm.s32 $0x7A00  }
0x9d: {  	[tilespmem:s3], [sflag:$0x2] =	stream.indirect.gather [hbm4b:s1+s11], $0x1, s2, s11, $0xb8;
	[tilespmem:$0x14E20] =	vst v63  }
0x9e: {  	s2 =	simm.s32 $0x3C00;
	s3 =	simm.s32 $0x7C00  }
0x9f: {  	[tilespmem:s3], [sflag:$0x2] =	stream.indirect.gather [hbm4b:s1+s11], $0x1, s2, s11, $0xb8;
	[tilespmem:$0x14E20] =	vst v63  }
0xa0: {  	s2 =	simm.s32 $0x3E00;
	s3 =	simm.s32 $0x7E00  }
0xa1: {  	[tilespmem:s3], [sflag:$0x2] =	stream.indirect.gather [hbm4b:s1+s11], $0x1, s2, s11, $0xb8;
	[tilespmem:$0x14E20] =	vst v63  }
0xa2: {  	s3 =	simm.s32 $0x8000  }
0xa3: {  	[tilespmem:s3], [sflag:$0x2] =	stream.indirect.gather [hbm4b:s1+s11], $0x1, s12, s11, $0xb8;
	[tilespmem:$0x14E20] =	vst v63  }
0xa4: {  	s2 =	simm.s32 $0x4200;
	s3 =	simm.s32 $0x8200  }
0xa5: {  	[tilespmem:s3], [sflag:$0x2] =	stream.indirect.gather [hbm4b:s1+s11], $0x1, s2, s11, $0xb8;
	[tilespmem:$0x14E20] =	vst v63  }
0xa6: {  	s2 =	simm.s32 $0x4400;
	s3 =	simm.s32 $0x8400  }
0xa7: {  	[tilespmem:s3], [sflag:$0x2] =	stream.indirect.gather [hbm4b:s1+s11], $0x1, s2, s11, $0xb8;
	[tilespmem:$0x14E20] =	vst v63  }
0xa8: {  	s2 =	simm.s32 $0x4600;
	s3 =	simm.s32 $0x8600  }
0xa9: {  	[tilespmem:s3], [sflag:$0x2] =	stream.indirect.gather [hbm4b:s1+s11], $0x1, s2, s11, $0xb8;
	[tilespmem:$0x14E20] =	vst v63  }
0xaa: {  	s2 =	simm.s32 $0x4800;
	s3 =	simm.s32 $0x8800  }
0xab: {  	[tilespmem:s3], [sflag:$0x2] =	stream.indirect.gather [hbm4b:s1+s11], $0x1, s2, s11, $0xb8;
	[tilespmem:$0x14E20] =	vst v63  }
0xac: {  	s2 =	simm.s32 $0x4A00;
	s3 =	simm.s32 $0x8A00  }
0xad: {  	[tilespmem:s3], [sflag:$0x2] =	stream.indirect.gather [hbm4b:s1+s11], $0x1, s2, s11, $0xb8;
	[tilespmem:$0x14E20] =	vst v63  }
0xae: {  	s2 =	simm.s32 $0x4C00;
	s3 =	simm.s32 $0x8C00  }
0xaf: {  	[tilespmem:s3], [sflag:$0x2] =	stream.indirect.gather [hbm4b:s1+s11], $0x1, s2, s11, $0xb8;
	[tilespmem:$0x14E20] =	vst v63  }
0xb0: {  	s2 =	simm.s32 $0x4E00;
	s3 =	simm.s32 $0x8E00  }
0xb1: {  	[tilespmem:s3], [sflag:$0x2] =	stream.indirect.gather [hbm4b:s1+s11], $0x1, s2, s11, $0xb8;
	[tilespmem:$0x14E20] =	vst v63  }
0xb2: {  	s2 =	simm.s32 $0x5000;
	s3 =	simm.s32 $0x9000  }
0xb3: {  	[tilespmem:s3], [sflag:$0x2] =	stream.indirect.gather [hbm4b:s1+s11], $0x1, s2, s11, $0xb8;
	[tilespmem:$0x14E20] =	vst v63  }
0xb4: {  	s2 =	simm.s32 $0x5200;
	s3 =	simm.s32 $0x9200  }
0xb5: {  	[tilespmem:s3], [sflag:$0x2] =	stream.indirect.gather [hbm4b:s1+s11], $0x1, s2, s11, $0xb8;
	[tilespmem:$0x14E20] =	vst v63  }
0xb6: {  	s2 =	simm.s32 $0x5400;
	s3 =	simm.s32 $0x9400  }
0xb7: {  	[tilespmem:s3], [sflag:$0x2] =	stream.indirect.gather [hbm4b:s1+s11], $0x1, s2, s11, $0xb8;
	[tilespmem:$0x14E20] =	vst v63  }
0xb8: {  	s2 =	simm.s32 $0x5600;
	s3 =	simm.s32 $0x9600  }
0xb9: {  	[tilespmem:s3], [sflag:$0x2] =	stream.indirect.gather [hbm4b:s1+s11], $0x1, s2, s11, $0xb8;
	[tilespmem:$0x14E20] =	vst v63  }
0xba: {  	s2 =	simm.s32 $0x5800;
	s3 =	simm.s32 $0x9800  }
0xbb: {  	[tilespmem:s3], [sflag:$0x2] =	stream.indirect.gather [hbm4b:s1+s11], $0x1, s2, s11, $0xb8;
	[tilespmem:$0x14E20] =	vst v63  }
0xbc: {  	s2 =	simm.s32 $0x5A00;
	s3 =	simm.s32 $0x9A00  }
0xbd: {  	[tilespmem:s3], [sflag:$0x2] =	stream.indirect.gather [hbm4b:s1+s11], $0x1, s2, s11, $0xb8;
	[tilespmem:$0x14E20] =	vst v63  }
0xbe: {  	s2 =	simm.s32 $0x5C00;
	s3 =	simm.s32 $0x9C00  }
0xbf: {  	[tilespmem:s3], [sflag:$0x2] =	stream.indirect.gather [hbm4b:s1+s11], $0x1, s2, s11, $0xb8;
	[tilespmem:$0x14E20] =	vst v63  }
0xc0: {  	s2 =	simm.s32 $0x5E00;
	s3 =	simm.s32 $0x9E00  }
0xc1: {  	[tilespmem:s3], [sflag:$0x2] =	stream.indirect.gather [hbm4b:s1+s11], $0x1, s2, s11, $0xb8;
	[tilespmem:$0x14E20] =	vst v63  }
0xc2: {  	s3 =	simm.s32 $0x6000  }
0xc3: {  	[tilespmem:s13], [sflag:$0x2] =	stream.indirect.gather [hbm4b:s1+s11], $0x1, s3, s11, $0xb8;
	[tilespmem:$0x14E20] =	vst v63  }
0xc4: {  	_ = 	snop  }
0xc5: {  	[tilespmem:s18], [sflag:$0x2] =	stream.indirect.gather [hbm4b:s1+s11], $0x1, s14, s11, $0xb8;
	[tilespmem:$0x14E20] =	vst v63  }
0xc6: {  	_ = 	snop  }
0xc7: {  	[tilespmem:s20], [sflag:$0x2] =	stream.indirect.gather [hbm4b:s1+s11], $0x1, s19, s11, $0xb8;
	[tilespmem:$0x14E20] =	vst v63  }
0xc8: {  	_ = 	snop  }
0xc9: {  	[tilespmem:s22], [sflag:$0x2] =	stream.indirect.gather [hbm4b:s1+s11], $0x1, s21, s11, $0xb8;
	[tilespmem:$0x14E20] =	vst v63  }
0xca: {  	s2 =	simm.s32 $0x0  }
0xcb: {  	[tilespmem:s24], [sflag:$0x2] =	stream.indirect.gather [hbm4b:s1+s11], $0x1, s23, s11, $0xb8;
	[tilespmem:$0x14E20] =	vst v63  }
0xcc: {  	v3 =	vld [tilespmem:s2+$0x0]  }
0xcd: {  	v4 =	vld [tilespmem:s2+$0x200];
	_ =	sdelay $0x1  }
0xce: {  	v5 =	vld [tilespmem:s2+$0x400];
	_ =	sdelay $0x1  }
0xcf: {  	v6 =	vld [tilespmem:s2+$0x600]  }
0xd0: {  	vm0 =	veq.s32 v3, $0x0;
	vm1 =	veq.s32 v4, $0x0  }
0xd1: {  	v7 =	vld [tilespmem:s2+$0x800];
	v3 =	vsel vm0, $0x0, v1;
	v4 =	vsel vm1, $0x0, v1  }
0xd2: {  	vm0 =	veq.s32 v5, $0x0;
	v3 =	vadd.f32 v4, v3  }
0xd3: {  	v5 =	vld [tilespmem:s2+$0xA00];
	v4 =	vsel vm0, $0x0, v1  }
0xd4: {  	vm0 =	veq.s32 v6, $0x0;
	v3 =	vadd.f32 v4, v3  }
0xd5: {  	v6 =	vld [tilespmem:s2+$0xC00];
	v4 =	vsel vm0, $0x0, v1  }
0xd6: {  	vm0 =	veq.s32 v7, $0x0;
	v3 =	vadd.f32 v4, v3  }
0xd7: {  	v7 =	vld [tilespmem:s2+$0xE00];
	v4 =	vsel vm0, $0x0, v1  }
0xd8: {  	vm0 =	veq.s32 v5, $0x0;
	v3 =	vadd.f32 v4, v3  }
0xd9: {  	v5 =	vld [tilespmem:s2+$0x1000];
	v4 =	vsel vm0, $0x0, v1  }
0xda: {  	v8 =	vld [tilespmem:s2+$0x2000];
	vm0 =	veq.s32 v6, $0x0;
	v3 =	vadd.f32 v4, v3  }
0xdb: {  	v6 =	vld [tilespmem:s2+$0x1200];
	v4 =	vsel vm0, $0x0, v1  }
0xdc: {  	s0 =	simm.s32 $0x10;
	v9 =	vld [tilespmem:s2+$0x1400];
	vm0 =	veq.s32 v7, $0x0;
	v3 =	vadd.f32 v4, v3  }
0xdd: {  	v11 =	vld [tilespmem:s0+$0x200];
	v7 =	vsel vm0, $0x0, v1  }
0xde: {  	vm0 =	veq.s32 v5, $0x0;
	v5 =	vld [tilespmem:s2+$0x1600];
	v3 =	vadd.f32 v7, v3  }
0xdf: {  	v4 =	vld [tilespmem:s2+$0x1800];
	v10 =	vsel vm0, $0x0, v1  }
0xe0: {  	vm0 =	veq.s32 v6, $0x0;
	v7 =	vld [tilespmem:s0+$0x0];
	v3 =	vadd.f32 v10, v3  }
0xe1: {  	v12 =	vld [tilespmem:s0+$0x400];
	v10 =	vsel vm0, $0x0, v1  }
0xe2: {  	v13 =	vld [tilespmem:s0+$0x800];
	vm0 =	veq.s32 v9, $0x0;
	v3 =	vadd.f32 v10, v3  }
0xe3: {  	v9 =	vsel vm0, $0x0, v1;
	v10 =	vld [tilespmem:s2+$0x1A00]  }
0xe4: {  	vm1 =	veq.s32 v5, $0x0;
	vm0 =	veq.s32 v4, $0x0;
	v4 =	vld [tilespmem:s0+$0x600];
	v3 =	vadd.f32 v9, v3  }
0xe5: {  	vm3 =	veq.s32 v11, $0x0;
	v5 =	vsel vm1, $0x0, v1;
	vm2 =	veq.s32 v7, $0x0;
	v7 =	vld [tilespmem:s2+$0x1C00]  }
0xe6: {  	v14 =	vld [tilespmem:s2+$0x2600];
	v11 =	vsel vm3, $0x0, v1;
	v9 =	vsel vm2, $0x0, v1;
	v3 =	vadd.f32 v5, v3  }
0xe7: {  	v6 =	vld [tilespmem:s2+$0x1E00];
	vm1 =	veq.s32 v12, $0x0;
	v5 =	vadd.f32 v11, v9;
	v9 =	vsel vm0, $0x0, v1  }
0xe8: {  	v12 =	vld [tilespmem:s0+$0xA00];
	v11 =	vsel vm1, $0x0, v1;
	vm0 =	veq.s32 v10, $0x0;
	v3 =	vadd.f32 v9, v3  }
0xe9: {  	vm1 =	veq.s32 v4, $0x0;
	v5 =	vadd.f32 v11, v5;
	v4 =	vsel vm0, $0x0, v1;
	v9 =	vld [tilespmem:s2+$0x2400]  }
0xea: {  	v10 =	vsel vm1, $0x0, v1;
	v11 =	vld [tilespmem:s0+$0xC00];
	vm0 =	veq.s32 v7, $0x0;
	v3 =	vadd.f32 v4, v3  }
0xeb: {  	vm1 =	veq.s32 v13, $0x0;
	v7 =	vld [tilespmem:s2+$0x2200];
	v4 =	vadd.f32 v10, v5;
	v5 =	vsel vm0, $0x0, v1  }
0xec: {  	vm0 =	veq.s32 v6, $0x0;
	v6 =	vsel vm1, $0x0, v1;
	v10 =	vld [tilespmem:s0+$0xE00];
	v5 =	vadd.f32 v5, v3  }
0xed: {  	vm1 =	veq.s32 v12, $0x0;
	v12 =	vld [tilespmem:s0+$0x1000];
	v4 =	vadd.f32 v6, v4;
	v6 =	vsel vm0, $0x0, v1  }
0xee: {  	v3 =	vld [tilespmem:s0+$0x2000];
	vm0 =	veq.s32 v8, $0x0;
	v8 =	vsel vm1, $0x0, v1;
	v5 =	vadd.f32 v6, v5  }
0xef: {  	vm1 =	veq.s32 v11, $0x0;
	v11 =	vsel vm0, $0x0, v1;
	v8 =	vadd.f32 v8, v4;
	v4 =	vld [tilespmem:s0+$0x1E00]  }
0xf0: {  	vm0 =	veq.s32 v7, $0x0;
	v13 =	vsel vm1, $0x0, v1;
	v6 =	vld [tilespmem:s0+$0x1200];
	v11 =	vadd.f32 v11, v5  }
0xf1: {  	vm1 =	veq.s32 v10, $0x0;
	v10 =	vsel vm0, $0x0, v1;
	v7 =	vadd.f32 v13, v8;
	v5 =	vld [tilespmem:s0+$0x1800]  }
0xf2: {  	vm0 =	veq.s32 v9, $0x0;
	v13 =	vsel vm1, $0x0, v1;
	v8 =	vld [tilespmem:s0+$0x1400];
	v15 =	vadd.f32 v10, v11  }
0xf3: {  	s3 =	simm.s32 $0x20;
	vm1 =	veq.s32 v12, $0x0;
	v12 =	vsel vm0, $0x0, v1;
	v9 =	vadd.f32 v13, v7;
	v7 =	vld [tilespmem:s0+$0x1600]  }
0xf4: {  	s31 =	simm.s32 $0xC0;
	vm0 =	veq.s32 v14, $0x0;
	v11 =	vld [tilespmem:s3+$0x0];
	v10 =	vsel vm1, $0x0, v1;
	v12 =	vadd.f32 v12, v15  }
.LBB2_6:
0xf5: {  	p0 =	sne.s32 s31, $0x7C0;
	v13 =	vld [tilespmem:s3+$0x200];
	v9 =	vadd.f32 v10, v9;
	vm1 =	veq.s32 v6, $0x0;
	v6 =	vsel vm0, $0x0, v1  }
0xf6: {  	vm0 =	veq.s32 v3, $0x0;
	v10 =	vsel vm1, $0x0, v1;
	v3 =	vadd.f32 v6, v12  }
0xf7: {  	vm1 =	veq.s32 v4, $0x0;
	v6 =	vld [tilespmem:s3+$0x400];
	v9 =	vadd.f32 v10, v9;
	vm2 =	veq.s32 v8, $0x0  }
0xf8: {  	v4 =	vsel vm2, $0x0, v1;
	vm2 =	veq.s32 v5, $0x0;
	v5 =	vld [tilespmem:s0+$0x1A00];
	v8 =	vmax.f32 v3, $1.000000000e+00  }
0xf9: {  	vm3 =	veq.s32 v7, $0x0;
	v10 =	vld [tilespmem:s3+$0x600];
	v4 =	vadd.f32 v4, v9;
	(erf) = vrcp.f32 v8  }
0xfa: {  	vm4 =	veq.s32 v11, $0x0;
	v7 =	vsel vm3, $0x0, v1;
	vm5 =	veq.s32 v13, $0x0;
	v8 =	vld [tilespmem:s0+$0x1C00]  }
0xfb: {  	v9 =	vsel vm4, $0x0, v1;
	v11 =	vsel vm5, $0x0, v1;
	v12 =	vld [tilespmem:s3+$0x800];
	v4 =	vadd.f32 v7, v4  }
0xfc: {  	v7 =	vadd.f32 v11, v9;
	vm3 =	veq.s32 v6, $0x0;
	v6 =	vsel vm2, $0x0, v1;
	v13 =	vld [tilespmem:s0+$0x2600]  }
0xfd: {  	v9 =	vsel vm3, $0x0, v1;
	v11 =	vld [tilespmem:s3+$0xA00];
	v4 =	vadd.f32 v6, v4;
	vm2 =	veq.s32 v5, $0x0  }
0xfe: {  	v5 =	vadd.f32 v9, v7;
	vm3 =	veq.s32 v10, $0x0;
	v6 =	vsel vm2, $0x0, v1;
	v7 =	vld [tilespmem:s0+$0x2400]  }
0xff: {  	v9 =	vsel vm3, $0x0, v1;
	v10 =	vld [tilespmem:s3+$0xC00];
	v4 =	vadd.f32 v6, v4;
	vm2 =	veq.s32 v8, $0x0  }
0x100: {  	v5 =	vadd.f32 v9, v5;
	vm3 =	veq.s32 v12, $0x0;
	v6 =	vsel vm2, $0x0, v1;
	v8 =	vld [tilespmem:s0+$0x2200]  }
0x101: {  	v9 =	vsel vm3, $0x0, v1;
	v12 =	vld [tilespmem:s3+$0xE00];
	v4 =	vadd.f32 v6, v4;
	v6 =	vsub.f32 $2.000000000e+01, v3  }
0x102: {  	v5 =	vadd.f32 v9, v5;
	vm2 =	veq.s32 v11, $0x0;
	v3 =	vld [tilespmem:s3+$0x2000];
	v9 =	vsel vm1, $0x0, v1;
	v11 =	vpop (erf)  }
0x103: {  	v14 =	vsel vm2, $0x0, v1;
	v15 =	vld [tilespmem:s3+$0x1000];
	v9 =	vadd.f32 v9, v4;
	[tilespmem:s2+$0x14A00] =	vst v11;
	v11 =	vmul.f32 v11, v6  }
0x104: {  	v5 =	vadd.f32 v14, v5;
	vm1 =	veq.s32 v10, $0x0;
	v4 =	vld [tilespmem:s3+$0x1E00];
	v10 =	vsel vm0, $0x0, v1  }
.Ltmp2:
0x105: {  	v14 =	vsel vm1, $0x0, v1;
	v6 =	vld [tilespmem:s3+$0x1200];
	v9 =	vadd.f32 v10, v9;
	vm0 =	veq.s32 v8, $0x0;
	[tilespmem:s2+$0x14C00] =	vst v11;
	s2 =	smov.u32 s0;
	s0 =	smov.u32 s3;
	(pc) =	sbr.rel @p0 .LBB2_6-.Ltmp2, $4  }
0x106: {  	v10 =	vadd.f32 v14, v5;
	vm1 =	veq.s32 v12, $0x0;
	v5 =	vld [tilespmem:s0+$0x1800];
	v11 =	vsel vm0, $0x0, v1  }
0x107: {  	vm0 =	veq.s32 v7, $0x0;
	v12 =	vsel vm1, $0x0, v1;
	v8 =	vld [tilespmem:s0+$0x1400];
	v14 =	vadd.f32 v11, v9  }
0x108: {  	s3 =	sshra.s32 s31, $0x2;
	v9 =	vadd.f32 v12, v10;
	vm1 =	veq.s32 v15, $0x0;
	v7 =	vld [tilespmem:s0+$0x1600];
	v12 =	vsel vm0, $0x0, v1  }
0x109: {  	s31 =	sadd.s32 $0x40, s31;
	vm0 =	veq.s32 v13, $0x0;
	v11 =	vld [tilespmem:s3+$0x0];
	v10 =	vsel vm1, $0x0, v1;
	v12 =	vadd.f32 v12, v14  }
0x10a: {  	v13 =	vld [tilespmem:s3+$0x200]  }
0x10b: {  	v14 =	vsel vm0, $0x0, v1  }
0x10c: {  	v52 =	vld [tilespmem:s3+$0x400];
	v12 =	vadd.f32 v14, v12;
	_ =	sdelay $0x1  }
0x10d: {  	v17 =	vld [tilespmem:s3+$0x600];
	v16 =	vmax.f32 v12, $1.000000000e+00  }
0x10e: {  	v15 =	vld [tilespmem:s0+$0x1A00];
	(erf) = vrcp.f32 v16;
	vm10 =	veq.s32 v11, $0x0;
	vm1 =	veq.s32 v13, $0x0  }
0x10f: {  	v54 =	vld [tilespmem:s3+$0x800];
	v55 =	vsel vm10, $0x0, v1;
	v18 =	vsel vm1, $0x0, v1  }
0x110: {  	v53 =	vld [tilespmem:s0+$0x1C00];
	vm11 =	veq.s32 v52, $0x0;
	v13 =	vadd.f32 v18, v55  }
0x111: {  	v56 =	vld [tilespmem:s3+$0xA00];
	v57 =	vsel vm11, $0x0, v1  }
0x112: {  	v19 =	vld [tilespmem:s0+$0x2600];
	vm12 =	veq.s32 v17, $0x0;
	v13 =	vadd.f32 v57, v13  }
0x113: {  	v58 =	vld [tilespmem:s3+$0xC00];
	v59 =	vsel vm12, $0x0, v1  }
0x114: {  	v20 =	vld [tilespmem:s0+$0x2400];
	vm13 =	veq.s32 v54, $0x0;
	v13 =	vadd.f32 v59, v13  }
0x115: {  	v60 =	vld [tilespmem:s3+$0xE00];
	v61 =	vsel vm13, $0x0, v1  }
0x116: {  	v21 =	vld [tilespmem:s0+$0x2200];
	v12 =	vsub.f32 $2.000000000e+01, v12;
	vm14 =	veq.s32 v56, $0x0;
	v13 =	vadd.f32 v61, v13  }
0x117: {  	v63 =	vld [tilespmem:s3+$0x1000];
	v23 =	vsel vm14, $0x0, v1;
	v62 =	vpop (erf)  }
0x118: {  	v22 =	vld [tilespmem:s3+$0x2000];
	vm15 =	veq.s32 v58, $0x0;
	[tilespmem:s2+$0x14A00] =	vst v62;
	v12 =	vmul.f32 v62, v12;
	v13 =	vadd.f32 v23, v13  }
0x119: {  	v17 =	vsel vm15, $0x0, v1;
	v25 =	vld [tilespmem:s3+$0x1200]  }
0x11a: {  	vm4 =	veq.s32 v60, $0x0;
	v24 =	vld [tilespmem:s3+$0x1E00];
	[tilespmem:s2+$0x14C00] =	vst v12;
	v26 =	vadd.f32 v17, v13  }
0x11b: {  	v9 =	vadd.f32 v10, v9;
	vm5 =	veq.s32 v6, $0x0;
	v27 =	vsel vm4, $0x0, v1;
	v28 =	vld [tilespmem:s3+$0x1400]  }
0x11c: {  	v29 =	vsel vm5, $0x0, v1;
	vm6 =	veq.s32 v63, $0x0;
	v6 =	vadd.f32 v27, v26  }
0x11d: {  	v9 =	vadd.f32 v29, v9;
	v31 =	vsel vm6, $0x0, v1;
	v30 =	vld [tilespmem:s3+$0x1600]  }
0x11e: {  	vm7 =	veq.s32 v8, $0x0;
	vm8 =	veq.s32 v25, $0x0;
	v6 =	vadd.f32 v31, v6  }
0x11f: {  	v32 =	vsel vm7, $0x0, v1;
	vm9 =	veq.s32 v7, $0x0;
	v33 =	vld [tilespmem:s3+$0x1800];
	v34 =	vsel vm8, $0x0, v1  }
0x120: {  	v9 =	vadd.f32 v32, v9;
	vm10 =	veq.s32 v28, $0x0;
	v6 =	vadd.f32 v34, v6  }
0x121: {  	v35 =	vsel vm9, $0x0, v1;
	vm11 =	veq.s32 v5, $0x0;
	v38 =	vld [tilespmem:s3+$0x1A00];
	v37 =	vsel vm10, $0x0, v1  }
0x122: {  	v36 =	vadd.f32 v35, v9;
	vm12 =	veq.s32 v30, $0x0;
	v6 =	vadd.f32 v37, v6  }
0x123: {  	vm13 =	veq.s32 v15, $0x0;
	v39 =	vsel vm11, $0x0, v1;
	v41 =	vld [tilespmem:s3+$0x1C00];
	v40 =	vsel vm12, $0x0, v1  }
0x124: {  	v5 =	vadd.f32 v39, v36;
	vm14 =	veq.s32 v33, $0x0;
	v6 =	vadd.f32 v40, v6  }
0x125: {  	vm15 =	veq.s32 v53, $0x0;
	v42 =	vsel vm13, $0x0, v1;
	v43 =	vsel vm14, $0x0, v1  }
0x126: {  	v5 =	vadd.f32 v42, v5;
	vm4 =	veq.s32 v38, $0x0;
	v6 =	vadd.f32 v43, v6  }
0x127: {  	vm5 =	veq.s32 v4, $0x0;
	v44 =	vsel vm15, $0x0, v1;
	v46 =	vsel vm4, $0x0, v1  }
0x128: {  	v45 =	vadd.f32 v44, v5;
	vm6 =	veq.s32 v41, $0x0;
	v5 =	vadd.f32 v46, v6  }
0x129: {  	v47 =	vsel vm5, $0x0, v1;
	vm7 =	veq.s32 v3, $0x0;
	v49 =	vld [tilespmem:s3+$0x2200];
	v48 =	vsel vm6, $0x0, v1  }
0x12a: {  	v3 =	vadd.f32 v47, v45;
	vm8 =	veq.s32 v24, $0x0;
	v4 =	vadd.f32 v48, v5  }
0x12b: {  	v50 =	vsel vm7, $0x0, v1;
	vm9 =	veq.s32 v21, $0x0;
	v51 =	vld [tilespmem:s3+$0x2400];
	v52 =	vsel vm8, $0x0, v1  }
0x12c: {  	v3 =	vadd.f32 v50, v3;
	vm10 =	veq.s32 v22, $0x0;
	v4 =	vadd.f32 v52, v4  }
0x12d: {  	v53 =	vsel vm9, $0x0, v1;
	vm11 =	veq.s32 v20, $0x0;
	v54 =	vld [tilespmem:s3+$0x2600];
	v55 =	vsel vm10, $0x0, v1  }
0x12e: {  	v3 =	vadd.f32 v53, v3;
	vm12 =	veq.s32 v49, $0x0;
	v4 =	vadd.f32 v55, v4  }
0x12f: {  	vm13 =	veq.s32 v19, $0x0;
	v56 =	vsel vm11, $0x0, v1;
	v6 =	vsel vm12, $0x0, v1  }
0x130: {  	v3 =	vadd.f32 v56, v3;
	vm14 =	veq.s32 v51, $0x0;
	v4 =	vadd.f32 v6, v4  }
0x131: {  	v57 =	vsel vm13, $0x0, v1;
	v58 =	vsel vm14, $0x0, v1  }
0x132: {  	v3 =	vadd.f32 v57, v3;
	vm15 =	veq.s32 v54, $0x0;
	v4 =	vadd.f32 v58, v4  }
0x133: {  	v59 =	vsel vm15, $0x0, v1  }
0x134: {  	v60 =	vmax.f32 v3, $1.000000000e+00;
	v4 =	vadd.f32 v59, v4  }
0x135: {  	(erf) = vrcp.f32 v60  }
0x136: {  	v5 =	vmax.f32 v4, $1.000000000e+00  }
0x137: {  	(erf) = vrcp.f32 v5;
	_ =	sdelay $0x5  }
0x138: {  	v3 =	vsub.f32 $2.000000000e+01, v3  }
0x139: {  	v61 =	vpop (erf)  }
0x13a: {  	v3 =	vmul.f32 v61, v3;
	v4 =	vsub.f32 $2.000000000e+01, v4  }
0x13b: {  	[tilespmem:s0+$0x14A00] =	vst v61;
	v62 =	vpop (erf)  }
0x13c: {  	[tilespmem:s0+$0x14C00] =	vst v3;
	v3 =	vmul.f32 v62, v4  }
0x13d: {  	[tilespmem:s3+$0x14A00] =	vst v62  }
0x13e: {  	[tilespmem:s3+$0x14C00] =	vst v3  }
0x13f: {  	_ =	swait.ge [sflag:s25], $0x2000  }
0x140: {  	[sflag:s25] =	ssyncset.done $0x0  }
0x141: {  	[sflag:s25] =	ssyncadd.s32 $0xFFFFE000  }
0x142: {  	_ =	swait.ge [sflag:s25], $0x2000  }
0x143: {  	[sflag:s25] =	ssyncset.done $0x0  }
0x144: {  	[sflag:s25] =	ssyncadd.s32 $0xFFFFE000  }
0x145: {  	_ =	swait.ge [sflag:s25], $0x2000  }
0x146: {  	[sflag:s25] =	ssyncset.done $0x0  }
0x147: {  	[sflag:s25] =	ssyncadd.s32 $0xFFFFE000  }
0x148: {  	_ =	swait.ge [sflag:s25], $0x2000  }
0x149: {  	[sflag:s25] =	ssyncset.done $0x0  }
0x14a: {  	[sflag:s25] =	ssyncadd.s32 $0xFFFFE000  }
0x14b: {  	_ =	swait.ge [sflag:s25], $0x2000  }
0x14c: {  	[sflag:s25] =	ssyncset.done $0x0  }
0x14d: {  	[sflag:s25] =	ssyncadd.s32 $0xFFFFE000  }
0x14e: {  	_ =	swait.ge [sflag:s25], $0x2000  }
0x14f: {  	[sflag:s25] =	ssyncset.done $0x0  }
0x150: {  	[sflag:s25] =	ssyncadd.s32 $0xFFFFE000  }
0x151: {  	_ =	swait.ge [sflag:s25], $0x2000  }
0x152: {  	[sflag:s25] =	ssyncset.done $0x0  }
0x153: {  	[sflag:s25] =	ssyncadd.s32 $0xFFFFE000  }
0x154: {  	_ =	swait.ge [sflag:s25], $0x2000  }
0x155: {  	[sflag:s25] =	ssyncset.done $0x0  }
0x156: {  	[sflag:s25] =	ssyncadd.s32 $0xFFFFE000  }
0x157: {  	_ =	swait.ge [sflag:s25], $0x2000  }
0x158: {  	[sflag:s25] =	ssyncset.done $0x0  }
0x159: {  	[sflag:s25] =	ssyncadd.s32 $0xFFFFE000  }
0x15a: {  	_ =	swait.ge [sflag:s25], $0x2000  }
0x15b: {  	[sflag:s25] =	ssyncset.done $0x0  }
0x15c: {  	[sflag:s25] =	ssyncadd.s32 $0xFFFFE000  }
0x15d: {  	_ =	swait.ge [sflag:s25], $0x2000  }
0x15e: {  	[sflag:s25] =	ssyncset.done $0x0  }
0x15f: {  	[sflag:s25] =	ssyncadd.s32 $0xFFFFE000  }
0x160: {  	_ =	swait.ge [sflag:s25], $0x2000  }
0x161: {  	[sflag:s25] =	ssyncset.done $0x0  }
0x162: {  	[sflag:s25] =	ssyncadd.s32 $0xFFFFE000  }
0x163: {  	_ =	swait.ge [sflag:s25], $0x2000  }
0x164: {  	[sflag:s25] =	ssyncset.done $0x0  }
0x165: {  	[sflag:s25] =	ssyncadd.s32 $0xFFFFE000  }
0x166: {  	_ =	swait.ge [sflag:s25], $0x2000  }
0x167: {  	[sflag:s25] =	ssyncset.done $0x0  }
0x168: {  	[sflag:s25] =	ssyncadd.s32 $0xFFFFE000  }
0x169: {  	_ =	swait.ge [sflag:s25], $0x2000  }
0x16a: {  	[sflag:s25] =	ssyncset.done $0x0  }
0x16b: {  	[sflag:s25] =	ssyncadd.s32 $0xFFFFE000  }
0x16c: {  	_ =	swait.ge [sflag:s25], $0x2000  }
0x16d: {  	[sflag:s25] =	ssyncset.done $0x0  }
0x16e: {  	[sflag:s25] =	ssyncadd.s32 $0xFFFFE000  }
0x16f: {  	_ =	swait.ge [sflag:s25], $0x2000  }
0x170: {  	[sflag:s25] =	ssyncset.done $0x0  }
0x171: {  	[sflag:s25] =	ssyncadd.s32 $0xFFFFE000  }
0x172: {  	_ =	swait.ge [sflag:s25], $0x2000  }
0x173: {  	[sflag:s25] =	ssyncset.done $0x0  }
0x174: {  	[sflag:s25] =	ssyncadd.s32 $0xFFFFE000  }
0x175: {  	_ =	swait.ge [sflag:s25], $0x2000  }
0x176: {  	[sflag:s25] =	ssyncset.done $0x0  }
0x177: {  	[sflag:s25] =	ssyncadd.s32 $0xFFFFE000  }
0x178: {  	_ =	swait.ge [sflag:s25], $0x2000  }
0x179: {  	[sflag:s25] =	ssyncset.done $0x0  }
0x17a: {  	s31 =	simm.s32 $0x0;
	[sflag:s25] =	ssyncadd.s32 $0xFFFFE000  }
0x17b: {  	v3 =	vld [tilespmem:s31+$0xAA00];
	_ =	sdelay $0x4  }
0x17c: {  	s0 =	simm.s32 $0xCA10;
	v63 =	vshll.u32 v3, $0x10  }
0x17d: {  	v3 =	vand.u32 $0xFFFF0000, v3;
	[tilespmem:s0+$0xFFFFFFF0] =	vst v63  }
0x17e: {  	s2 =	simm.s32 $0x80;
	s3 =	simm.s32 $0x10;
	[tilespmem:s0+$0x0] =	vst v3  }
.LBB2_8:
0x17f: {  	p0 =	sne.s32 s2, $0x7FC0;
	v3 =	vld [tilespmem:s3+$0xAA00];
	_ =	sdelay $0x2  }
.Ltmp3:
0x180: {  	(pc) =	sbr.rel @p0 .LBB2_8-.Ltmp3, $4  }
0x181: {  	_ = 	snop  }
0x182: {  	s0 =	sadd.s32 $0x20, s0;
	v4 =	vshll.u32 v3, $0x10;
	v3 =	vand.u32 $0xFFFF0000, v3  }
0x183: {  	[tilespmem:s0+$0xFFFFFFF0] =	vst v4  }
0x184: {  	s3 =	sshra.s32 s2, $0x2;
	s2 =	sadd.s32 $0x40, s2;
	[tilespmem:s0+$0x0] =	vst v3  }
0x185: {  	v3 =	vld [tilespmem:s3+$0xAA00];
	_ =	sdelay $0x2  }
0x186: {  	s2 =	simm.s32 $0x0  }
0x187: {  	v4 =	vmov s2  }
0x188: {  	s0 =	sadd.s32 $0x20, s0;
	v4 =	vshll.u32 v4, $0x5;
	v5 =	vshll.u32 v3, $0x10  }
0x189: {  	v34 =	vor.u32 v2, v4;
	v3 =	vand.u32 $0xFFFF0000, v3;
	[tilespmem:s0+$0xFFFFFFF0] =	vst v5  }
0x18a: {  	[tilespmem:s0+$0x0] =	vst v3  }
0x18b: {  	s0 =	simm.s32 $0x14A00;
	v18 =	vld [tilespmem:$0x14E00]  }
0x18c: {  	s31 =	simm.s32 $0x14C00;
	v35 =	vld [tilespmem:s0+$0x0]  }
0x18d: {  	v36 =	vld [tilespmem:s31+$0x0]  }
0x18e: {  	v4 =	vld.idx.msk [tilespmem:v34+s26+$0x0], $0xffff;
	_ =	sdelay $0x2  }
0x18f: {  	v3 =	vbroadcast v18, $0x0;
	_ =	sdelay $0x1  }
0x190: {  	v6 =	vor.u32 $0x10, v34;
	v4 =	vmul.f32 v4, v35;
	v5 =	vmul.f32 v36, v3;
	_ =	sdelay $0x1  }
0x191: {  	v4 =	vsub.f32 v4, v5  }
0x192: {  	s3 =	simm.s32 $0x12A00  }
0x193: {  	v37 =	vld [tilespmem:$0x14E10];
	[tilespmem:s3+$0xFFFFE000] =	vst v4  }
0x194: {  	v5 =	vld.idx.msk [tilespmem:v6+s26+$0x0], $0xffff;
	_ =	sdelay $0x2  }
0x195: {  	v4 =	vbroadcast v18, $0x1;
	_ =	sdelay $0x1  }
0x196: {  	v7 =	vor.u32 $0x1, v34;
	v6 =	vmul.f32 v36, v4;
	v5 =	vmul.f32 v5, v35;
	_ =	sdelay $0x1  }
0x197: {  	v5 =	vsub.f32 v5, v6;
	_ =	sdelay $0x1  }
0x198: {  	[tilespmem:s3+$0xFFFFE200] =	vst v5  }
0x199: {  	v6 =	vld.idx.msk [tilespmem:v7+s26+$0x0], $0xffff;
	_ =	sdelay $0x2  }
0x19a: {  	v5 =	vbroadcast v18, $0x2;
	_ =	sdelay $0x1  }
0x19b: {  	v8 =	vor.u32 $0x11, v34;
	v7 =	vmul.f32 v36, v5;
	v6 =	vmul.f32 v6, v35;
	_ =	sdelay $0x1  }
0x19c: {  	v6 =	vsub.f32 v6, v7;
	_ =	sdelay $0x1  }
0x19d: {  	[tilespmem:s3+$0xFFFFE400] =	vst v6  }
0x19e: {  	v7 =	vld.idx.msk [tilespmem:v8+s26+$0x0], $0xffff;
	_ =	sdelay $0x2  }
0x19f: {  	v6 =	vbroadcast v18, $0x3;
	_ =	sdelay $0x1  }
0x1a0: {  	v9 =	vor.u32 $0x2, v34;
	v8 =	vmul.f32 v36, v6;
	v7 =	vmul.f32 v7, v35;
	_ =	sdelay $0x1  }
0x1a1: {  	v7 =	vsub.f32 v7, v8;
	_ =	sdelay $0x1  }
0x1a2: {  	[tilespmem:s3+$0xFFFFE600] =	vst v7  }
0x1a3: {  	v8 =	vld.idx.msk [tilespmem:v9+s26+$0x0], $0xffff;
	_ =	sdelay $0x2  }
0x1a4: {  	v7 =	vbroadcast v18, $0x4;
	_ =	sdelay $0x1  }
0x1a5: {  	v10 =	vor.u32 $0x12, v34;
	v9 =	vmul.f32 v36, v7;
	v8 =	vmul.f32 v8, v35;
	_ =	sdelay $0x1  }
0x1a6: {  	v8 =	vsub.f32 v8, v9;
	_ =	sdelay $0x1  }
0x1a7: {  	[tilespmem:s3+$0xFFFFE800] =	vst v8  }
0x1a8: {  	v9 =	vld.idx.msk [tilespmem:v10+s26+$0x0], $0xffff;
	_ =	sdelay $0x2  }
0x1a9: {  	v8 =	vbroadcast v18, $0x5;
	_ =	sdelay $0x1  }
0x1aa: {  	v11 =	vor.u32 $0x3, v34;
	v10 =	vmul.f32 v36, v8;
	v9 =	vmul.f32 v9, v35;
	_ =	sdelay $0x1  }
0x1ab: {  	v9 =	vsub.f32 v9, v10;
	_ =	sdelay $0x1  }
0x1ac: {  	[tilespmem:s3+$0xFFFFEA00] =	vst v9  }
0x1ad: {  	v10 =	vld.idx.msk [tilespmem:v11+s26+$0x0], $0xffff;
	_ =	sdelay $0x2  }
0x1ae: {  	v9 =	vbroadcast v18, $0x6;
	_ =	sdelay $0x1  }
0x1af: {  	v12 =	vor.u32 $0x13, v34;
	v11 =	vmul.f32 v36, v9;
	v10 =	vmul.f32 v10, v35;
	_ =	sdelay $0x1  }
0x1b0: {  	v10 =	vsub.f32 v10, v11;
	_ =	sdelay $0x1  }
0x1b1: {  	[tilespmem:s3+$0xFFFFEC00] =	vst v10  }
0x1b2: {  	v11 =	vld.idx.msk [tilespmem:v12+s26+$0x0], $0xffff;
	_ =	sdelay $0x2  }
0x1b3: {  	v10 =	vbroadcast v18, $0x7;
	_ =	sdelay $0x1  }
0x1b4: {  	v13 =	vor.u32 $0x4, v34;
	v12 =	vmul.f32 v36, v10;
	v11 =	vmul.f32 v11, v35;
	_ =	sdelay $0x1  }
0x1b5: {  	v11 =	vsub.f32 v11, v12;
	_ =	sdelay $0x1  }
0x1b6: {  	[tilespmem:s3+$0xFFFFEE00] =	vst v11  }
0x1b7: {  	v12 =	vld.idx.msk [tilespmem:v13+s26+$0x0], $0xffff;
	_ =	sdelay $0x2  }
0x1b8: {  	v11 =	vbroadcast v18, $0x8;
	_ =	sdelay $0x1  }
0x1b9: {  	v14 =	vor.u32 $0x14, v34;
	v13 =	vmul.f32 v36, v11;
	v12 =	vmul.f32 v12, v35;
	_ =	sdelay $0x1  }
0x1ba: {  	v12 =	vsub.f32 v12, v13;
	_ =	sdelay $0x1  }
0x1bb: {  	[tilespmem:s3+$0xFFFFF000] =	vst v12  }
0x1bc: {  	v13 =	vld.idx.msk [tilespmem:v14+s26+$0x0], $0xffff;
	_ =	sdelay $0x2  }
0x1bd: {  	v12 =	vbroadcast v18, $0x9;
	_ =	sdelay $0x1  }
0x1be: {  	v15 =	vor.u32 $0x5, v34;
	v14 =	vmul.f32 v36, v12;
	v13 =	vmul.f32 v13, v35;
	_ =	sdelay $0x1  }
0x1bf: {  	v13 =	vsub.f32 v13, v14;
	_ =	sdelay $0x1  }
0x1c0: {  	[tilespmem:s3+$0xFFFFF200] =	vst v13  }
0x1c1: {  	v14 =	vld.idx.msk [tilespmem:v15+s26+$0x0], $0xffff;
	_ =	sdelay $0x2  }
0x1c2: {  	v13 =	vbroadcast v18, $0xA;
	_ =	sdelay $0x1  }
0x1c3: {  	v16 =	vor.u32 $0x15, v34;
	v15 =	vmul.f32 v36, v13;
	v14 =	vmul.f32 v14, v35;
	_ =	sdelay $0x1  }
0x1c4: {  	v14 =	vsub.f32 v14, v15;
	_ =	sdelay $0x1  }
0x1c5: {  	[tilespmem:s3+$0xFFFFF400] =	vst v14  }
0x1c6: {  	v15 =	vld.idx.msk [tilespmem:v16+s26+$0x0], $0xffff;
	_ =	sdelay $0x2  }
0x1c7: {  	v14 =	vbroadcast v18, $0xB;
	_ =	sdelay $0x1  }
0x1c8: {  	v17 =	vor.u32 $0x6, v34;
	v16 =	vmul.f32 v36, v14;
	v15 =	vmul.f32 v15, v35;
	_ =	sdelay $0x1  }
0x1c9: {  	v15 =	vsub.f32 v15, v16;
	_ =	sdelay $0x1  }
0x1ca: {  	[tilespmem:s3+$0xFFFFF600] =	vst v15  }
0x1cb: {  	v16 =	vld.idx.msk [tilespmem:v17+s26+$0x0], $0xffff;
	_ =	sdelay $0x2  }
0x1cc: {  	v15 =	vbroadcast v18, $0xC;
	_ =	sdelay $0x1  }
0x1cd: {  	v19 =	vor.u32 $0x16, v34;
	v17 =	vmul.f32 v36, v15;
	v16 =	vmul.f32 v16, v35;
	_ =	sdelay $0x1  }
0x1ce: {  	v16 =	vsub.f32 v16, v17;
	_ =	sdelay $0x1  }
0x1cf: {  	[tilespmem:s3+$0xFFFFF800] =	vst v16  }
0x1d0: {  	v17 =	vld.idx.msk [tilespmem:v19+s26+$0x0], $0xffff;
	_ =	sdelay $0x2  }
0x1d1: {  	v16 =	vbroadcast v18, $0xD;
	_ =	sdelay $0x1  }
0x1d2: {  	v20 =	vor.u32 $0x7, v34;
	v19 =	vmul.f32 v36, v16;
	v17 =	vmul.f32 v17, v35;
	_ =	sdelay $0x1  }
0x1d3: {  	v17 =	vsub.f32 v17, v19;
	_ =	sdelay $0x1  }
0x1d4: {  	[tilespmem:s3+$0xFFFFFA00] =	vst v17  }
0x1d5: {  	v19 =	vld.idx.msk [tilespmem:v20+s26+$0x0], $0xffff;
	_ =	sdelay $0x2  }
0x1d6: {  	v17 =	vbroadcast v18, $0xE;
	_ =	sdelay $0x1  }
0x1d7: {  	v21 =	vor.u32 $0x17, v34;
	v20 =	vmul.f32 v36, v17;
	v19 =	vmul.f32 v19, v35;
	_ =	sdelay $0x1  }
0x1d8: {  	v19 =	vsub.f32 v19, v20;
	_ =	sdelay $0x1  }
0x1d9: {  	[tilespmem:s3+$0xFFFFFC00] =	vst v19  }
0x1da: {  	v19 =	vld.idx.msk [tilespmem:v21+s26+$0x0], $0xffff;
	_ =	sdelay $0x2  }
0x1db: {  	v18 =	vbroadcast v18, $0xF;
	_ =	sdelay $0x1  }
0x1dc: {  	v20 =	vmul.f32 v36, v18;
	v21 =	vor.u32 $0x8, v34;
	v19 =	vmul.f32 v19, v35;
	_ =	sdelay $0x1  }
0x1dd: {  	v19 =	vsub.f32 v19, v20;
	_ =	sdelay $0x1  }
0x1de: {  	[tilespmem:s3+$0xFFFFFE00] =	vst v19  }
0x1df: {  	v20 =	vld.idx.msk [tilespmem:v21+s26+$0x0], $0xffff;
	_ =	sdelay $0x2  }
0x1e0: {  	v19 =	vbroadcast v37, $0x0;
	_ =	sdelay $0x1  }
0x1e1: {  	v22 =	vor.u32 $0x18, v34;
	v21 =	vmul.f32 v36, v19;
	v20 =	vmul.f32 v20, v35;
	_ =	sdelay $0x1  }
0x1e2: {  	v20 =	vsub.f32 v20, v21;
	_ =	sdelay $0x1  }
0x1e3: {  	[tilespmem:s3+$0x0] =	vst v20  }
0x1e4: {  	v21 =	vld.idx.msk [tilespmem:v22+s26+$0x0], $0xffff;
	_ =	sdelay $0x2  }
0x1e5: {  	v20 =	vbroadcast v37, $0x1;
	_ =	sdelay $0x1  }
0x1e6: {  	v23 =	vor.u32 $0x9, v34;
	v22 =	vmul.f32 v36, v20;
	v21 =	vmul.f32 v21, v35;
	_ =	sdelay $0x1  }
0x1e7: {  	v21 =	vsub.f32 v21, v22;
	_ =	sdelay $0x1  }
0x1e8: {  	[tilespmem:s3+$0x200] =	vst v21  }
0x1e9: {  	v22 =	vld.idx.msk [tilespmem:v23+s26+$0x0], $0xffff;
	_ =	sdelay $0x2  }
0x1ea: {  	v21 =	vbroadcast v37, $0x2;
	_ =	sdelay $0x1  }
0x1eb: {  	v24 =	vor.u32 $0x19, v34;
	v23 =	vmul.f32 v36, v21;
	v22 =	vmul.f32 v22, v35;
	_ =	sdelay $0x1  }
0x1ec: {  	v22 =	vsub.f32 v22, v23;
	_ =	sdelay $0x1  }
0x1ed: {  	[tilespmem:s3+$0x400] =	vst v22  }
0x1ee: {  	v23 =	vld.idx.msk [tilespmem:v24+s26+$0x0], $0xffff;
	_ =	sdelay $0x2  }
0x1ef: {  	v22 =	vbroadcast v37, $0x3;
	_ =	sdelay $0x1  }
0x1f0: {  	v25 =	vor.u32 $0xA, v34;
	v24 =	vmul.f32 v36, v22;
	v23 =	vmul.f32 v23, v35;
	_ =	sdelay $0x1  }
0x1f1: {  	v23 =	vsub.f32 v23, v24;
	_ =	sdelay $0x1  }
0x1f2: {  	[tilespmem:s3+$0x600] =	vst v23  }
0x1f3: {  	v24 =	vld.idx.msk [tilespmem:v25+s26+$0x0], $0xffff;
	_ =	sdelay $0x2  }
0x1f4: {  	v23 =	vbroadcast v37, $0x4;
	_ =	sdelay $0x1  }
0x1f5: {  	v26 =	vor.u32 $0x1A, v34;
	v25 =	vmul.f32 v36, v23;
	v24 =	vmul.f32 v24, v35;
	_ =	sdelay $0x1  }
0x1f6: {  	v24 =	vsub.f32 v24, v25;
	_ =	sdelay $0x1  }
0x1f7: {  	[tilespmem:s3+$0x800] =	vst v24  }
0x1f8: {  	v25 =	vld.idx.msk [tilespmem:v26+s26+$0x0], $0xffff;
	_ =	sdelay $0x2  }
0x1f9: {  	v24 =	vbroadcast v37, $0x5;
	_ =	sdelay $0x1  }
0x1fa: {  	v27 =	vor.u32 $0xB, v34;
	v26 =	vmul.f32 v36, v24;
	v25 =	vmul.f32 v25, v35;
	_ =	sdelay $0x1  }
0x1fb: {  	v25 =	vsub.f32 v25, v26;
	_ =	sdelay $0x1  }
0x1fc: {  	[tilespmem:s3+$0xA00] =	vst v25  }
0x1fd: {  	v26 =	vld.idx.msk [tilespmem:v27+s26+$0x0], $0xffff;
	_ =	sdelay $0x2  }
0x1fe: {  	v25 =	vbroadcast v37, $0x6;
	_ =	sdelay $0x1  }
0x1ff: {  	v28 =	vor.u32 $0x1B, v34;
	v27 =	vmul.f32 v36, v25;
	v26 =	vmul.f32 v26, v35;
	_ =	sdelay $0x1  }
0x200: {  	v26 =	vsub.f32 v26, v27;
	_ =	sdelay $0x1  }
0x201: {  	[tilespmem:s3+$0xC00] =	vst v26  }
0x202: {  	v27 =	vld.idx.msk [tilespmem:v28+s26+$0x0], $0xffff;
	_ =	sdelay $0x2  }
0x203: {  	v26 =	vbroadcast v37, $0x7;
	_ =	sdelay $0x1  }
0x204: {  	v29 =	vor.u32 $0xC, v34;
	v28 =	vmul.f32 v36, v26;
	v27 =	vmul.f32 v27, v35;
	_ =	sdelay $0x1  }
0x205: {  	v27 =	vsub.f32 v27, v28;
	_ =	sdelay $0x1  }
0x206: {  	[tilespmem:s3+$0xE00] =	vst v27  }
0x207: {  	v28 =	vld.idx.msk [tilespmem:v29+s26+$0x0], $0xffff;
	_ =	sdelay $0x2  }
0x208: {  	v27 =	vbroadcast v37, $0x8;
	_ =	sdelay $0x1  }
0x209: {  	v30 =	vor.u32 $0x1C, v34;
	v29 =	vmul.f32 v36, v27;
	v28 =	vmul.f32 v28, v35;
	_ =	sdelay $0x1  }
0x20a: {  	v28 =	vsub.f32 v28, v29;
	_ =	sdelay $0x1  }
0x20b: {  	[tilespmem:s3+$0x1000] =	vst v28  }
0x20c: {  	v29 =	vld.idx.msk [tilespmem:v30+s26+$0x0], $0xffff;
	_ =	sdelay $0x2  }
0x20d: {  	v28 =	vbroadcast v37, $0x9;
	_ =	sdelay $0x1  }
0x20e: {  	v31 =	vor.u32 $0xD, v34;
	v30 =	vmul.f32 v36, v28;
	v29 =	vmul.f32 v29, v35;
	_ =	sdelay $0x1  }
0x20f: {  	v29 =	vsub.f32 v29, v30;
	_ =	sdelay $0x1  }
0x210: {  	[tilespmem:s3+$0x1200] =	vst v29  }
0x211: {  	v30 =	vld.idx.msk [tilespmem:v31+s26+$0x0], $0xffff;
	_ =	sdelay $0x2  }
0x212: {  	v29 =	vbroadcast v37, $0xA;
	_ =	sdelay $0x1  }
0x213: {  	v32 =	vor.u32 $0x1D, v34;
	v31 =	vmul.f32 v36, v29;
	v30 =	vmul.f32 v30, v35;
	_ =	sdelay $0x1  }
0x214: {  	v30 =	vsub.f32 v30, v31;
	_ =	sdelay $0x1  }
0x215: {  	[tilespmem:s3+$0x1400] =	vst v30  }
0x216: {  	v31 =	vld.idx.msk [tilespmem:v32+s26+$0x0], $0xffff;
	_ =	sdelay $0x2  }
0x217: {  	v30 =	vbroadcast v37, $0xB;
	_ =	sdelay $0x1  }
0x218: {  	v33 =	vor.u32 $0xE, v34;
	v56 =	vmul.f32 v36, v30;
	v31 =	vmul.f32 v31, v35;
	_ =	sdelay $0x1  }
0x219: {  	v31 =	vsub.f32 v31, v56;
	_ =	sdelay $0x1  }
0x21a: {  	[tilespmem:s3+$0x1600] =	vst v31  }
0x21b: {  	v57 =	vld.idx.msk [tilespmem:v33+s26+$0x0], $0xffff;
	_ =	sdelay $0x2  }
0x21c: {  	v31 =	vbroadcast v37, $0xC;
	_ =	sdelay $0x1  }
0x21d: {  	v38 =	vor.u32 $0x1E, v34;
	v58 =	vmul.f32 v36, v31;
	v32 =	vmul.f32 v57, v35;
	_ =	sdelay $0x1  }
0x21e: {  	v32 =	vsub.f32 v32, v58;
	_ =	sdelay $0x1  }
0x21f: {  	[tilespmem:s3+$0x1800] =	vst v32  }
0x220: {  	v59 =	vld.idx.msk [tilespmem:v38+s26+$0x0], $0xffff;
	_ =	sdelay $0x2  }
0x221: {  	v32 =	vbroadcast v37, $0xD;
	_ =	sdelay $0x1  }
0x222: {  	v39 =	vor.u32 $0xF, v34;
	v60 =	vmul.f32 v36, v32;
	v33 =	vmul.f32 v59, v35;
	_ =	sdelay $0x1  }
0x223: {  	v33 =	vsub.f32 v33, v60;
	_ =	sdelay $0x1  }
0x224: {  	[tilespmem:s3+$0x1A00] =	vst v33  }
0x225: {  	v61 =	vld.idx.msk [tilespmem:v39+s26+$0x0], $0xffff;
	_ =	sdelay $0x2  }
0x226: {  	v33 =	vbroadcast v37, $0xE;
	_ =	sdelay $0x1  }
0x227: {  	v34 =	vor.u32 $0x1F, v34;
	v62 =	vmul.f32 v36, v33;
	v38 =	vmul.f32 v61, v35;
	_ =	sdelay $0x1  }
0x228: {  	v38 =	vsub.f32 v38, v62;
	_ =	sdelay $0x1  }
0x229: {  	[tilespmem:s3+$0x1C00] =	vst v38  }
0x22a: {  	v38 =	vld.idx.msk [tilespmem:v34+s26+$0x0], $0xffff;
	_ =	sdelay $0x2  }
0x22b: {  	s2 =	simm.s32 $0x10;
	v34 =	vbroadcast v37, $0xF  }
0x22c: {  	v63 =	vmov s2  }
0x22d: {  	s2 =	simm.s32 $0x20;
	v37 =	vshll.u32 v63, $0x5;
	v36 =	vmul.f32 v36, v34;
	v35 =	vmul.f32 v38, v35  }
.LBB2_10:
0x22e: {  	p0 =	sne.s32 s2, $0x1F0;
	v37 =	vor.u32 v2, v37  }
0x22f: {  	v35 =	vsub.f32 v35, v36;
	_ =	sdelay $0x1  }
0x230: {  	s0 =	sadd.s32 $0x10, s0;
	[tilespmem:s3+$0x1E00] =	vst v35  }
0x231: {  	v35 =	vld [tilespmem:s0+$0x0]  }
0x232: {  	v36 =	vld.idx.msk [tilespmem:v37+s26+$0x0], $0xffff  }
0x233: {  	s31 =	sadd.s32 $0x10, s31  }
0x234: {  	v39 =	vld [tilespmem:s31+$0x0];
	_ =	sdelay $0x3  }
0x235: {  	v40 =	vmul.f32 v36, v35  }
0x236: {  	v42 =	vor.u32 $0x10, v37;
	v41 =	vmul.f32 v39, v3;
	v38 =	vmul.f32 v39, v33  }
0x237: {  	v36 =	vmul.f32 v39, v34  }
0x238: {  	v40 =	vsub.f32 v40, v41  }
0x239: {  	s3 =	sadd.s32 $0x10, s3  }
0x23a: {  	[tilespmem:s3+$0xFFFFE000] =	vst v40  }
0x23b: {  	v40 =	vld.idx.msk [tilespmem:v42+s26+$0x0], $0xffff;
	_ =	sdelay $0x5  }
0x23c: {  	v41 =	vmul.f32 v39, v4;
	v42 =	vor.u32 $0x1, v37;
	v40 =	vmul.f32 v40, v35;
	_ =	sdelay $0x1  }
0x23d: {  	v40 =	vsub.f32 v40, v41;
	_ =	sdelay $0x1  }
0x23e: {  	[tilespmem:s3+$0xFFFFE200] =	vst v40  }
0x23f: {  	v40 =	vld.idx.msk [tilespmem:v42+s26+$0x0], $0xffff;
	_ =	sdelay $0x5  }
0x240: {  	v41 =	vmul.f32 v39, v5;
	v42 =	vor.u32 $0x11, v37;
	v40 =	vmul.f32 v40, v35;
	_ =	sdelay $0x1  }
0x241: {  	v40 =	vsub.f32 v40, v41;
	_ =	sdelay $0x1  }
0x242: {  	[tilespmem:s3+$0xFFFFE400] =	vst v40  }
0x243: {  	v40 =	vld.idx.msk [tilespmem:v42+s26+$0x0], $0xffff;
	_ =	sdelay $0x5  }
0x244: {  	v41 =	vmul.f32 v39, v6;
	v42 =	vor.u32 $0x2, v37;
	v40 =	vmul.f32 v40, v35;
	_ =	sdelay $0x1  }
0x245: {  	v40 =	vsub.f32 v40, v41;
	_ =	sdelay $0x1  }
0x246: {  	[tilespmem:s3+$0xFFFFE600] =	vst v40  }
0x247: {  	v40 =	vld.idx.msk [tilespmem:v42+s26+$0x0], $0xffff;
	_ =	sdelay $0x5  }
0x248: {  	v41 =	vmul.f32 v39, v7;
	v42 =	vor.u32 $0x12, v37;
	v40 =	vmul.f32 v40, v35;
	_ =	sdelay $0x1  }
0x249: {  	v40 =	vsub.f32 v40, v41;
	_ =	sdelay $0x1  }
0x24a: {  	[tilespmem:s3+$0xFFFFE800] =	vst v40  }
0x24b: {  	v40 =	vld.idx.msk [tilespmem:v42+s26+$0x0], $0xffff;
	_ =	sdelay $0x5  }
0x24c: {  	v41 =	vmul.f32 v39, v8;
	v42 =	vor.u32 $0x3, v37;
	v40 =	vmul.f32 v40, v35;
	_ =	sdelay $0x1  }
0x24d: {  	v40 =	vsub.f32 v40, v41;
	_ =	sdelay $0x1  }
0x24e: {  	[tilespmem:s3+$0xFFFFEA00] =	vst v40  }
0x24f: {  	v40 =	vld.idx.msk [tilespmem:v42+s26+$0x0], $0xffff;
	_ =	sdelay $0x5  }
0x250: {  	v41 =	vmul.f32 v39, v9;
	v42 =	vor.u32 $0x13, v37;
	v40 =	vmul.f32 v40, v35;
	_ =	sdelay $0x1  }
0x251: {  	v40 =	vsub.f32 v40, v41;
	_ =	sdelay $0x1  }
0x252: {  	[tilespmem:s3+$0xFFFFEC00] =	vst v40  }
0x253: {  	v40 =	vld.idx.msk [tilespmem:v42+s26+$0x0], $0xffff;
	_ =	sdelay $0x5  }
0x254: {  	v41 =	vmul.f32 v39, v10;
	v42 =	vor.u32 $0x4, v37;
	v40 =	vmul.f32 v40, v35;
	_ =	sdelay $0x1  }
0x255: {  	v40 =	vsub.f32 v40, v41;
	_ =	sdelay $0x1  }
0x256: {  	[tilespmem:s3+$0xFFFFEE00] =	vst v40  }
0x257: {  	v40 =	vld.idx.msk [tilespmem:v42+s26+$0x0], $0xffff;
	_ =	sdelay $0x5  }
0x258: {  	v41 =	vmul.f32 v39, v11;
	v42 =	vor.u32 $0x14, v37;
	v40 =	vmul.f32 v40, v35;
	_ =	sdelay $0x1  }
0x259: {  	v40 =	vsub.f32 v40, v41;
	_ =	sdelay $0x1  }
0x25a: {  	[tilespmem:s3+$0xFFFFF000] =	vst v40  }
0x25b: {  	v40 =	vld.idx.msk [tilespmem:v42+s26+$0x0], $0xffff;
	_ =	sdelay $0x5  }
0x25c: {  	v41 =	vmul.f32 v39, v12;
	v42 =	vor.u32 $0x5, v37;
	v40 =	vmul.f32 v40, v35;
	_ =	sdelay $0x1  }
0x25d: {  	v40 =	vsub.f32 v40, v41;
	_ =	sdelay $0x1  }
0x25e: {  	[tilespmem:s3+$0xFFFFF200] =	vst v40  }
0x25f: {  	v40 =	vld.idx.msk [tilespmem:v42+s26+$0x0], $0xffff;
	_ =	sdelay $0x5  }
0x260: {  	v41 =	vmul.f32 v39, v13;
	v42 =	vor.u32 $0x15, v37;
	v40 =	vmul.f32 v40, v35;
	_ =	sdelay $0x1  }
0x261: {  	v40 =	vsub.f32 v40, v41;
	_ =	sdelay $0x1  }
0x262: {  	[tilespmem:s3+$0xFFFFF400] =	vst v40  }
0x263: {  	v40 =	vld.idx.msk [tilespmem:v42+s26+$0x0], $0xffff;
	_ =	sdelay $0x5  }
0x264: {  	v41 =	vmul.f32 v39, v14;
	v42 =	vor.u32 $0x6, v37;
	v40 =	vmul.f32 v40, v35;
	_ =	sdelay $0x1  }
0x265: {  	v40 =	vsub.f32 v40, v41;
	_ =	sdelay $0x1  }
0x266: {  	[tilespmem:s3+$0xFFFFF600] =	vst v40  }
0x267: {  	v40 =	vld.idx.msk [tilespmem:v42+s26+$0x0], $0xffff;
	_ =	sdelay $0x5  }
0x268: {  	v41 =	vmul.f32 v39, v15;
	v42 =	vor.u32 $0x16, v37;
	v40 =	vmul.f32 v40, v35;
	_ =	sdelay $0x1  }
0x269: {  	v40 =	vsub.f32 v40, v41;
	_ =	sdelay $0x1  }
0x26a: {  	[tilespmem:s3+$0xFFFFF800] =	vst v40  }
0x26b: {  	v40 =	vld.idx.msk [tilespmem:v42+s26+$0x0], $0xffff;
	_ =	sdelay $0x5  }
0x26c: {  	v41 =	vmul.f32 v39, v16;
	v42 =	vor.u32 $0x7, v37;
	v40 =	vmul.f32 v40, v35;
	_ =	sdelay $0x1  }
0x26d: {  	v40 =	vsub.f32 v40, v41;
	_ =	sdelay $0x1  }
0x26e: {  	[tilespmem:s3+$0xFFFFFA00] =	vst v40  }
0x26f: {  	v40 =	vld.idx.msk [tilespmem:v42+s26+$0x0], $0xffff;
	_ =	sdelay $0x5  }
0x270: {  	v41 =	vmul.f32 v39, v17;
	v42 =	vor.u32 $0x17, v37;
	v40 =	vmul.f32 v40, v35;
	_ =	sdelay $0x1  }
0x271: {  	v40 =	vsub.f32 v40, v41;
	_ =	sdelay $0x1  }
0x272: {  	[tilespmem:s3+$0xFFFFFC00] =	vst v40  }
0x273: {  	v40 =	vld.idx.msk [tilespmem:v42+s26+$0x0], $0xffff;
	_ =	sdelay $0x5  }
0x274: {  	v41 =	vmul.f32 v39, v18;
	v42 =	vor.u32 $0x8, v37;
	v40 =	vmul.f32 v40, v35;
	_ =	sdelay $0x1  }
0x275: {  	v40 =	vsub.f32 v40, v41;
	_ =	sdelay $0x1  }
0x276: {  	[tilespmem:s3+$0xFFFFFE00] =	vst v40  }
0x277: {  	v40 =	vld.idx.msk [tilespmem:v42+s26+$0x0], $0xffff;
	_ =	sdelay $0x5  }
0x278: {  	v41 =	vmul.f32 v39, v19;
	v42 =	vor.u32 $0x18, v37;
	v40 =	vmul.f32 v40, v35;
	_ =	sdelay $0x1  }
0x279: {  	v40 =	vsub.f32 v40, v41;
	_ =	sdelay $0x1  }
0x27a: {  	[tilespmem:s3+$0x0] =	vst v40  }
0x27b: {  	v40 =	vld.idx.msk [tilespmem:v42+s26+$0x0], $0xffff;
	_ =	sdelay $0x5  }
0x27c: {  	v41 =	vmul.f32 v39, v20;
	v42 =	vor.u32 $0x9, v37;
	v40 =	vmul.f32 v40, v35;
	_ =	sdelay $0x1  }
0x27d: {  	v40 =	vsub.f32 v40, v41;
	_ =	sdelay $0x1  }
0x27e: {  	[tilespmem:s3+$0x200] =	vst v40  }
0x27f: {  	v40 =	vld.idx.msk [tilespmem:v42+s26+$0x0], $0xffff;
	_ =	sdelay $0x5  }
0x280: {  	v41 =	vmul.f32 v39, v21;
	v42 =	vor.u32 $0x19, v37;
	v40 =	vmul.f32 v40, v35;
	_ =	sdelay $0x1  }
0x281: {  	v40 =	vsub.f32 v40, v41;
	_ =	sdelay $0x1  }
0x282: {  	[tilespmem:s3+$0x400] =	vst v40  }
0x283: {  	v40 =	vld.idx.msk [tilespmem:v42+s26+$0x0], $0xffff;
	_ =	sdelay $0x5  }
0x284: {  	v41 =	vmul.f32 v39, v22;
	v42 =	vor.u32 $0xA, v37;
	v40 =	vmul.f32 v40, v35;
	_ =	sdelay $0x1  }
0x285: {  	v40 =	vsub.f32 v40, v41;
	_ =	sdelay $0x1  }
0x286: {  	[tilespmem:s3+$0x600] =	vst v40  }
0x287: {  	v40 =	vld.idx.msk [tilespmem:v42+s26+$0x0], $0xffff;
	_ =	sdelay $0x5  }
0x288: {  	v41 =	vmul.f32 v39, v23;
	v42 =	vor.u32 $0x1A, v37;
	v40 =	vmul.f32 v40, v35;
	_ =	sdelay $0x1  }
0x289: {  	v40 =	vsub.f32 v40, v41;
	_ =	sdelay $0x1  }
0x28a: {  	[tilespmem:s3+$0x800] =	vst v40  }
0x28b: {  	v40 =	vld.idx.msk [tilespmem:v42+s26+$0x0], $0xffff;
	_ =	sdelay $0x5  }
0x28c: {  	v41 =	vmul.f32 v39, v24;
	v42 =	vor.u32 $0xB, v37;
	v40 =	vmul.f32 v40, v35;
	_ =	sdelay $0x1  }
0x28d: {  	v40 =	vsub.f32 v40, v41;
	_ =	sdelay $0x1  }
0x28e: {  	[tilespmem:s3+$0xA00] =	vst v40  }
0x28f: {  	v40 =	vld.idx.msk [tilespmem:v42+s26+$0x0], $0xffff;
	_ =	sdelay $0x5  }
0x290: {  	v41 =	vmul.f32 v39, v25;
	v42 =	vor.u32 $0x1B, v37;
	v40 =	vmul.f32 v40, v35;
	_ =	sdelay $0x1  }
0x291: {  	v40 =	vsub.f32 v40, v41;
	_ =	sdelay $0x1  }
0x292: {  	[tilespmem:s3+$0xC00] =	vst v40  }
0x293: {  	v40 =	vld.idx.msk [tilespmem:v42+s26+$0x0], $0xffff;
	_ =	sdelay $0x5  }
0x294: {  	v41 =	vmul.f32 v39, v26;
	v42 =	vor.u32 $0xC, v37;
	v40 =	vmul.f32 v40, v35;
	_ =	sdelay $0x1  }
0x295: {  	v40 =	vsub.f32 v40, v41;
	_ =	sdelay $0x1  }
0x296: {  	[tilespmem:s3+$0xE00] =	vst v40  }
0x297: {  	v40 =	vld.idx.msk [tilespmem:v42+s26+$0x0], $0xffff;
	_ =	sdelay $0x5  }
0x298: {  	v41 =	vmul.f32 v39, v27;
	v42 =	vor.u32 $0x1C, v37;
	v40 =	vmul.f32 v40, v35;
	_ =	sdelay $0x1  }
0x299: {  	v40 =	vsub.f32 v40, v41;
	_ =	sdelay $0x1  }
0x29a: {  	[tilespmem:s3+$0x1000] =	vst v40  }
0x29b: {  	v40 =	vld.idx.msk [tilespmem:v42+s26+$0x0], $0xffff;
	_ =	sdelay $0x5  }
0x29c: {  	v41 =	vmul.f32 v39, v28;
	v42 =	vor.u32 $0xD, v37;
	v40 =	vmul.f32 v40, v35;
	_ =	sdelay $0x1  }
0x29d: {  	v40 =	vsub.f32 v40, v41;
	_ =	sdelay $0x1  }
0x29e: {  	[tilespmem:s3+$0x1200] =	vst v40  }
0x29f: {  	v40 =	vld.idx.msk [tilespmem:v42+s26+$0x0], $0xffff;
	_ =	sdelay $0x5  }
0x2a0: {  	v41 =	vmul.f32 v39, v29;
	v42 =	vor.u32 $0x1D, v37;
	v40 =	vmul.f32 v40, v35;
	_ =	sdelay $0x1  }
0x2a1: {  	v40 =	vsub.f32 v40, v41;
	_ =	sdelay $0x1  }
0x2a2: {  	[tilespmem:s3+$0x1400] =	vst v40  }
0x2a3: {  	v40 =	vld.idx.msk [tilespmem:v42+s26+$0x0], $0xffff;
	_ =	sdelay $0x5  }
0x2a4: {  	v41 =	vmul.f32 v39, v30;
	v42 =	vor.u32 $0xE, v37;
	v40 =	vmul.f32 v40, v35;
	_ =	sdelay $0x1  }
0x2a5: {  	v40 =	vsub.f32 v40, v41;
	_ =	sdelay $0x1  }
0x2a6: {  	[tilespmem:s3+$0x1600] =	vst v40  }
0x2a7: {  	v40 =	vld.idx.msk [tilespmem:v42+s26+$0x0], $0xffff;
	_ =	sdelay $0x5  }
0x2a8: {  	v41 =	vmul.f32 v39, v31;
	v42 =	vor.u32 $0x1E, v37;
	v40 =	vmul.f32 v40, v35;
	_ =	sdelay $0x1  }
0x2a9: {  	v40 =	vsub.f32 v40, v41;
	_ =	sdelay $0x1  }
0x2aa: {  	[tilespmem:s3+$0x1800] =	vst v40  }
0x2ab: {  	v40 =	vld.idx.msk [tilespmem:v42+s26+$0x0], $0xffff;
	_ =	sdelay $0x5  }
0x2ac: {  	v39 =	vmul.f32 v39, v32;
	v41 =	vor.u32 $0xF, v37;
	v40 =	vmul.f32 v40, v35;
	_ =	sdelay $0x1  }
0x2ad: {  	v39 =	vsub.f32 v40, v39;
	_ =	sdelay $0x1  }
0x2ae: {  	[tilespmem:s3+$0x1A00] =	vst v39  }
0x2af: {  	v39 =	vld.idx.msk [tilespmem:v41+s26+$0x0], $0xffff;
	_ =	sdelay $0x5  }
0x2b0: {  	v37 =	vor.u32 $0x1F, v37;
	v39 =	vmul.f32 v39, v35;
	_ =	sdelay $0x1  }
0x2b1: {  	v38 =	vsub.f32 v39, v38;
	_ =	sdelay $0x1  }
0x2b2: {  	[tilespmem:s3+$0x1C00] =	vst v38  }
0x2b3: {  	v38 =	vld.idx.msk [tilespmem:v37+s26+$0x0], $0xffff;
	_ =	sdelay $0x1  }
.Ltmp4:
0x2b4: {  	(pc) =	sbr.rel @p0 .LBB2_10-.Ltmp4, $3  }
0x2b5: {  	_ =	sdelay $0x1  }
0x2b6: {  	v37 =	vmov s2  }
0x2b7: {  	s2 =	sadd.s32 $0x10, s2;
	v37 =	vshll.u32 v37, $0x5;
	v35 =	vmul.f32 v38, v35  }
0x2b8: {  	_ = 	snop  }
0x2b9: {  	v37 =	vor.u32 v2, v37;
	v35 =	vsub.f32 v35, v36;
	_ =	sdelay $0x1  }
0x2ba: {  	s0 =	sadd.s32 $0x10, s0;
	[tilespmem:s3+$0x1E00] =	vst v35  }
0x2bb: {  	s2 =	sadd.s32 $0x10, s31;
	v35 =	vld [tilespmem:s0+$0x0]  }
0x2bc: {  	v36 =	vld [tilespmem:s2+$0x0]  }
0x2bd: {  	v38 =	vld.idx.msk [tilespmem:v37+s26+$0x0], $0xffff;
	_ =	sdelay $0x4  }
0x2be: {  	v39 =	vor.u32 $0x10, v37;
	v3 =	vmul.f32 v36, v3;
	v38 =	vmul.f32 v38, v35;
	_ =	sdelay $0x1  }
0x2bf: {  	v3 =	vsub.f32 v38, v3  }
0x2c0: {  	s31 =	sadd.s32 $0x10, s3  }
0x2c1: {  	[tilespmem:s31+$0xFFFFE000] =	vst v3  }
0x2c2: {  	v3 =	vld.idx.msk [tilespmem:v39+s26+$0x0], $0xffff;
	_ =	sdelay $0x4  }
0x2c3: {  	v44 =	vor.u32 $0x1, v37;
	v4 =	vmul.f32 v36, v4;
	v3 =	vmul.f32 v3, v35;
	_ =	sdelay $0x1  }
0x2c4: {  	v3 =	vsub.f32 v3, v4;
	_ =	sdelay $0x1  }
0x2c5: {  	[tilespmem:s31+$0xFFFFE200] =	vst v3  }
0x2c6: {  	v3 =	vld.idx.msk [tilespmem:v44+s26+$0x0], $0xffff;
	_ =	sdelay $0x4  }
0x2c7: {  	v46 =	vor.u32 $0x11, v37;
	v45 =	vmul.f32 v36, v5;
	v3 =	vmul.f32 v3, v35;
	_ =	sdelay $0x1  }
0x2c8: {  	v3 =	vsub.f32 v3, v45;
	_ =	sdelay $0x1  }
0x2c9: {  	[tilespmem:s31+$0xFFFFE400] =	vst v3  }
0x2ca: {  	v3 =	vld.idx.msk [tilespmem:v46+s26+$0x0], $0xffff;
	_ =	sdelay $0x4  }
0x2cb: {  	v48 =	vor.u32 $0x2, v37;
	v47 =	vmul.f32 v36, v6;
	v3 =	vmul.f32 v3, v35;
	_ =	sdelay $0x1  }
0x2cc: {  	v3 =	vsub.f32 v3, v47;
	_ =	sdelay $0x1  }
0x2cd: {  	[tilespmem:s31+$0xFFFFE600] =	vst v3  }
0x2ce: {  	v3 =	vld.idx.msk [tilespmem:v48+s26+$0x0], $0xffff;
	_ =	sdelay $0x4  }
0x2cf: {  	v50 =	vor.u32 $0x12, v37;
	v49 =	vmul.f32 v36, v7;
	v3 =	vmul.f32 v3, v35;
	_ =	sdelay $0x1  }
0x2d0: {  	v3 =	vsub.f32 v3, v49;
	_ =	sdelay $0x1  }
0x2d1: {  	[tilespmem:s31+$0xFFFFE800] =	vst v3  }
0x2d2: {  	v3 =	vld.idx.msk [tilespmem:v50+s26+$0x0], $0xffff;
	_ =	sdelay $0x4  }
0x2d3: {  	v52 =	vor.u32 $0x3, v37;
	v51 =	vmul.f32 v36, v8;
	v3 =	vmul.f32 v3, v35;
	_ =	sdelay $0x1  }
0x2d4: {  	v3 =	vsub.f32 v3, v51;
	_ =	sdelay $0x1  }
0x2d5: {  	[tilespmem:s31+$0xFFFFEA00] =	vst v3  }
0x2d6: {  	v3 =	vld.idx.msk [tilespmem:v52+s26+$0x0], $0xffff;
	_ =	sdelay $0x4  }
0x2d7: {  	v54 =	vor.u32 $0x13, v37;
	v53 =	vmul.f32 v36, v9;
	v3 =	vmul.f32 v3, v35;
	_ =	sdelay $0x1  }
0x2d8: {  	v3 =	vsub.f32 v3, v53;
	_ =	sdelay $0x1  }
0x2d9: {  	[tilespmem:s31+$0xFFFFEC00] =	vst v3  }
0x2da: {  	v3 =	vld.idx.msk [tilespmem:v54+s26+$0x0], $0xffff;
	_ =	sdelay $0x4  }
0x2db: {  	v56 =	vor.u32 $0x4, v37;
	v55 =	vmul.f32 v36, v10;
	v3 =	vmul.f32 v3, v35;
	_ =	sdelay $0x1  }
0x2dc: {  	v3 =	vsub.f32 v3, v55;
	_ =	sdelay $0x1  }
0x2dd: {  	[tilespmem:s31+$0xFFFFEE00] =	vst v3  }
0x2de: {  	v3 =	vld.idx.msk [tilespmem:v56+s26+$0x0], $0xffff;
	_ =	sdelay $0x4  }
0x2df: {  	v58 =	vor.u32 $0x14, v37;
	v57 =	vmul.f32 v36, v11;
	v3 =	vmul.f32 v3, v35;
	_ =	sdelay $0x1  }
0x2e0: {  	v3 =	vsub.f32 v3, v57;
	_ =	sdelay $0x1  }
0x2e1: {  	[tilespmem:s31+$0xFFFFF000] =	vst v3  }
0x2e2: {  	v3 =	vld.idx.msk [tilespmem:v58+s26+$0x0], $0xffff;
	_ =	sdelay $0x4  }
0x2e3: {  	v60 =	vor.u32 $0x5, v37;
	v59 =	vmul.f32 v36, v12;
	v3 =	vmul.f32 v3, v35;
	_ =	sdelay $0x1  }
0x2e4: {  	v3 =	vsub.f32 v3, v59;
	_ =	sdelay $0x1  }
0x2e5: {  	[tilespmem:s31+$0xFFFFF200] =	vst v3  }
0x2e6: {  	v3 =	vld.idx.msk [tilespmem:v60+s26+$0x0], $0xffff;
	_ =	sdelay $0x4  }
0x2e7: {  	v62 =	vor.u32 $0x15, v37;
	v61 =	vmul.f32 v36, v13;
	v3 =	vmul.f32 v3, v35;
	_ =	sdelay $0x1  }
0x2e8: {  	v3 =	vsub.f32 v3, v61;
	_ =	sdelay $0x1  }
0x2e9: {  	[tilespmem:s31+$0xFFFFF400] =	vst v3  }
0x2ea: {  	v3 =	vld.idx.msk [tilespmem:v62+s26+$0x0], $0xffff;
	_ =	sdelay $0x4  }
0x2eb: {  	v63 =	vmul.f32 v36, v14;
	v8 =	vor.u32 $0x6, v37;
	v3 =	vmul.f32 v3, v35;
	_ =	sdelay $0x1  }
0x2ec: {  	v3 =	vsub.f32 v3, v63;
	_ =	sdelay $0x1  }
0x2ed: {  	[tilespmem:s31+$0xFFFFF600] =	vst v3  }
0x2ee: {  	v3 =	vld.idx.msk [tilespmem:v8+s26+$0x0], $0xffff;
	_ =	sdelay $0x4  }
0x2ef: {  	v9 =	vmul.f32 v36, v15;
	v10 =	vor.u32 $0x16, v37;
	v3 =	vmul.f32 v3, v35;
	_ =	sdelay $0x1  }
0x2f0: {  	v3 =	vsub.f32 v3, v9;
	_ =	sdelay $0x1  }
0x2f1: {  	[tilespmem:s31+$0xFFFFF800] =	vst v3  }
0x2f2: {  	v3 =	vld.idx.msk [tilespmem:v10+s26+$0x0], $0xffff;
	_ =	sdelay $0x4  }
0x2f3: {  	v11 =	vmul.f32 v36, v16;
	v12 =	vor.u32 $0x7, v37;
	v3 =	vmul.f32 v3, v35;
	_ =	sdelay $0x1  }
0x2f4: {  	v3 =	vsub.f32 v3, v11;
	_ =	sdelay $0x1  }
0x2f5: {  	[tilespmem:s31+$0xFFFFFA00] =	vst v3  }
0x2f6: {  	v3 =	vld.idx.msk [tilespmem:v12+s26+$0x0], $0xffff;
	_ =	sdelay $0x4  }
0x2f7: {  	v13 =	vmul.f32 v36, v17;
	v14 =	vor.u32 $0x17, v37;
	v3 =	vmul.f32 v3, v35;
	_ =	sdelay $0x1  }
0x2f8: {  	v3 =	vsub.f32 v3, v13;
	_ =	sdelay $0x1  }
0x2f9: {  	[tilespmem:s31+$0xFFFFFC00] =	vst v3  }
0x2fa: {  	v3 =	vld.idx.msk [tilespmem:v14+s26+$0x0], $0xffff;
	_ =	sdelay $0x4  }
0x2fb: {  	v15 =	vmul.f32 v36, v18;
	v16 =	vor.u32 $0x8, v37;
	v3 =	vmul.f32 v3, v35;
	_ =	sdelay $0x1  }
0x2fc: {  	v3 =	vsub.f32 v3, v15;
	_ =	sdelay $0x1  }
0x2fd: {  	[tilespmem:s31+$0xFFFFFE00] =	vst v3  }
0x2fe: {  	v3 =	vld.idx.msk [tilespmem:v16+s26+$0x0], $0xffff;
	_ =	sdelay $0x4  }
0x2ff: {  	v17 =	vmul.f32 v36, v19;
	v18 =	vor.u32 $0x18, v37;
	v3 =	vmul.f32 v3, v35;
	_ =	sdelay $0x1  }
0x300: {  	v3 =	vsub.f32 v3, v17;
	_ =	sdelay $0x1  }
0x301: {  	[tilespmem:s31+$0x0] =	vst v3  }
0x302: {  	v3 =	vld.idx.msk [tilespmem:v18+s26+$0x0], $0xffff;
	_ =	sdelay $0x4  }
0x303: {  	v19 =	vmul.f32 v36, v20;
	v20 =	vor.u32 $0x9, v37;
	v3 =	vmul.f32 v3, v35;
	_ =	sdelay $0x1  }
0x304: {  	v3 =	vsub.f32 v3, v19;
	_ =	sdelay $0x1  }
0x305: {  	[tilespmem:s31+$0x200] =	vst v3  }
0x306: {  	v3 =	vld.idx.msk [tilespmem:v20+s26+$0x0], $0xffff;
	_ =	sdelay $0x4  }
0x307: {  	v21 =	vmul.f32 v36, v21;
	v38 =	vor.u32 $0x19, v37;
	v3 =	vmul.f32 v3, v35;
	_ =	sdelay $0x1  }
0x308: {  	v3 =	vsub.f32 v3, v21;
	_ =	sdelay $0x1  }
0x309: {  	[tilespmem:s31+$0x400] =	vst v3  }
0x30a: {  	v3 =	vld.idx.msk [tilespmem:v38+s26+$0x0], $0xffff;
	_ =	sdelay $0x4  }
0x30b: {  	v40 =	vor.u32 $0xA, v37;
	v39 =	vmul.f32 v36, v22;
	v3 =	vmul.f32 v3, v35;
	_ =	sdelay $0x1  }
0x30c: {  	v3 =	vsub.f32 v3, v39;
	_ =	sdelay $0x1  }
0x30d: {  	[tilespmem:s31+$0x600] =	vst v3  }
0x30e: {  	v3 =	vld.idx.msk [tilespmem:v40+s26+$0x0], $0xffff;
	_ =	sdelay $0x4  }
0x30f: {  	v42 =	vor.u32 $0x1A, v37;
	v41 =	vmul.f32 v36, v23;
	v3 =	vmul.f32 v3, v35;
	_ =	sdelay $0x1  }
0x310: {  	v3 =	vsub.f32 v3, v41;
	_ =	sdelay $0x1  }
0x311: {  	[tilespmem:s31+$0x800] =	vst v3  }
0x312: {  	v3 =	vld.idx.msk [tilespmem:v42+s26+$0x0], $0xffff;
	_ =	sdelay $0x4  }
0x313: {  	v43 =	vmul.f32 v36, v24;
	v44 =	vor.u32 $0xB, v37;
	v3 =	vmul.f32 v3, v35;
	_ =	sdelay $0x1  }
0x314: {  	v3 =	vsub.f32 v3, v43;
	_ =	sdelay $0x1  }
0x315: {  	[tilespmem:s31+$0xA00] =	vst v3  }
0x316: {  	v3 =	vld.idx.msk [tilespmem:v44+s26+$0x0], $0xffff;
	_ =	sdelay $0x4  }
0x317: {  	v45 =	vmul.f32 v36, v25;
	v46 =	vor.u32 $0x1B, v37;
	v3 =	vmul.f32 v3, v35;
	_ =	sdelay $0x1  }
0x318: {  	v3 =	vsub.f32 v3, v45;
	_ =	sdelay $0x1  }
0x319: {  	[tilespmem:s31+$0xC00] =	vst v3  }
0x31a: {  	v3 =	vld.idx.msk [tilespmem:v46+s26+$0x0], $0xffff;
	_ =	sdelay $0x4  }
0x31b: {  	v47 =	vmul.f32 v36, v26;
	v48 =	vor.u32 $0xC, v37;
	v3 =	vmul.f32 v3, v35;
	_ =	sdelay $0x1  }
0x31c: {  	v3 =	vsub.f32 v3, v47;
	_ =	sdelay $0x1  }
0x31d: {  	[tilespmem:s31+$0xE00] =	vst v3  }
0x31e: {  	v3 =	vld.idx.msk [tilespmem:v48+s26+$0x0], $0xffff;
	_ =	sdelay $0x4  }
0x31f: {  	v49 =	vmul.f32 v36, v27;
	v50 =	vor.u32 $0x1C, v37;
	v3 =	vmul.f32 v3, v35;
	_ =	sdelay $0x1  }
0x320: {  	v3 =	vsub.f32 v3, v49;
	_ =	sdelay $0x1  }
0x321: {  	[tilespmem:s31+$0x1000] =	vst v3  }
0x322: {  	v3 =	vld.idx.msk [tilespmem:v50+s26+$0x0], $0xffff;
	_ =	sdelay $0x4  }
0x323: {  	v51 =	vmul.f32 v36, v28;
	v52 =	vor.u32 $0xD, v37;
	v3 =	vmul.f32 v3, v35;
	_ =	sdelay $0x1  }
0x324: {  	v3 =	vsub.f32 v3, v51;
	_ =	sdelay $0x1  }
0x325: {  	[tilespmem:s31+$0x1200] =	vst v3  }
0x326: {  	v3 =	vld.idx.msk [tilespmem:v52+s26+$0x0], $0xffff;
	_ =	sdelay $0x4  }
0x327: {  	v53 =	vmul.f32 v36, v29;
	v54 =	vor.u32 $0x1D, v37;
	v3 =	vmul.f32 v3, v35;
	_ =	sdelay $0x1  }
0x328: {  	v3 =	vsub.f32 v3, v53;
	_ =	sdelay $0x1  }
0x329: {  	[tilespmem:s31+$0x1400] =	vst v3  }
0x32a: {  	v3 =	vld.idx.msk [tilespmem:v54+s26+$0x0], $0xffff;
	_ =	sdelay $0x4  }
0x32b: {  	v55 =	vmul.f32 v36, v30;
	v56 =	vor.u32 $0xE, v37;
	v3 =	vmul.f32 v3, v35;
	_ =	sdelay $0x1  }
0x32c: {  	v3 =	vsub.f32 v3, v55;
	_ =	sdelay $0x1  }
0x32d: {  	[tilespmem:s31+$0x1600] =	vst v3  }
0x32e: {  	v3 =	vld.idx.msk [tilespmem:v56+s26+$0x0], $0xffff;
	_ =	sdelay $0x4  }
0x32f: {  	v57 =	vmul.f32 v36, v31;
	v58 =	vor.u32 $0x1E, v37;
	v3 =	vmul.f32 v3, v35;
	_ =	sdelay $0x1  }
0x330: {  	v3 =	vsub.f32 v3, v57;
	_ =	sdelay $0x1  }
0x331: {  	[tilespmem:s31+$0x1800] =	vst v3  }
0x332: {  	v3 =	vld.idx.msk [tilespmem:v58+s26+$0x0], $0xffff;
	_ =	sdelay $0x4  }
0x333: {  	v59 =	vmul.f32 v36, v32;
	v60 =	vor.u32 $0xF, v37;
	v3 =	vmul.f32 v3, v35;
	_ =	sdelay $0x1  }
0x334: {  	v3 =	vsub.f32 v3, v59;
	_ =	sdelay $0x1  }
0x335: {  	[tilespmem:s31+$0x1A00] =	vst v3  }
0x336: {  	v3 =	vld.idx.msk [tilespmem:v60+s26+$0x0], $0xffff;
	_ =	sdelay $0x4  }
0x337: {  	v61 =	vmul.f32 v36, v33;
	v62 =	vor.u32 $0x1F, v37;
	v3 =	vmul.f32 v3, v35;
	_ =	sdelay $0x1  }
0x338: {  	v3 =	vsub.f32 v3, v61;
	_ =	sdelay $0x1  }
0x339: {  	[tilespmem:s31+$0x1C00] =	vst v3  }
0x33a: {  	v3 =	vld.idx.msk [tilespmem:v62+s26+$0x0], $0xffff;
	_ =	sdelay $0x4  }
0x33b: {  	v63 =	vmul.f32 v36, v34;
	v3 =	vmul.f32 v3, v35;
	_ =	sdelay $0x1  }
0x33c: {  	v3 =	vsub.f32 v3, v63;
	_ =	sdelay $0x1  }
0x33d: {  	[tilespmem:s31+$0x1E00] =	vst v3  }
0x33e: {  	[hbm4b:s8+s11] =	stream.strided.scatter [tilespmem:s28], [sflag:$0x1], $0x4000, s12, s11, $0x38;
	[tilespmem:$0x14E20] =	vst v63  }
0x33f: {  	_ =	swait.ge [sflag:s29], $0x200  }
0x340: {  	[sflag:s29] =	ssyncset.done $0x0  }
0x341: {  	[sflag:s29] =	ssyncadd.s32 $0xFFFFFE00  }
0x342: {  	_ =	swait.ge [sflag:s29], $0x200  }
0x343: {  	[sflag:s29] =	ssyncset.done $0x0  }
0x344: {  	[sflag:s29] =	ssyncadd.s32 $0xFFFFFE00  }
0x345: {  	_ =	swait.ge [sflag:s29], $0x200  }
0x346: {  	[sflag:s29] =	ssyncset.done $0x0  }
0x347: {  	[sflag:s29] =	ssyncadd.s32 $0xFFFFFE00  }
0x348: {  	_ =	swait.ge [sflag:s29], $0x200  }
0x349: {  	[sflag:s29] =	ssyncset.done $0x0  }
0x34a: {  	[sflag:s29] =	ssyncadd.s32 $0xFFFFFE00  }
0x34b: {  	_ =	swait.ge [sflag:s29], $0x200  }
0x34c: {  	[sflag:s29] =	ssyncset.done $0x0  }
0x34d: {  	[sflag:s29] =	ssyncadd.s32 $0xFFFFFE00  }
0x34e: {  	_ =	swait.ge [sflag:s29], $0x200  }
0x34f: {  	[sflag:s29] =	ssyncset.done $0x0  }
0x350: {  	[sflag:s29] =	ssyncadd.s32 $0xFFFFFE00  }
0x351: {  	_ =	swait.ge [sflag:s29], $0x200  }
0x352: {  	[sflag:s29] =	ssyncset.done $0x0  }
0x353: {  	[sflag:s29] =	ssyncadd.s32 $0xFFFFFE00  }
0x354: {  	_ =	swait.ge [sflag:s29], $0x200  }
0x355: {  	[sflag:s29] =	ssyncset.done $0x0  }
0x356: {  	[sflag:s29] =	ssyncadd.s32 $0xFFFFFE00  }
0x357: {  	_ =	swait.ge [sflag:s29], $0x200  }
0x358: {  	[sflag:s29] =	ssyncset.done $0x0  }
0x359: {  	[sflag:s29] =	ssyncadd.s32 $0xFFFFFE00  }
0x35a: {  	_ =	swait.ge [sflag:s29], $0x200  }
0x35b: {  	[sflag:s29] =	ssyncset.done $0x0  }
0x35c: {  	[sflag:s29] =	ssyncadd.s32 $0xFFFFFE00  }
0x35d: {  	_ =	swait.ge [sflag:s29], $0x200  }
0x35e: {  	[sflag:s29] =	ssyncset.done $0x0  }
0x35f: {  	[sflag:s29] =	ssyncadd.s32 $0xFFFFFE00  }
0x360: {  	_ =	swait.ge [sflag:s29], $0x200  }
0x361: {  	[sflag:s29] =	ssyncset.done $0x0  }
0x362: {  	[sflag:s29] =	ssyncadd.s32 $0xFFFFFE00  }
0x363: {  	_ =	swait.ge [sflag:s29], $0x200  }
0x364: {  	[sflag:s29] =	ssyncset.done $0x0  }
0x365: {  	[sflag:s29] =	ssyncadd.s32 $0xFFFFFE00  }
0x366: {  	_ =	swait.ge [sflag:s29], $0x200  }
0x367: {  	[sflag:s29] =	ssyncset.done $0x0  }
0x368: {  	[sflag:s29] =	ssyncadd.s32 $0xFFFFFE00  }
0x369: {  	_ =	swait.ge [sflag:s29], $0x200  }
0x36a: {  	[sflag:s29] =	ssyncset.done $0x0  }
0x36b: {  	[sflag:s29] =	ssyncadd.s32 $0xFFFFFE00  }
0x36c: {  	_ =	swait.ge [sflag:s29], $0x200  }
0x36d: {  	[sflag:s29] =	ssyncset.done $0x0  }
0x36e: {  	[sflag:s29] =	ssyncadd.s32 $0xFFFFFE00  }
0x36f: {  	_ =	swait.ge [sflag:s29], $0x200  }
0x370: {  	[sflag:s29] =	ssyncset.done $0x0  }
0x371: {  	[sflag:s29] =	ssyncadd.s32 $0xFFFFFE00  }
0x372: {  	_ =	swait.ge [sflag:s29], $0x200  }
0x373: {  	[sflag:s29] =	ssyncset.done $0x0  }
0x374: {  	[sflag:s29] =	ssyncadd.s32 $0xFFFFFE00  }
0x375: {  	_ =	swait.ge [sflag:s29], $0x200  }
0x376: {  	[sflag:s29] =	ssyncset.done $0x0  }
0x377: {  	[sflag:s29] =	ssyncadd.s32 $0xFFFFFE00  }
0x378: {  	_ =	swait.ge [sflag:s29], $0x200  }
0x379: {  	[sflag:s29] =	ssyncset.done $0x0  }
0x37a: {  	[sflag:s29] =	ssyncadd.s32 $0xFFFFFE00  }
0x37b: {  	_ =	swait.ge [sflag:s29], $0x200  }
0x37c: {  	[sflag:s29] =	ssyncset.done $0x0  }
0x37d: {  	[sflag:s29] =	ssyncadd.s32 $0xFFFFFE00  }
0x37e: {  	_ =	swait.ge [sflag:s29], $0x200  }
0x37f: {  	[sflag:s29] =	ssyncset.done $0x0  }
0x380: {  	[sflag:s29] =	ssyncadd.s32 $0xFFFFFE00  }
0x381: {  	_ =	swait.ge [sflag:s29], $0x200  }
0x382: {  	[sflag:s29] =	ssyncset.done $0x0  }
0x383: {  	[sflag:s29] =	ssyncadd.s32 $0xFFFFFE00  }
0x384: {  	_ =	swait.ge [sflag:s29], $0x200  }
0x385: {  	[sflag:s29] =	ssyncset.done $0x0  }
0x386: {  	[sflag:s29] =	ssyncadd.s32 $0xFFFFFE00  }
0x387: {  	_ =	swait.ge [sflag:s29], $0x200  }
0x388: {  	[sflag:s29] =	ssyncset.done $0x0  }
0x389: {  	[sflag:s29] =	ssyncadd.s32 $0xFFFFFE00  }
0x38a: {  	_ =	swait.ge [sflag:s29], $0x200  }
0x38b: {  	[sflag:s29] =	ssyncset.done $0x0  }
0x38c: {  	[sflag:s29] =	ssyncadd.s32 $0xFFFFFE00  }
0x38d: {  	_ =	swait.ge [sflag:s29], $0x200  }
0x38e: {  	[sflag:s29] =	ssyncset.done $0x0  }
0x38f: {  	[sflag:s29] =	ssyncadd.s32 $0xFFFFFE00  }
0x390: {  	_ =	swait.ge [sflag:s29], $0x200  }
0x391: {  	[sflag:s29] =	ssyncset.done $0x0  }
0x392: {  	[sflag:s29] =	ssyncadd.s32 $0xFFFFFE00  }
0x393: {  	_ =	swait.ge [sflag:s29], $0x200  }
0x394: {  	[sflag:s29] =	ssyncset.done $0x0  }
0x395: {  	[sflag:s29] =	ssyncadd.s32 $0xFFFFFE00  }
0x396: {  	_ =	swait.ge [sflag:s29], $0x200  }
0x397: {  	[sflag:s29] =	ssyncset.done $0x0  }
0x398: {  	[sflag:s29] =	ssyncadd.s32 $0xFFFFFE00  }
0x399: {  	_ =	swait.ge [sflag:s29], $0x200  }
0x39a: {  	[sflag:s29] =	ssyncset.done $0x0  }
0x39b: {  	[sflag:s29] =	ssyncadd.s32 $0xFFFFFE00  }
0x39c: {  	_ =	swait.ge [sflag:s29], $0x200  }
0x39d: {  	[sflag:s29] =	ssyncset.done $0x0  }
0x39e: {  	s30 =	sadd.s32 $0x1, s30;
	[sflag:s29] =	ssyncadd.s32 $0xFFFFFE00  }
0x39f: {  	[hbm4b:s9+s11] =	stream.strided.scatter [tilespmem:s17], [sflag:$0x1], $0x4000, s12, s11, $0x38;
	[tilespmem:$0x14E20] =	vst v63  }
0x3a0: {  	p0 =	sne.s32 s30, s10;
	_ =	swait.ge [sflag:s15], $0x4000  }
.Ltmp5:
0x3a1: {  	[sflag:s15] =	ssyncset.done $0x0;
	(pc) =	sbr.rel @p0 .LBB2_1-.Ltmp5, $4  }
0x3a2: {  	[sflag:s15] =	ssyncadd.s32 $0xFFFFC000  }
0x3a3: {  	_ =	swait.ge [sflag:s15], $0x4000  }
0x3a4: {  	[sflag:s15] =	ssyncset.done $0x0  }
0x3a5: {  	[sflag:s15] =	ssyncadd.s32 $0xFFFFC000  }
0x3a6: {  	_ =	sfence.sel $0x180000  }
0x3a7: {  	[bflag:$0x0] =	sbarrier.arrive $0xFFFF  }
0x3a8: {  	_ =	strace $0x90000047  }
0x3a9: {  	s0 =	stileid.u32;
	[bflag:$0x2] =	sbarrier.arrive $0xFFFF  }
0x3aa: {  	p0 =	sne.s32 s0, $0x0;
	s0 =	rddreg [dreg:$0x5]  }
0x3ab: {  	s0 =	sadd.s32 @!p0 $0x100000, s0  }
0x3ac: {  	[sflag:s0] =	ssyncadd.tile.s32 @!p0 $0x1;
	_ =	shalt  }
.Lfunc_end2:
_tile_overlayer_lowered:
.L_overlay_start_2:
0x3ad: {  	(tag) =	ssettag $0x2  }
0x3ae: {  	s0 =	rddreg [dreg:$0x0];
	s2 =	stileid.u32  }
0x3af: {  	s1 =	rddreg [dreg:$0x1];
	p0 =	sne.s32 s2, $0x0  }
0x3b0: {  	s3 =	rddreg [dreg:$0x2];
	[bflag:$0x3] =	sbarrier.arrive $0xFFFF;
	s2 =	simm.s32 @!p0 $0x1C04  }
0x3b1: {  	[timem:s3], [sflag:s2] =	dma.local @!p0 [hbm:s0], s1  }
0x3b2: {  	s0 =	simm.s32 @!p0 $0x4  }
0x3b3: {  	_ =	swait.ge @!p0 [sflag:s0], s1  }
0x3b4: {  	s1 =	ssub.s32 @!p0 $0x0, s1;
	[sflag:s0] =	ssyncset.done @!p0 $0x0  }
0x3b5: {  	[sflag:s0] =	ssyncadd.s32 @!p0 s1  }
0x3b6: {  	[bflag:$0x3] =	sbarrier.arrive $0xFFFF  }
0x3b7: {  	_ =	shalt  }

</sc_bundles>
